<compile_context>
chip_gen: v7x
topology: tpu7x:2x2x1
jax: 0.10.2.dev20260603
libtpu: 0.0.44.dev20260713+nightly
codegen_flags: <defaults>
</compile_context>

<pallas_src>
import functools

import jax
import jax.numpy as jnp
from jax import lax
from jax.experimental import pallas as pl
from jax.experimental.pallas import tpu as pltpu
from jax.experimental.pallas import tpu_sc as plsc

_N = 10000
_E = 320000
_D = 128
_NC = 2
_NS = 16
_NW = _NC * _NS
_C = 128
_K = 80
_G = 8
_EW = _K * _C
_EPAD = _NW * _EW
_NPAD = 10112
_RPT = _NPAD // _NS

_MESH = dict(core_axis_name="c", subcore_axis_name="s")
_MBLK = 2000


def _sc_degree(idx_hbm_arr):

    @functools.partial(
        pl.kernel,
        out_type=jax.ShapeDtypeStruct((_NC, _NPAD, 16), jnp.float32),
        mesh=plsc.VectorSubcoreMesh(**_MESH),
        scratch_types=[
            pltpu.VMEM_SHARED((_NPAD, 16), jnp.float32),
            pltpu.VMEM((2, _G, _C), jnp.int32),
            pltpu.VMEM((_C, 16), jnp.float32),
            pltpu.VMEM((128, 16), jnp.float32),
            [pltpu.SemaphoreType.DMA for _ in range(2)],
        ],
    )
    def run(idx_hbm, out_hbm, deg_sh, idx8, ones_v, zeros_v, sem):
        cid = lax.axis_index("c")
        sid = lax.axis_index("s")
        wid = cid * _NS + sid

        @pl.loop(0, _C)
        def _(i):
            ones_v[i, pl.ds(0, 16)] = jnp.ones((16,), jnp.float32)

        @pl.loop(0, 128)
        def _(i):
            zeros_v[i, pl.ds(0, 16)] = jnp.zeros((16,), jnp.float32)

        zb = sid * _RPT
        for zo in range(0, 512, 128):
            pltpu.sync_copy(zeros_v, deg_sh.at[pl.ds(zb + zo, 128)])
        pltpu.sync_copy(zeros_v.at[pl.ds(0, 120)],
                        deg_sh.at[pl.ds(zb + 512, 120)])
        plsc.subcore_barrier()

        @pl.loop(0, _K // _G)
        def _(j):
            pltpu.sync_copy(idx_hbm.at[wid, j], idx8)
            for b in range(_G):
                pltpu.sync_copy(ones_v, deg_sh.at[idx8.at[1, b]], add=True)

        plsc.subcore_barrier()
        pltpu.sync_copy(deg_sh.at[pl.ds(zb, _RPT)],
                        out_hbm.at[cid, pl.ds(zb, _RPT)])

    return run(idx_hbm_arr)


def _sc_aggregate(hp, idx_hbm_arr):

    @functools.partial(
        pl.kernel,
        out_type=jax.ShapeDtypeStruct((_NC, _NPAD, _D), jnp.float32),
        mesh=plsc.VectorSubcoreMesh(**_MESH),
        scratch_types=[
            pltpu.VMEM_SHARED((_NPAD, _D), jnp.float32),
            pltpu.VMEM((2, _G, _C), jnp.int32),
            pltpu.VMEM((_C, _D), jnp.float32),
        ],
    )
    def run(hp_hbm, idx_hbm, out_hbm, acc_sh, idx8, rows):
        cid = lax.axis_index("c")
        sid = lax.axis_index("s")
        wid = cid * _NS + sid

        @pl.loop(0, _C)
        def _(i):
            @pl.loop(0, _D, step=16)
            def _(j):
                rows[i, pl.ds(j, 16)] = jnp.zeros((16,), jnp.float32)

        zb = sid * _RPT
        for zo in range(0, 512, _C):
            pltpu.sync_copy(rows, acc_sh.at[pl.ds(zb + zo, _C)])
        pltpu.sync_copy(rows.at[pl.ds(0, 120)],
                        acc_sh.at[pl.ds(zb + 512, 120)])
        plsc.subcore_barrier()

        @pl.loop(0, _K // _G)
        def _(j):
            pltpu.sync_copy(idx_hbm.at[wid, j], idx8)
            for b in range(_G):
                pltpu.sync_copy(hp_hbm.at[idx8.at[0, b]], rows)
                pltpu.sync_copy(rows, acc_sh.at[idx8.at[1, b]], add=True)

        plsc.subcore_barrier()
        pltpu.sync_copy(acc_sh.at[pl.ds(zb, _RPT)],
                        out_hbm.at[cid, pl.ds(zb, _RPT)])

    return run(hp, idx_hbm_arr)


def _dinv_from(deg_ref):
    d = deg_ref[...]
    return lax.rsqrt(d[0, :, 0] + d[1, :, 0] + 1.0)


def _tc1_body(deg_ref, x_ref, w_ref, out_ref):
    dinv = _dinv_from(deg_ref)
    h = jnp.dot(x_ref[...], w_ref[...], preferred_element_type=jnp.float32)
    out_ref[...] = h * dinv[:, None]


def _tc2_body(deg_ref, p_ref, hp_ref, b_ref, w_ref, out_ref):
    dinv = _dinv_from(deg_ref)
    p = p_ref[...]
    s = p[0] + p[1] + hp_ref[...]
    t = jnp.maximum(s * dinv[:, None] + b_ref[...], 0.0)
    h = jnp.dot(t, w_ref[...], preferred_element_type=jnp.float32)
    out_ref[...] = h * dinv[:, None]


def _tc3_body(deg_ref, p_ref, hp_ref, b_ref, w_ref, bfc_ref, out_ref):
    dinv = _dinv_from(deg_ref)
    p = p_ref[...]
    s = p[0] + p[1] + hp_ref[...]
    t = jnp.maximum(s * dinv[:, None] + b_ref[...], 0.0)
    logits = jnp.dot(t, w_ref[...], preferred_element_type=jnp.float32) + bfc_ref[...]
    m = jnp.max(logits, axis=1, keepdims=True)
    lse = jnp.log(jnp.sum(jnp.exp(logits - m), axis=1, keepdims=True)) + m
    out_ref[...] = logits - lse


_DEG_SPEC = pl.BlockSpec((_NC, _MBLK, 16), lambda i: (0, i, 0))
_ROW_SPEC = pl.BlockSpec((_MBLK, _D), lambda i: (i, 0))
_P_SPEC = pl.BlockSpec((_NC, _MBLK, _D), lambda i: (0, i, 0))
_W_SPEC = pl.BlockSpec((_D, _D), lambda i: (0, 0))
_B_SPEC = pl.BlockSpec((1, _D), lambda i: (0, 0))
_GRID = (_N // _MBLK,)
_OUT = jax.ShapeDtypeStruct((_N, _D), jnp.float32)


def _tc1(deg_p, x, w1):
    return pl.pallas_call(
        _tc1_body, grid=_GRID,
        in_specs=[_DEG_SPEC, _ROW_SPEC, _W_SPEC],
        out_specs=_ROW_SPEC, out_shape=_OUT,
    )(deg_p, x, w1)


def _tc2(deg_p, p1, hp, b, w):
    return pl.pallas_call(
        _tc2_body, grid=_GRID,
        in_specs=[_DEG_SPEC, _P_SPEC, _ROW_SPEC, _B_SPEC, _W_SPEC],
        out_specs=_ROW_SPEC, out_shape=_OUT,
    )(deg_p, p1, hp, b, w)


def _tc3(deg_p, p2, hp, b, w, bfc):
    return pl.pallas_call(
        _tc3_body, grid=_GRID,
        in_specs=[_DEG_SPEC, _P_SPEC, _ROW_SPEC, _B_SPEC, _W_SPEC, _B_SPEC],
        out_specs=_ROW_SPEC, out_shape=_OUT,
    )(deg_p, p2, hp, b, w, bfc)


def kernel(x, edge_index, W1, b1, W2, b2, Wfc, bfc):
    ppw = (_EPAD - _E) // _NW
    rpw = _E // _NW
    pad_src = jnp.zeros((_NW, ppw), jnp.int32)
    pad_dst = jnp.broadcast_to(
        _N + (jnp.arange(ppw, dtype=jnp.int32) % (_NPAD - _N)), (_NW, ppw))
    src_r = jnp.concatenate(
        [edge_index[0].reshape(_NW, rpw), pad_src], axis=1).reshape(
            _NW, _K // _G, _G, _C)
    dst_r = jnp.concatenate(
        [edge_index[1].reshape(_NW, rpw), pad_dst], axis=1).reshape(
            _NW, _K // _G, _G, _C)
    idx_packed = jnp.stack([src_r, dst_r], axis=2)
    b1r = b1.reshape(1, _D)
    b2r = b2.reshape(1, _D)
    bfcr = bfc.reshape(1, _D)

    deg_p = _sc_degree(idx_packed)
    h1p = _tc1(deg_p, x, W1)
    p1 = _sc_aggregate(h1p, idx_packed)
    h2p = _tc2(deg_p, p1, h1p, b1r, W2)
    p2 = _sc_aggregate(h2p, idx_packed)
    return _tc3(deg_p, p2, h2p, b2r, Wfc, bfcr)

# --- scband reference (transcript-rebuilt; emitter-appended) ---
"""Pipeline reference for scband-gcnbasic-model-45200235823717 (READ-ONLY COPY).

The authoritative reference and input builder live on the scoring server;
editing this copy changes nothing except your own understanding.
"""

import jax, jax.numpy as jnp
import numpy as np

N = 10000
E = 320000
D_IN = 128
D_H1 = 128
D_H2 = 128
D_OUT = 128


def setup_inputs(seed: int = 0) -> dict:
    key = jax.random.key(seed)
    ks = jax.random.split(key, 9)
    x = jax.random.normal(ks[0], (N, D_IN), dtype=jnp.float32)
    edge_index = jax.random.randint(ks[1], (2, E), 0, N, dtype=jnp.int32)
    W1 = jax.random.normal(ks[2], (D_IN, D_H1), dtype=jnp.float32) * 0.05
    b1 = jnp.zeros((D_H1,), dtype=jnp.float32)
    W2 = jax.random.normal(ks[3], (D_H1, D_H2), dtype=jnp.float32) * 0.05
    b2 = jnp.zeros((D_H2,), dtype=jnp.float32)
    Wfc = jax.random.normal(ks[4], (D_H2, D_OUT), dtype=jnp.float32) * 0.05
    bfc = jnp.zeros((D_OUT,), dtype=jnp.float32)
    return {"x": x, "edge_index": edge_index, "W1": W1, "b1": b1,
            "W2": W2, "b2": b2, "Wfc": Wfc, "bfc": bfc}


def _gcn_conv(x, edge_index, W, b):
    # Faithful PyG GCNConv: add self-loops, symmetric normalization,
    # linear transform, scatter-add aggregation at dst, then bias.
    src = edge_index[0]
    dst = edge_index[1]
    loop = jnp.arange(N, dtype=src.dtype)
    src = jnp.concatenate([src, loop])
    dst = jnp.concatenate([dst, loop])
    deg = jnp.zeros((N,), dtype=jnp.float32).at[dst].add(1.0)
    deg_inv_sqrt = jnp.where(deg > 0, jax.lax.rsqrt(jnp.maximum(deg, 1e-12)), 0.0)
    norm = deg_inv_sqrt[src] * deg_inv_sqrt[dst]
    h = x @ W
    msg = h[src] * norm[:, None]
    out = jnp.zeros((N, W.shape[1]), dtype=jnp.float32).at[dst].add(msg)
    return out + b


def reference(x, edge_index, W1, b1, W2, b2, Wfc, bfc):
    h = jax.nn.relu(_gcn_conv(x, edge_index, W1, b1))
    h = jax.nn.relu(_gcn_conv(h, edge_index, W2, b2))
    logits = h @ Wfc + bfc
    return jax.nn.log_softmax(logits, axis=1)

if __name__ == "__main__":
    import jax
    _d = setup_inputs()
    print(jax.jit(kernel)(*tuple(_d.values())))

</pallas_src>

<mosaic_0001>
#map = affine_map<(d0, d1) -> (0, 0, 0, 0, 0)>
#map1 = affine_map<(d0, d1) -> (0, 0, 0)>
module attributes {stable_mosaic.version = 14 : i64} {
  func.func @run(%arg0: i32, %arg1: i32, %arg2: memref<32x10x2x8x128xi32, #tpu.memory_space<hbm>>, %arg3: memref<2x10112x16xf32, #tpu.memory_space<hbm>>, %arg4: memref<10112x16xf32, #tpu.memory_space<vmem_shared>>, %arg5: memref<2x8x128xi32, #tpu.memory_space<vmem>>, %arg6: memref<128x16xf32, #tpu.memory_space<vmem>>, %arg7: memref<128x16xf32, #tpu.memory_space<vmem>>, %arg8: memref<!tpu.dma_semaphore, #tpu.memory_space<semaphore_mem>>, %arg9: memref<!tpu.dma_semaphore, #tpu.memory_space<semaphore_mem>>) attributes {dimension_semantics = [#tpu.dimension_semantics<core_parallel>, #tpu.dimension_semantics<subcore_parallel>], iteration_bounds = array<i64: 2, 16>, scalar_prefetch = 0 : i64, scratch_operands = 6 : i64, tpu.core_type = #tpu.core_type<sc_vector_subcore>, window_params = [{transform_indices = #map}, {transform_indices = #map1}]} {
    %mul3A = arith.constant 16 : i32
    %mul3A_0 = arith.muli %arg0, %mul3A : i32
    %add3A = arith.addi %mul3A_0, %arg1 : i32
    %scan3A = arith.constant 0 : i32
    %scan3A_1 = arith.constant 128 : i32
    %scan3A_2 = arith.addi %scan3A, %scan3A_1 : i32
    %scan3A_3 = arith.constant 1 : i32
    scf.for %scan3A_28 = %scan3A to %scan3A_2 step %scan3A_3  : i32 {
      %mul3A_29 = arith.constant 1 : i32
      %mul3A_30 = arith.muli %scan3A_28, %mul3A_29 : i32
      %add3A_31 = arith.constant 0 : i32
      %add3A_32 = arith.addi %add3A_31, %mul3A_30 : i32
      %broadcast_in_dim3A = arith.constant 1.000000e+00 : f32
      %broadcast_in_dim3A_33 = vector.broadcast %broadcast_in_dim3A : f32 to vector<16xf32>
      %swap3A = arith.index_cast %add3A_32 : i32 to index
      %swap3A_34 = arith.constant 0 : index
      %swap3A_35 = tpu.vector_load %arg6[%swap3A, %swap3A_34] {strides = array<i32>} : memref<128x16xf32, #tpu.memory_space<vmem>>, vector<1x16xf32>,
      %swap3A_36 = vector.shape_cast %swap3A_35 : vector<1x16xf32> to vector<16xf32>
      %swap3A_37 = vector.shape_cast %broadcast_in_dim3A_33 : vector<16xf32> to vector<1x16xf32>
      tpu.vector_store %arg6[%swap3A, %swap3A_34], %swap3A_37 {strides = array<i32>} : memref<128x16xf32, #tpu.memory_space<vmem>>, vector<1x16xf32>,
    }
    %scan3A_4 = arith.constant 128 : i32
    %scan3A_5 = arith.constant 0 : i32
    %scan3A_6 = arith.constant 128 : i32
    %scan3A_7 = arith.addi %scan3A_5, %scan3A_6 : i32
    %scan3A_8 = arith.constant 1 : i32
    scf.for %scan3A_28 = %scan3A_5 to %scan3A_7 step %scan3A_8  : i32 {
      %mul3A_29 = arith.constant 1 : i32
      %mul3A_30 = arith.muli %scan3A_28, %mul3A_29 : i32
      %add3A_31 = arith.constant 0 : i32
      %add3A_32 = arith.addi %add3A_31, %mul3A_30 : i32
      %broadcast_in_dim3A = arith.constant 0.000000e+00 : f32
      %broadcast_in_dim3A_33 = vector.broadcast %broadcast_in_dim3A : f32 to vector<16xf32>
      %swap3A = arith.index_cast %add3A_32 : i32 to index
      %swap3A_34 = arith.constant 0 : index
      %swap3A_35 = tpu.vector_load %arg7[%swap3A, %swap3A_34] {strides = array<i32>} : memref<128x16xf32, #tpu.memory_space<vmem>>, vector<1x16xf32>,
      %swap3A_36 = vector.shape_cast %swap3A_35 : vector<1x16xf32> to vector<16xf32>
      %swap3A_37 = vector.shape_cast %broadcast_in_dim3A_33 : vector<16xf32> to vector<1x16xf32>
      tpu.vector_store %arg7[%swap3A, %swap3A_34], %swap3A_37 {strides = array<i32>} : memref<128x16xf32, #tpu.memory_space<vmem>>, vector<1x16xf32>,
    }
    %scan3A_9 = arith.constant 128 : i32
    %mul3A_10 = arith.constant 632 : i32
    %mul3A_11 = arith.muli %arg1, %mul3A_10 : i32
    %add3A_12 = arith.constant 0 : i32
    %add3A_13 = arith.addi %mul3A_11, %add3A_12 : i32
    "tpu.region"() ({
      %run_scoped3A = tpu.sem_alloc : memref<!tpu.dma_semaphore, #tpu.memory_space<semaphore_mem>>
      %dma_start3A = arith.constant 0 : i32
      %dma_start3A_28 = tpu.memref_slice %arg4[%add3A_13, %dma_start3A] : memref<10112x16xf32, #tpu.memory_space<vmem_shared>> -> memref<128x16xf32, #tpu.memory_space<vmem_shared>>
      %dma_start3A_29 = arith.constant 0 : i32
      %dma_start3A_30 = tpu.memref_slice %arg4[%add3A_13, %dma_start3A_29] : memref<10112x16xf32, #tpu.memory_space<vmem_shared>> -> memref<128x16xf32, #tpu.memory_space<vmem_shared>>
      tpu.enqueue_dma source(%arg7 : memref<128x16xf32, #tpu.memory_space<vmem>>) target(%dma_start3A_30 : memref<128x16xf32, #tpu.memory_space<vmem_shared>>) target_semaphore(%run_scoped3A : memref<!tpu.dma_semaphore, #tpu.memory_space<semaphore_mem>>)
      %dma_wait3A = arith.constant 0 : i32
      %dma_wait3A_31 = tpu.memref_slice %arg4[%add3A_13, %dma_wait3A] : memref<10112x16xf32, #tpu.memory_space<vmem_shared>> -> memref<128x16xf32, #tpu.memory_space<vmem_shared>>
      %dma_wait3A_32 = arith.constant 0 : i32
      %dma_wait3A_33 = tpu.memref_slice %arg4[%add3A_13, %dma_wait3A_32] : memref<10112x16xf32, #tpu.memory_space<vmem_shared>> -> memref<128x16xf32, #tpu.memory_space<vmem_shared>>
      tpu.wait_dma2 semaphore(%run_scoped3A : memref<!tpu.dma_semaphore, #tpu.memory_space<semaphore_mem>>) src(%arg7 : memref<128x16xf32, #tpu.memory_space<vmem>>) dst(%dma_wait3A_33 : memref<128x16xf32, #tpu.memory_space<vmem_shared>>)
      tpu.yield
    }) : () -> ()
    %add3A_14 = arith.constant 128 : i32
    %add3A_15 = arith.addi %mul3A_11, %add3A_14 : i32
    "tpu.region"() ({
      %run_scoped3A = tpu.sem_alloc : memref<!tpu.dma_semaphore, #tpu.memory_space<semaphore_mem>>
      %dma_start3A = arith.constant 0 : i32
      %dma_start3A_28 = tpu.memref_slice %arg4[%add3A_15, %dma_start3A] : memref<10112x16xf32, #tpu.memory_space<vmem_shared>> -> memref<128x16xf32, #tpu.memory_space<vmem_shared>>
      %dma_start3A_29 = arith.constant 0 : i32
      %dma_start3A_30 = tpu.memref_slice %arg4[%add3A_15, %dma_start3A_29] : memref<10112x16xf32, #tpu.memory_space<vmem_shared>> -> memref<128x16xf32, #tpu.memory_space<vmem_shared>>
      tpu.enqueue_dma source(%arg7 : memref<128x16xf32, #tpu.memory_space<vmem>>) target(%dma_start3A_30 : memref<128x16xf32, #tpu.memory_space<vmem_shared>>) target_semaphore(%run_scoped3A : memref<!tpu.dma_semaphore, #tpu.memory_space<semaphore_mem>>)
      %dma_wait3A = arith.constant 0 : i32
      %dma_wait3A_31 = tpu.memref_slice %arg4[%add3A_15, %dma_wait3A] : memref<10112x16xf32, #tpu.memory_space<vmem_shared>> -> memref<128x16xf32, #tpu.memory_space<vmem_shared>>
      %dma_wait3A_32 = arith.constant 0 : i32
      %dma_wait3A_33 = tpu.memref_slice %arg4[%add3A_15, %dma_wait3A_32] : memref<10112x16xf32, #tpu.memory_space<vmem_shared>> -> memref<128x16xf32, #tpu.memory_space<vmem_shared>>
      tpu.wait_dma2 semaphore(%run_scoped3A : memref<!tpu.dma_semaphore, #tpu.memory_space<semaphore_mem>>) src(%arg7 : memref<128x16xf32, #tpu.memory_space<vmem>>) dst(%dma_wait3A_33 : memref<128x16xf32, #tpu.memory_space<vmem_shared>>)
      tpu.yield
    }) : () -> ()
    %add3A_16 = arith.constant 256 : i32
    %add3A_17 = arith.addi %mul3A_11, %add3A_16 : i32
    "tpu.region"() ({
      %run_scoped3A = tpu.sem_alloc : memref<!tpu.dma_semaphore, #tpu.memory_space<semaphore_mem>>
      %dma_start3A = arith.constant 0 : i32
      %dma_start3A_28 = tpu.memref_slice %arg4[%add3A_17, %dma_start3A] : memref<10112x16xf32, #tpu.memory_space<vmem_shared>> -> memref<128x16xf32, #tpu.memory_space<vmem_shared>>
      %dma_start3A_29 = arith.constant 0 : i32
      %dma_start3A_30 = tpu.memref_slice %arg4[%add3A_17, %dma_start3A_29] : memref<10112x16xf32, #tpu.memory_space<vmem_shared>> -> memref<128x16xf32, #tpu.memory_space<vmem_shared>>
      tpu.enqueue_dma source(%arg7 : memref<128x16xf32, #tpu.memory_space<vmem>>) target(%dma_start3A_30 : memref<128x16xf32, #tpu.memory_space<vmem_shared>>) target_semaphore(%run_scoped3A : memref<!tpu.dma_semaphore, #tpu.memory_space<semaphore_mem>>)
      %dma_wait3A = arith.constant 0 : i32
      %dma_wait3A_31 = tpu.memref_slice %arg4[%add3A_17, %dma_wait3A] : memref<10112x16xf32, #tpu.memory_space<vmem_shared>> -> memref<128x16xf32, #tpu.memory_space<vmem_shared>>
      %dma_wait3A_32 = arith.constant 0 : i32
      %dma_wait3A_33 = tpu.memref_slice %arg4[%add3A_17, %dma_wait3A_32] : memref<10112x16xf32, #tpu.memory_space<vmem_shared>> -> memref<128x16xf32, #tpu.memory_space<vmem_shared>>
      tpu.wait_dma2 semaphore(%run_scoped3A : memref<!tpu.dma_semaphore, #tpu.memory_space<semaphore_mem>>) src(%arg7 : memref<128x16xf32, #tpu.memory_space<vmem>>) dst(%dma_wait3A_33 : memref<128x16xf32, #tpu.memory_space<vmem_shared>>)
      tpu.yield
    }) : () -> ()
    %add3A_18 = arith.constant 384 : i32
    %add3A_19 = arith.addi %mul3A_11, %add3A_18 : i32
    "tpu.region"() ({
      %run_scoped3A = tpu.sem_alloc : memref<!tpu.dma_semaphore, #tpu.memory_space<semaphore_mem>>
      %dma_start3A = arith.constant 0 : i32
      %dma_start3A_28 = tpu.memref_slice %arg4[%add3A_19, %dma_start3A] : memref<10112x16xf32, #tpu.memory_space<vmem_shared>> -> memref<128x16xf32, #tpu.memory_space<vmem_shared>>
      %dma_start3A_29 = arith.constant 0 : i32
      %dma_start3A_30 = tpu.memref_slice %arg4[%add3A_19, %dma_start3A_29] : memref<10112x16xf32, #tpu.memory_space<vmem_shared>> -> memref<128x16xf32, #tpu.memory_space<vmem_shared>>
      tpu.enqueue_dma source(%arg7 : memref<128x16xf32, #tpu.memory_space<vmem>>) target(%dma_start3A_30 : memref<128x16xf32, #tpu.memory_space<vmem_shared>>) target_semaphore(%run_scoped3A : memref<!tpu.dma_semaphore, #tpu.memory_space<semaphore_mem>>)
      %dma_wait3A = arith.constant 0 : i32
      %dma_wait3A_31 = tpu.memref_slice %arg4[%add3A_19, %dma_wait3A] : memref<10112x16xf32, #tpu.memory_space<vmem_shared>> -> memref<128x16xf32, #tpu.memory_space<vmem_shared>>
      %dma_wait3A_32 = arith.constant 0 : i32
      %dma_wait3A_33 = tpu.memref_slice %arg4[%add3A_19, %dma_wait3A_32] : memref<10112x16xf32, #tpu.memory_space<vmem_shared>> -> memref<128x16xf32, #tpu.memory_space<vmem_shared>>
      tpu.wait_dma2 semaphore(%run_scoped3A : memref<!tpu.dma_semaphore, #tpu.memory_space<semaphore_mem>>) src(%arg7 : memref<128x16xf32, #tpu.memory_space<vmem>>) dst(%dma_wait3A_33 : memref<128x16xf32, #tpu.memory_space<vmem_shared>>)
      tpu.yield
    }) : () -> ()
    %add3A_20 = arith.constant 512 : i32
    %add3A_21 = arith.addi %mul3A_11, %add3A_20 : i32
    "tpu.region"() ({
      %run_scoped3A = tpu.sem_alloc : memref<!tpu.dma_semaphore, #tpu.memory_space<semaphore_mem>>
      %dma_start3A = arith.constant 0 : i32
      %dma_start3A_28 = arith.constant 0 : i32
      %dma_start3A_29 = tpu.memref_slice %arg7[%dma_start3A, %dma_start3A_28] : memref<128x16xf32, #tpu.memory_space<vmem>> -> memref<120x16xf32, #tpu.memory_space<vmem>>
      %dma_start3A_30 = arith.constant 0 : i32
      %dma_start3A_31 = tpu.memref_slice %arg4[%add3A_21, %dma_start3A_30] : memref<10112x16xf32, #tpu.memory_space<vmem_shared>> -> memref<120x16xf32, #tpu.memory_space<vmem_shared>>
      %dma_start3A_32 = arith.constant 0 : i32
      %dma_start3A_33 = tpu.memref_slice %arg4[%add3A_21, %dma_start3A_32] : memref<10112x16xf32, #tpu.memory_space<vmem_shared>> -> memref<120x16xf32, #tpu.memory_space<vmem_shared>>
      %dma_start3A_34 = arith.constant 0 : i32
      %dma_start3A_35 = arith.constant 0 : i32
      %dma_start3A_36 = tpu.memref_slice %arg7[%dma_start3A_34, %dma_start3A_35] : memref<128x16xf32, #tpu.memory_space<vmem>> -> memref<120x16xf32, #tpu.memory_space<vmem>>
      tpu.enqueue_dma source(%dma_start3A_36 : memref<120x16xf32, #tpu.memory_space<vmem>>) target(%dma_start3A_33 : memref<120x16xf32, #tpu.memory_space<vmem_shared>>) target_semaphore(%run_scoped3A : memref<!tpu.dma_semaphore, #tpu.memory_space<semaphore_mem>>)
      %dma_wait3A = arith.constant 0 : i32
      %dma_wait3A_37 = arith.constant 0 : i32
      %dma_wait3A_38 = tpu.memref_slice %arg7[%dma_wait3A, %dma_wait3A_37] : memref<128x16xf32, #tpu.memory_space<vmem>> -> memref<120x16xf32, #tpu.memory_space<vmem>>
      %dma_wait3A_39 = arith.constant 0 : i32
      %dma_wait3A_40 = tpu.memref_slice %arg4[%add3A_21, %dma_wait3A_39] : memref<10112x16xf32, #tpu.memory_space<vmem_shared>> -> memref<120x16xf32, #tpu.memory_space<vmem_shared>>
      %dma_wait3A_41 = arith.constant 0 : i32
      %dma_wait3A_42 = tpu.memref_slice %arg4[%add3A_21, %dma_wait3A_41] : memref<10112x16xf32, #tpu.memory_space<vmem_shared>> -> memref<120x16xf32, #tpu.memory_space<vmem_shared>>
      %dma_wait3A_43 = arith.constant 0 : i32
      %dma_wait3A_44 = arith.constant 0 : i32
      %dma_wait3A_45 = tpu.memref_slice %arg7[%dma_wait3A_43, %dma_wait3A_44] : memref<128x16xf32, #tpu.memory_space<vmem>> -> memref<120x16xf32, #tpu.memory_space<vmem>>
      tpu.wait_dma2 semaphore(%run_scoped3A : memref<!tpu.dma_semaphore, #tpu.memory_space<semaphore_mem>>) src(%dma_wait3A_45 : memref<120x16xf32, #tpu.memory_space<vmem>>) dst(%dma_wait3A_42 : memref<120x16xf32, #tpu.memory_space<vmem_shared>>)
      tpu.yield
    }) : () -> ()
    %barrier3A = arith.constant 0 : index
    tpu.barrier barrier_id(%barrier3A)
    %scan3A_22 = arith.constant 0 : i32
    %scan3A_23 = arith.constant 10 : i32
    %scan3A_24 = arith.addi %scan3A_22, %scan3A_23 : i32
    %scan3A_25 = arith.constant 1 : i32
    scf.for %scan3A_28 = %scan3A_22 to %scan3A_24 step %scan3A_25  : i32 {
      %mul3A_29 = arith.constant 1 : i32
      %mul3A_30 = arith.muli %scan3A_28, %mul3A_29 : i32
      %add3A_31 = arith.constant 0 : i32
      %add3A_32 = arith.addi %add3A_31, %mul3A_30 : i32
      "tpu.region"() ({
        %run_scoped3A_48 = tpu.sem_alloc : memref<!tpu.dma_semaphore, #tpu.memory_space<semaphore_mem>>
        %dma_start3A = arith.constant 0 : i32
        %dma_start3A_49 = arith.constant 0 : i32
        %dma_start3A_50 = arith.constant 0 : i32
        %dma_start3A_51 = tpu.memref_slice %arg2[%add3A, %add3A_32, %dma_start3A, %dma_start3A_49, %dma_start3A_50] : memref<32x10x2x8x128xi32, #tpu.memory_space<hbm>> -> memref<1x1x2x8x128xi32, #tpu.memory_space<hbm>>
        %dma_start3A_52 = tpu.memref_squeeze %dma_start3A_51 : memref<1x1x2x8x128xi32, #tpu.memory_space<hbm>> -> memref<2x8x128xi32, #tpu.memory_space<hbm>>
        %dma_start3A_53 = arith.constant 0 : i32
        %dma_start3A_54 = arith.constant 0 : i32
        %dma_start3A_55 = arith.constant 0 : i32
        %dma_start3A_56 = tpu.memref_slice %arg2[%add3A, %add3A_32, %dma_start3A_53, %dma_start3A_54, %dma_start3A_55] : memref<32x10x2x8x128xi32, #tpu.memory_space<hbm>> -> memref<1x1x2x8x128xi32, #tpu.memory_space<hbm>>
        %dma_start3A_57 = tpu.memref_squeeze %dma_start3A_56 : memref<1x1x2x8x128xi32, #tpu.memory_space<hbm>> -> memref<2x8x128xi32, #tpu.memory_space<hbm>>
        tpu.enqueue_dma source(%dma_start3A_57 : memref<2x8x128xi32, #tpu.memory_space<hbm>>) target(%arg5 : memref<2x8x128xi32, #tpu.memory_space<vmem>>) target_semaphore(%run_scoped3A_48 : memref<!tpu.dma_semaphore, #tpu.memory_space<semaphore_mem>>)
        %dma_wait3A = arith.constant 0 : i32
        %dma_wait3A_58 = arith.constant 0 : i32
        %dma_wait3A_59 = arith.constant 0 : i32
        %dma_wait3A_60 = tpu.memref_slice %arg2[%add3A, %add3A_32, %dma_wait3A, %dma_wait3A_58, %dma_wait3A_59] : memref<32x10x2x8x128xi32, #tpu.memory_space<hbm>> -> memref<1x1x2x8x128xi32, #tpu.memory_space<hbm>>
        %dma_wait3A_61 = tpu.memref_squeeze %dma_wait3A_60 : memref<1x1x2x8x128xi32, #tpu.memory_space<hbm>> -> memref<2x8x128xi32, #tpu.memory_space<hbm>>
        %dma_wait3A_62 = arith.constant 0 : i32
        %dma_wait3A_63 = arith.constant 0 : i32
        %dma_wait3A_64 = arith.constant 0 : i32
        %dma_wait3A_65 = tpu.memref_slice %arg2[%add3A, %add3A_32, %dma_wait3A_62, %dma_wait3A_63, %dma_wait3A_64] : memref<32x10x2x8x128xi32, #tpu.memory_space<hbm>> -> memref<1x1x2x8x128xi32, #tpu.memory_space<hbm>>
        %dma_wait3A_66 = tpu.memref_squeeze %dma_wait3A_65 : memref<1x1x2x8x128xi32, #tpu.memory_space<hbm>> -> memref<2x8x128xi32, #tpu.memory_space<hbm>>
        tpu.wait_dma2 semaphore(%run_scoped3A_48 : memref<!tpu.dma_semaphore, #tpu.memory_space<semaphore_mem>>) src(%dma_wait3A_66 : memref<2x8x128xi32, #tpu.memory_space<hbm>>) dst(%arg5 : memref<2x8x128xi32, #tpu.memory_space<vmem>>)
        tpu.yield
      }) : () -> ()
      %run_scoped3A = arith.constant 1 : i32
      %run_scoped3A_33 = arith.constant 0 : i32
      "tpu.region"() ({
        %run_scoped3A_48 = tpu.sem_alloc : memref<!tpu.dma_semaphore, #tpu.memory_space<semaphore_mem>>
        %dma_start3A = arith.constant 0 : i32
        %dma_start3A_49 = tpu.memref_slice %arg5[%run_scoped3A, %run_scoped3A_33, %dma_start3A] : memref<2x8x128xi32, #tpu.memory_space<vmem>> -> memref<1x1x128xi32, #tpu.memory_space<vmem>>
        %dma_start3A_50 = tpu.memref_squeeze %dma_start3A_49 : memref<1x1x128xi32, #tpu.memory_space<vmem>> -> memref<128xi32, #tpu.memory_space<vmem>>
        %dma_start3A_51 = arith.constant 0 : i32
        %dma_start3A_52 = arith.constant 0 : i32
        %dma_start3A_53 = tpu.memref_slice %arg4[%dma_start3A_51, %dma_start3A_52] : memref<10112x16xf32, #tpu.memory_space<vmem_shared>> -> memref<10112x16xf32, #tpu.memory_space<vmem_shared>>
        tpu.enqueue_indirect_dma source(%arg6 : memref<128x16xf32, #tpu.memory_space<vmem>>) target(%dma_start3A_53 : memref<10112x16xf32, #tpu.memory_space<vmem_shared>>) offsets(%dma_start3A_50 : memref<128xi32, #tpu.memory_space<vmem>>) semaphore(%run_scoped3A_48 : memref<!tpu.dma_semaphore, #tpu.memory_space<semaphore_mem>>) {add = true}
        %dma_wait3A = arith.constant 0 : i32
        %dma_wait3A_54 = tpu.memref_slice %arg5[%run_scoped3A, %run_scoped3A_33, %dma_wait3A] : memref<2x8x128xi32, #tpu.memory_space<vmem>> -> memref<1x1x128xi32, #tpu.memory_space<vmem>>
        %dma_wait3A_55 = tpu.memref_squeeze %dma_wait3A_54 : memref<1x1x128xi32, #tpu.memory_space<vmem>> -> memref<128xi32, #tpu.memory_space<vmem>>
        %dma_wait3A_56 = arith.constant 0 : i32
        %dma_wait3A_57 = arith.constant 0 : i32
        %dma_wait3A_58 = tpu.memref_slice %arg4[%dma_wait3A_56, %dma_wait3A_57] : memref<10112x16xf32, #tpu.memory_space<vmem_shared>> -> memref<10112x16xf32, #tpu.memory_space<vmem_shared>>
        tpu.wait_indirect_dma semaphore(%run_scoped3A_48 : memref<!tpu.dma_semaphore, #tpu.memory_space<semaphore_mem>>) src(%arg6 : memref<128x16xf32, #tpu.memory_space<vmem>>) dst(%dma_wait3A_58 : memref<10112x16xf32, #tpu.memory_space<vmem_shared>>)
        tpu.yield
      }) : () -> ()
      %run_scoped3A_34 = arith.constant 1 : i32
      %run_scoped3A_35 = arith.constant 1 : i32
      "tpu.region"() ({
        %run_scoped3A_48 = tpu.sem_alloc : memref<!tpu.dma_semaphore, #tpu.memory_space<semaphore_mem>>
        %dma_start3A = arith.constant 0 : i32
        %dma_start3A_49 = tpu.memref_slice %arg5[%run_scoped3A_34, %run_scoped3A_35, %dma_start3A] : memref<2x8x128xi32, #tpu.memory_space<vmem>> -> memref<1x1x128xi32, #tpu.memory_space<vmem>>
        %dma_start3A_50 = tpu.memref_squeeze %dma_start3A_49 : memref<1x1x128xi32, #tpu.memory_space<vmem>> -> memref<128xi32, #tpu.memory_space<vmem>>
        %dma_start3A_51 = arith.constant 0 : i32
        %dma_start3A_52 = arith.constant 0 : i32
        %dma_start3A_53 = tpu.memref_slice %arg4[%dma_start3A_51, %dma_start3A_52] : memref<10112x16xf32, #tpu.memory_space<vmem_shared>> -> memref<10112x16xf32, #tpu.memory_space<vmem_shared>>
        tpu.enqueue_indirect_dma source(%arg6 : memref<128x16xf32, #tpu.memory_space<vmem>>) target(%dma_start3A_53 : memref<10112x16xf32, #tpu.memory_space<vmem_shared>>) offsets(%dma_start3A_50 : memref<128xi32, #tpu.memory_space<vmem>>) semaphore(%run_scoped3A_48 : memref<!tpu.dma_semaphore, #tpu.memory_space<semaphore_mem>>) {add = true}
        %dma_wait3A = arith.constant 0 : i32
        %dma_wait3A_54 = tpu.memref_slice %arg5[%run_scoped3A_34, %run_scoped3A_35, %dma_wait3A] : memref<2x8x128xi32, #tpu.memory_space<vmem>> -> memref<1x1x128xi32, #tpu.memory_space<vmem>>
        %dma_wait3A_55 = tpu.memref_squeeze %dma_wait3A_54 : memref<1x1x128xi32, #tpu.memory_space<vmem>> -> memref<128xi32, #tpu.memory_space<vmem>>
        %dma_wait3A_56 = arith.constant 0 : i32
        %dma_wait3A_57 = arith.constant 0 : i32
        %dma_wait3A_58 = tpu.memref_slice %arg4[%dma_wait3A_56, %dma_wait3A_57] : memref<10112x16xf32, #tpu.memory_space<vmem_shared>> -> memref<10112x16xf32, #tpu.memory_space<vmem_shared>>
        tpu.wait_indirect_dma semaphore(%run_scoped3A_48 : memref<!tpu.dma_semaphore, #tpu.memory_space<semaphore_mem>>) src(%arg6 : memref<128x16xf32, #tpu.memory_space<vmem>>) dst(%dma_wait3A_58 : memref<10112x16xf32, #tpu.memory_space<vmem_shared>>)
        tpu.yield
      }) : () -> ()
      %run_scoped3A_36 = arith.constant 1 : i32
      %run_scoped3A_37 = arith.constant 2 : i32
      "tpu.region"() ({
        %run_scoped3A_48 = tpu.sem_alloc : memref<!tpu.dma_semaphore, #tpu.memory_space<semaphore_mem>>
        %dma_start3A = arith.constant 0 : i32
        %dma_start3A_49 = tpu.memref_slice %arg5[%run_scoped3A_36, %run_scoped3A_37, %dma_start3A] : memref<2x8x128xi32, #tpu.memory_space<vmem>> -> memref<1x1x128xi32, #tpu.memory_space<vmem>>
        %dma_start3A_50 = tpu.memref_squeeze %dma_start3A_49 : memref<1x1x128xi32, #tpu.memory_space<vmem>> -> memref<128xi32, #tpu.memory_space<vmem>>
        %dma_start3A_51 = arith.constant 0 : i32
        %dma_start3A_52 = arith.constant 0 : i32
        %dma_start3A_53 = tpu.memref_slice %arg4[%dma_start3A_51, %dma_start3A_52] : memref<10112x16xf32, #tpu.memory_space<vmem_shared>> -> memref<10112x16xf32, #tpu.memory_space<vmem_shared>>
        tpu.enqueue_indirect_dma source(%arg6 : memref<128x16xf32, #tpu.memory_space<vmem>>) target(%dma_start3A_53 : memref<10112x16xf32, #tpu.memory_space<vmem_shared>>) offsets(%dma_start3A_50 : memref<128xi32, #tpu.memory_space<vmem>>) semaphore(%run_scoped3A_48 : memref<!tpu.dma_semaphore, #tpu.memory_space<semaphore_mem>>) {add = true}
        %dma_wait3A = arith.constant 0 : i32
        %dma_wait3A_54 = tpu.memref_slice %arg5[%run_scoped3A_36, %run_scoped3A_37, %dma_wait3A] : memref<2x8x128xi32, #tpu.memory_space<vmem>> -> memref<1x1x128xi32, #tpu.memory_space<vmem>>
        %dma_wait3A_55 = tpu.memref_squeeze %dma_wait3A_54 : memref<1x1x128xi32, #tpu.memory_space<vmem>> -> memref<128xi32, #tpu.memory_space<vmem>>
        %dma_wait3A_56 = arith.constant 0 : i32
        %dma_wait3A_57 = arith.constant 0 : i32
        %dma_wait3A_58 = tpu.memref_slice %arg4[%dma_wait3A_56, %dma_wait3A_57] : memref<10112x16xf32, #tpu.memory_space<vmem_shared>> -> memref<10112x16xf32, #tpu.memory_space<vmem_shared>>
        tpu.wait_indirect_dma semaphore(%run_scoped3A_48 : memref<!tpu.dma_semaphore, #tpu.memory_space<semaphore_mem>>) src(%arg6 : memref<128x16xf32, #tpu.memory_space<vmem>>) dst(%dma_wait3A_58 : memref<10112x16xf32, #tpu.memory_space<vmem_shared>>)
        tpu.yield
      }) : () -> ()
      %run_scoped3A_38 = arith.constant 1 : i32
      %run_scoped3A_39 = arith.constant 3 : i32
      "tpu.region"() ({
        %run_scoped3A_48 = tpu.sem_alloc : memref<!tpu.dma_semaphore, #tpu.memory_space<semaphore_mem>>
        %dma_start3A = arith.constant 0 : i32
        %dma_start3A_49 = tpu.memref_slice %arg5[%run_scoped3A_38, %run_scoped3A_39, %dma_start3A] : memref<2x8x128xi32, #tpu.memory_space<vmem>> -> memref<1x1x128xi32, #tpu.memory_space<vmem>>
        %dma_start3A_50 = tpu.memref_squeeze %dma_start3A_49 : memref<1x1x128xi32, #tpu.memory_space<vmem>> -> memref<128xi32, #tpu.memory_space<vmem>>
        %dma_start3A_51 = arith.constant 0 : i32
        %dma_start3A_52 = arith.constant 0 : i32
        %dma_start3A_53 = tpu.memref_slice %arg4[%dma_start3A_51, %dma_start3A_52] : memref<10112x16xf32, #tpu.memory_space<vmem_shared>> -> memref<10112x16xf32, #tpu.memory_space<vmem_shared>>
        tpu.enqueue_indirect_dma source(%arg6 : memref<128x16xf32, #tpu.memory_space<vmem>>) target(%dma_start3A_53 : memref<10112x16xf32, #tpu.memory_space<vmem_shared>>) offsets(%dma_start3A_50 : memref<128xi32, #tpu.memory_space<vmem>>) semaphore(%run_scoped3A_48 : memref<!tpu.dma_semaphore, #tpu.memory_space<semaphore_mem>>) {add = true}
        %dma_wait3A = arith.constant 0 : i32
        %dma_wait3A_54 = tpu.memref_slice %arg5[%run_scoped3A_38, %run_scoped3A_39, %dma_wait3A] : memref<2x8x128xi32, #tpu.memory_space<vmem>> -> memref<1x1x128xi32, #tpu.memory_space<vmem>>
        %dma_wait3A_55 = tpu.memref_squeeze %dma_wait3A_54 : memref<1x1x128xi32, #tpu.memory_space<vmem>> -> memref<128xi32, #tpu.memory_space<vmem>>
        %dma_wait3A_56 = arith.constant 0 : i32
        %dma_wait3A_57 = arith.constant 0 : i32
        %dma_wait3A_58 = tpu.memref_slice %arg4[%dma_wait3A_56, %dma_wait3A_57] : memref<10112x16xf32, #tpu.memory_space<vmem_shared>> -> memref<10112x16xf32, #tpu.memory_space<vmem_shared>>
        tpu.wait_indirect_dma semaphore(%run_scoped3A_48 : memref<!tpu.dma_semaphore, #tpu.memory_space<semaphore_mem>>) src(%arg6 : memref<128x16xf32, #tpu.memory_space<vmem>>) dst(%dma_wait3A_58 : memref<10112x16xf32, #tpu.memory_space<vmem_shared>>)
        tpu.yield
      }) : () -> ()
      %run_scoped3A_40 = arith.constant 1 : i32
      %run_scoped3A_41 = arith.constant 4 : i32
      "tpu.region"() ({
        %run_scoped3A_48 = tpu.sem_alloc : memref<!tpu.dma_semaphore, #tpu.memory_space<semaphore_mem>>
        %dma_start3A = arith.constant 0 : i32
        %dma_start3A_49 = tpu.memref_slice %arg5[%run_scoped3A_40, %run_scoped3A_41, %dma_start3A] : memref<2x8x128xi32, #tpu.memory_space<vmem>> -> memref<1x1x128xi32, #tpu.memory_space<vmem>>
        %dma_start3A_50 = tpu.memref_squeeze %dma_start3A_49 : memref<1x1x128xi32, #tpu.memory_space<vmem>> -> memref<128xi32, #tpu.memory_space<vmem>>
        %dma_start3A_51 = arith.constant 0 : i32
        %dma_start3A_52 = arith.constant 0 : i32
        %dma_start3A_53 = tpu.memref_slice %arg4[%dma_start3A_51, %dma_start3A_52] : memref<10112x16xf32, #tpu.memory_space<vmem_shared>> -> memref<10112x16xf32, #tpu.memory_space<vmem_shared>>
        tpu.enqueue_indirect_dma source(%arg6 : memref<128x16xf32, #tpu.memory_space<vmem>>) target(%dma_start3A_53 : memref<10112x16xf32, #tpu.memory_space<vmem_shared>>) offsets(%dma_start3A_50 : memref<128xi32, #tpu.memory_space<vmem>>) semaphore(%run_scoped3A_48 : memref<!tpu.dma_semaphore, #tpu.memory_space<semaphore_mem>>) {add = true}
        %dma_wait3A = arith.constant 0 : i32
        %dma_wait3A_54 = tpu.memref_slice %arg5[%run_scoped3A_40, %run_scoped3A_41, %dma_wait3A] : memref<2x8x128xi32, #tpu.memory_space<vmem>> -> memref<1x1x128xi32, #tpu.memory_space<vmem>>
        %dma_wait3A_55 = tpu.memref_squeeze %dma_wait3A_54 : memref<1x1x128xi32, #tpu.memory_space<vmem>> -> memref<128xi32, #tpu.memory_space<vmem>>
        %dma_wait3A_56 = arith.constant 0 : i32
        %dma_wait3A_57 = arith.constant 0 : i32
        %dma_wait3A_58 = tpu.memref_slice %arg4[%dma_wait3A_56, %dma_wait3A_57] : memref<10112x16xf32, #tpu.memory_space<vmem_shared>> -> memref<10112x16xf32, #tpu.memory_space<vmem_shared>>
        tpu.wait_indirect_dma semaphore(%run_scoped3A_48 : memref<!tpu.dma_semaphore, #tpu.memory_space<semaphore_mem>>) src(%arg6 : memref<128x16xf32, #tpu.memory_space<vmem>>) dst(%dma_wait3A_58 : memref<10112x16xf32, #tpu.memory_space<vmem_shared>>)
        tpu.yield
      }) : () -> ()
      %run_scoped3A_42 = arith.constant 1 : i32
      %run_scoped3A_43 = arith.constant 5 : i32
      "tpu.region"() ({
        %run_scoped3A_48 = tpu.sem_alloc : memref<!tpu.dma_semaphore, #tpu.memory_space<semaphore_mem>>
        %dma_start3A = arith.constant 0 : i32
        %dma_start3A_49 = tpu.memref_slice %arg5[%run_scoped3A_42, %run_scoped3A_43, %dma_start3A] : memref<2x8x128xi32, #tpu.memory_space<vmem>> -> memref<1x1x128xi32, #tpu.memory_space<vmem>>
        %dma_start3A_50 = tpu.memref_squeeze %dma_start3A_49 : memref<1x1x128xi32, #tpu.memory_space<vmem>> -> memref<128xi32, #tpu.memory_space<vmem>>
        %dma_start3A_51 = arith.constant 0 : i32
        %dma_start3A_52 = arith.constant 0 : i32
        %dma_start3A_53 = tpu.memref_slice %arg4[%dma_start3A_51, %dma_start3A_52] : memref<10112x16xf32, #tpu.memory_space<vmem_shared>> -> memref<10112x16xf32, #tpu.memory_space<vmem_shared>>
        tpu.enqueue_indirect_dma source(%arg6 : memref<128x16xf32, #tpu.memory_space<vmem>>) target(%dma_start3A_53 : memref<10112x16xf32, #tpu.memory_space<vmem_shared>>) offsets(%dma_start3A_50 : memref<128xi32, #tpu.memory_space<vmem>>) semaphore(%run_scoped3A_48 : memref<!tpu.dma_semaphore, #tpu.memory_space<semaphore_mem>>) {add = true}
        %dma_wait3A = arith.constant 0 : i32
        %dma_wait3A_54 = tpu.memref_slice %arg5[%run_scoped3A_42, %run_scoped3A_43, %dma_wait3A] : memref<2x8x128xi32, #tpu.memory_space<vmem>> -> memref<1x1x128xi32, #tpu.memory_space<vmem>>
        %dma_wait3A_55 = tpu.memref_squeeze %dma_wait3A_54 : memref<1x1x128xi32, #tpu.memory_space<vmem>> -> memref<128xi32, #tpu.memory_space<vmem>>
        %dma_wait3A_56 = arith.constant 0 : i32
        %dma_wait3A_57 = arith.constant 0 : i32
        %dma_wait3A_58 = tpu.memref_slice %arg4[%dma_wait3A_56, %dma_wait3A_57] : memref<10112x16xf32, #tpu.memory_space<vmem_shared>> -> memref<10112x16xf32, #tpu.memory_space<vmem_shared>>
        tpu.wait_indirect_dma semaphore(%run_scoped3A_48 : memref<!tpu.dma_semaphore, #tpu.memory_space<semaphore_mem>>) src(%arg6 : memref<128x16xf32, #tpu.memory_space<vmem>>) dst(%dma_wait3A_58 : memref<10112x16xf32, #tpu.memory_space<vmem_shared>>)
        tpu.yield
      }) : () -> ()
      %run_scoped3A_44 = arith.constant 1 : i32
      %run_scoped3A_45 = arith.constant 6 : i32
      "tpu.region"() ({
        %run_scoped3A_48 = tpu.sem_alloc : memref<!tpu.dma_semaphore, #tpu.memory_space<semaphore_mem>>
        %dma_start3A = arith.constant 0 : i32
        %dma_start3A_49 = tpu.memref_slice %arg5[%run_scoped3A_44, %run_scoped3A_45, %dma_start3A] : memref<2x8x128xi32, #tpu.memory_space<vmem>> -> memref<1x1x128xi32, #tpu.memory_space<vmem>>
        %dma_start3A_50 = tpu.memref_squeeze %dma_start3A_49 : memref<1x1x128xi32, #tpu.memory_space<vmem>> -> memref<128xi32, #tpu.memory_space<vmem>>
        %dma_start3A_51 = arith.constant 0 : i32
        %dma_start3A_52 = arith.constant 0 : i32
        %dma_start3A_53 = tpu.memref_slice %arg4[%dma_start3A_51, %dma_start3A_52] : memref<10112x16xf32, #tpu.memory_space<vmem_shared>> -> memref<10112x16xf32, #tpu.memory_space<vmem_shared>>
        tpu.enqueue_indirect_dma source(%arg6 : memref<128x16xf32, #tpu.memory_space<vmem>>) target(%dma_start3A_53 : memref<10112x16xf32, #tpu.memory_space<vmem_shared>>) offsets(%dma_start3A_50 : memref<128xi32, #tpu.memory_space<vmem>>) semaphore(%run_scoped3A_48 : memref<!tpu.dma_semaphore, #tpu.memory_space<semaphore_mem>>) {add = true}
        %dma_wait3A = arith.constant 0 : i32
        %dma_wait3A_54 = tpu.memref_slice %arg5[%run_scoped3A_44, %run_scoped3A_45, %dma_wait3A] : memref<2x8x128xi32, #tpu.memory_space<vmem>> -> memref<1x1x128xi32, #tpu.memory_space<vmem>>
        %dma_wait3A_55 = tpu.memref_squeeze %dma_wait3A_54 : memref<1x1x128xi32, #tpu.memory_space<vmem>> -> memref<128xi32, #tpu.memory_space<vmem>>
        %dma_wait3A_56 = arith.constant 0 : i32
        %dma_wait3A_57 = arith.constant 0 : i32
        %dma_wait3A_58 = tpu.memref_slice %arg4[%dma_wait3A_56, %dma_wait3A_57] : memref<10112x16xf32, #tpu.memory_space<vmem_shared>> -> memref<10112x16xf32, #tpu.memory_space<vmem_shared>>
        tpu.wait_indirect_dma semaphore(%run_scoped3A_48 : memref<!tpu.dma_semaphore, #tpu.memory_space<semaphore_mem>>) src(%arg6 : memref<128x16xf32, #tpu.memory_space<vmem>>) dst(%dma_wait3A_58 : memref<10112x16xf32, #tpu.memory_space<vmem_shared>>)
        tpu.yield
      }) : () -> ()
      %run_scoped3A_46 = arith.constant 1 : i32
      %run_scoped3A_47 = arith.constant 7 : i32
      "tpu.region"() ({
        %run_scoped3A_48 = tpu.sem_alloc : memref<!tpu.dma_semaphore, #tpu.memory_space<semaphore_mem>>
        %dma_start3A = arith.constant 0 : i32
        %dma_start3A_49 = tpu.memref_slice %arg5[%run_scoped3A_46, %run_scoped3A_47, %dma_start3A] : memref<2x8x128xi32, #tpu.memory_space<vmem>> -> memref<1x1x128xi32, #tpu.memory_space<vmem>>
        %dma_start3A_50 = tpu.memref_squeeze %dma_start3A_49 : memref<1x1x128xi32, #tpu.memory_space<vmem>> -> memref<128xi32, #tpu.memory_space<vmem>>
        %dma_start3A_51 = arith.constant 0 : i32
        %dma_start3A_52 = arith.constant 0 : i32
        %dma_start3A_53 = tpu.memref_slice %arg4[%dma_start3A_51, %dma_start3A_52] : memref<10112x16xf32, #tpu.memory_space<vmem_shared>> -> memref<10112x16xf32, #tpu.memory_space<vmem_shared>>
        tpu.enqueue_indirect_dma source(%arg6 : memref<128x16xf32, #tpu.memory_space<vmem>>) target(%dma_start3A_53 : memref<10112x16xf32, #tpu.memory_space<vmem_shared>>) offsets(%dma_start3A_50 : memref<128xi32, #tpu.memory_space<vmem>>) semaphore(%run_scoped3A_48 : memref<!tpu.dma_semaphore, #tpu.memory_space<semaphore_mem>>) {add = true}
        %dma_wait3A = arith.constant 0 : i32
        %dma_wait3A_54 = tpu.memref_slice %arg5[%run_scoped3A_46, %run_scoped3A_47, %dma_wait3A] : memref<2x8x128xi32, #tpu.memory_space<vmem>> -> memref<1x1x128xi32, #tpu.memory_space<vmem>>
        %dma_wait3A_55 = tpu.memref_squeeze %dma_wait3A_54 : memref<1x1x128xi32, #tpu.memory_space<vmem>> -> memref<128xi32, #tpu.memory_space<vmem>>
        %dma_wait3A_56 = arith.constant 0 : i32
        %dma_wait3A_57 = arith.constant 0 : i32
        %dma_wait3A_58 = tpu.memref_slice %arg4[%dma_wait3A_56, %dma_wait3A_57] : memref<10112x16xf32, #tpu.memory_space<vmem_shared>> -> memref<10112x16xf32, #tpu.memory_space<vmem_shared>>
        tpu.wait_indirect_dma semaphore(%run_scoped3A_48 : memref<!tpu.dma_semaphore, #tpu.memory_space<semaphore_mem>>) src(%arg6 : memref<128x16xf32, #tpu.memory_space<vmem>>) dst(%dma_wait3A_58 : memref<10112x16xf32, #tpu.memory_space<vmem_shared>>)
        tpu.yield
      }) : () -> ()
    }
    %scan3A_26 = arith.constant 10 : i32
    %barrier3A_27 = arith.constant 0 : index
    tpu.barrier barrier_id(%barrier3A_27)
    "tpu.region"() ({
      %run_scoped3A = tpu.sem_alloc : memref<!tpu.dma_semaphore, #tpu.memory_space<semaphore_mem>>
      %dma_start3A = arith.constant 0 : i32
      %dma_start3A_28 = tpu.memref_slice %arg3[%arg0, %mul3A_11, %dma_start3A] : memref<2x10112x16xf32, #tpu.memory_space<hbm>> -> memref<1x632x16xf32, #tpu.memory_space<hbm>>
      %dma_start3A_29 = tpu.memref_squeeze %dma_start3A_28 : memref<1x632x16xf32, #tpu.memory_space<hbm>> -> memref<632x16xf32, #tpu.memory_space<hbm>>
      %dma_start3A_30 = arith.constant 0 : i32
      %dma_start3A_31 = tpu.memref_slice %arg4[%mul3A_11, %dma_start3A_30] : memref<10112x16xf32, #tpu.memory_space<vmem_shared>> -> memref<632x16xf32, #tpu.memory_space<vmem_shared>>
      tpu.enqueue_dma source(%dma_start3A_31 : memref<632x16xf32, #tpu.memory_space<vmem_shared>>) target(%dma_start3A_29 : memref<632x16xf32, #tpu.memory_space<hbm>>) target_semaphore(%run_scoped3A : memref<!tpu.dma_semaphore, #tpu.memory_space<semaphore_mem>>)
      %dma_wait3A = arith.constant 0 : i32
      %dma_wait3A_32 = tpu.memref_slice %arg3[%arg0, %mul3A_11, %dma_wait3A] : memref<2x10112x16xf32, #tpu.memory_space<hbm>> -> memref<1x632x16xf32, #tpu.memory_space<hbm>>
      %dma_wait3A_33 = tpu.memref_squeeze %dma_wait3A_32 : memref<1x632x16xf32, #tpu.memory_space<hbm>> -> memref<632x16xf32, #tpu.memory_space<hbm>>
      %dma_wait3A_34 = arith.constant 0 : i32
      %dma_wait3A_35 = tpu.memref_slice %arg4[%mul3A_11, %dma_wait3A_34] : memref<10112x16xf32, #tpu.memory_space<vmem_shared>> -> memref<632x16xf32, #tpu.memory_space<vmem_shared>>
      tpu.wait_dma2 semaphore(%run_scoped3A : memref<!tpu.dma_semaphore, #tpu.memory_space<semaphore_mem>>) src(%dma_wait3A_35 : memref<632x16xf32, #tpu.memory_space<vmem_shared>>) dst(%dma_wait3A_33 : memref<632x16xf32, #tpu.memory_space<hbm>>)
      tpu.yield
    }) : () -> ()
    return
  }
}

#map = affine_map<(d0, d1) -> (0, 0)>
#map1 = affine_map<(d0, d1) -> (0, 0, 0, 0, 0)>
#map2 = affine_map<(d0, d1) -> (0, 0, 0)>
module attributes {stable_mosaic.version = 14 : i64} {
  func.func @run(%arg0: i32, %arg1: i32, %arg2: memref<10000x128xf32, #tpu.memory_space<hbm>>, %arg3: memref<32x10x2x8x128xi32, #tpu.memory_space<hbm>>, %arg4: memref<2x10112x128xf32, #tpu.memory_space<hbm>>, %arg5: memref<10112x128xf32, #tpu.memory_space<vmem_shared>>, %arg6: memref<2x8x128xi32, #tpu.memory_space<vmem>>, %arg7: memref<128x128xf32, #tpu.memory_space<vmem>>) attributes {dimension_semantics = [#tpu.dimension_semantics<core_parallel>, #tpu.dimension_semantics<subcore_parallel>], iteration_bounds = array<i64: 2, 16>, scalar_prefetch = 0 : i64, scratch_operands = 3 : i64, tpu.core_type = #tpu.core_type<sc_vector_subcore>, window_params = [{transform_indices = #map}, {transform_indices = #map1}, {transform_indices = #map2}]} {
    %mul3A = arith.constant 16 : i32
    %mul3A_0 = arith.muli %arg0, %mul3A : i32
    %add3A = arith.addi %mul3A_0, %arg1 : i32
    %scan3A = arith.constant 0 : i32
    %scan3A_1 = arith.constant 128 : i32
    %scan3A_2 = arith.addi %scan3A, %scan3A_1 : i32
    %scan3A_3 = arith.constant 1 : i32
    scf.for %scan3A_23 = %scan3A to %scan3A_2 step %scan3A_3  : i32 {
      %mul3A_24 = arith.constant 1 : i32
      %mul3A_25 = arith.muli %scan3A_23, %mul3A_24 : i32
      %add3A_26 = arith.constant 0 : i32
      %add3A_27 = arith.addi %add3A_26, %mul3A_25 : i32
      %scan3A_28 = arith.constant 0 : i32
      %scan3A_29 = arith.constant 8 : i32
      %scan3A_30 = arith.addi %scan3A_28, %scan3A_29 : i32
      %scan3A_31 = arith.constant 1 : i32
      scf.for %scan3A_33 = %scan3A_28 to %scan3A_30 step %scan3A_31  : i32 {
        %mul3A_34 = arith.constant 16 : i32
        %mul3A_35 = arith.muli %scan3A_33, %mul3A_34 : i32
        %add3A_36 = arith.constant 0 : i32
        %add3A_37 = arith.addi %add3A_36, %mul3A_35 : i32
        %broadcast_in_dim3A = arith.constant 0.000000e+00 : f32
        %broadcast_in_dim3A_38 = vector.broadcast %broadcast_in_dim3A : f32 to vector<16xf32>
        %swap3A = arith.index_cast %add3A_27 : i32 to index
        %swap3A_39 = arith.index_cast %add3A_37 : i32 to index
        %swap3A_40 = tpu.vector_load %arg7[%swap3A, %swap3A_39] {strides = array<i32>} : memref<128x128xf32, #tpu.memory_space<vmem>>, vector<1x16xf32>,
        %swap3A_41 = vector.shape_cast %swap3A_40 : vector<1x16xf32> to vector<16xf32>
        %swap3A_42 = vector.shape_cast %broadcast_in_dim3A_38 : vector<16xf32> to vector<1x16xf32>
        tpu.vector_store %arg7[%swap3A, %swap3A_39], %swap3A_42 {strides = array<i32>} : memref<128x128xf32, #tpu.memory_space<vmem>>, vector<1x16xf32>,
      }
      %scan3A_32 = arith.constant 8 : i32
    }
    %scan3A_4 = arith.constant 128 : i32
    %mul3A_5 = arith.constant 632 : i32
    %mul3A_6 = arith.muli %arg1, %mul3A_5 : i32
    %add3A_7 = arith.constant 0 : i32
    %add3A_8 = arith.addi %mul3A_6, %add3A_7 : i32
    "tpu.region"() ({
      %run_scoped3A = tpu.sem_alloc : memref<!tpu.dma_semaphore, #tpu.memory_space<semaphore_mem>>
      %dma_start3A = arith.constant 0 : i32
      %dma_start3A_23 = tpu.memref_slice %arg5[%add3A_8, %dma_start3A] : memref<10112x128xf32, #tpu.memory_space<vmem_shared>> -> memref<128x128xf32, #tpu.memory_space<vmem_shared>>
      %dma_start3A_24 = arith.constant 0 : i32
      %dma_start3A_25 = tpu.memref_slice %arg5[%add3A_8, %dma_start3A_24] : memref<10112x128xf32, #tpu.memory_space<vmem_shared>> -> memref<128x128xf32, #tpu.memory_space<vmem_shared>>
      tpu.enqueue_dma source(%arg7 : memref<128x128xf32, #tpu.memory_space<vmem>>) target(%dma_start3A_25 : memref<128x128xf32, #tpu.memory_space<vmem_shared>>) target_semaphore(%run_scoped3A : memref<!tpu.dma_semaphore, #tpu.memory_space<semaphore_mem>>)
      %dma_wait3A = arith.constant 0 : i32
      %dma_wait3A_26 = tpu.memref_slice %arg5[%add3A_8, %dma_wait3A] : memref<10112x128xf32, #tpu.memory_space<vmem_shared>> -> memref<128x128xf32, #tpu.memory_space<vmem_shared>>
      %dma_wait3A_27 = arith.constant 0 : i32
      %dma_wait3A_28 = tpu.memref_slice %arg5[%add3A_8, %dma_wait3A_27] : memref<10112x128xf32, #tpu.memory_space<vmem_shared>> -> memref<128x128xf32, #tpu.memory_space<vmem_shared>>
      tpu.wait_dma2 semaphore(%run_scoped3A : memref<!tpu.dma_semaphore, #tpu.memory_space<semaphore_mem>>) src(%arg7 : memref<128x128xf32, #tpu.memory_space<vmem>>) dst(%dma_wait3A_28 : memref<128x128xf32, #tpu.memory_space<vmem_shared>>)
      tpu.yield
    }) : () -> ()
    %add3A_9 = arith.constant 128 : i32
    %add3A_10 = arith.addi %mul3A_6, %add3A_9 : i32
    "tpu.region"() ({
      %run_scoped3A = tpu.sem_alloc : memref<!tpu.dma_semaphore, #tpu.memory_space<semaphore_mem>>
      %dma_start3A = arith.constant 0 : i32
      %dma_start3A_23 = tpu.memref_slice %arg5[%add3A_10, %dma_start3A] : memref<10112x128xf32, #tpu.memory_space<vmem_shared>> -> memref<128x128xf32, #tpu.memory_space<vmem_shared>>
      %dma_start3A_24 = arith.constant 0 : i32
      %dma_start3A_25 = tpu.memref_slice %arg5[%add3A_10, %dma_start3A_24] : memref<10112x128xf32, #tpu.memory_space<vmem_shared>> -> memref<128x128xf32, #tpu.memory_space<vmem_shared>>
      tpu.enqueue_dma source(%arg7 : memref<128x128xf32, #tpu.memory_space<vmem>>) target(%dma_start3A_25 : memref<128x128xf32, #tpu.memory_space<vmem_shared>>) target_semaphore(%run_scoped3A : memref<!tpu.dma_semaphore, #tpu.memory_space<semaphore_mem>>)
      %dma_wait3A = arith.constant 0 : i32
      %dma_wait3A_26 = tpu.memref_slice %arg5[%add3A_10, %dma_wait3A] : memref<10112x128xf32, #tpu.memory_space<vmem_shared>> -> memref<128x128xf32, #tpu.memory_space<vmem_shared>>
      %dma_wait3A_27 = arith.constant 0 : i32
      %dma_wait3A_28 = tpu.memref_slice %arg5[%add3A_10, %dma_wait3A_27] : memref<10112x128xf32, #tpu.memory_space<vmem_shared>> -> memref<128x128xf32, #tpu.memory_space<vmem_shared>>
      tpu.wait_dma2 semaphore(%run_scoped3A : memref<!tpu.dma_semaphore, #tpu.memory_space<semaphore_mem>>) src(%arg7 : memref<128x128xf32, #tpu.memory_space<vmem>>) dst(%dma_wait3A_28 : memref<128x128xf32, #tpu.memory_space<vmem_shared>>)
      tpu.yield
    }) : () -> ()
    %add3A_11 = arith.constant 256 : i32
    %add3A_12 = arith.addi %mul3A_6, %add3A_11 : i32
    "tpu.region"() ({
      %run_scoped3A = tpu.sem_alloc : memref<!tpu.dma_semaphore, #tpu.memory_space<semaphore_mem>>
      %dma_start3A = arith.constant 0 : i32
      %dma_start3A_23 = tpu.memref_slice %arg5[%add3A_12, %dma_start3A] : memref<10112x128xf32, #tpu.memory_space<vmem_shared>> -> memref<128x128xf32, #tpu.memory_space<vmem_shared>>
      %dma_start3A_24 = arith.constant 0 : i32
      %dma_start3A_25 = tpu.memref_slice %arg5[%add3A_12, %dma_start3A_24] : memref<10112x128xf32, #tpu.memory_space<vmem_shared>> -> memref<128x128xf32, #tpu.memory_space<vmem_shared>>
      tpu.enqueue_dma source(%arg7 : memref<128x128xf32, #tpu.memory_space<vmem>>) target(%dma_start3A_25 : memref<128x128xf32, #tpu.memory_space<vmem_shared>>) target_semaphore(%run_scoped3A : memref<!tpu.dma_semaphore, #tpu.memory_space<semaphore_mem>>)
      %dma_wait3A = arith.constant 0 : i32
      %dma_wait3A_26 = tpu.memref_slice %arg5[%add3A_12, %dma_wait3A] : memref<10112x128xf32, #tpu.memory_space<vmem_shared>> -> memref<128x128xf32, #tpu.memory_space<vmem_shared>>
      %dma_wait3A_27 = arith.constant 0 : i32
      %dma_wait3A_28 = tpu.memref_slice %arg5[%add3A_12, %dma_wait3A_27] : memref<10112x128xf32, #tpu.memory_space<vmem_shared>> -> memref<128x128xf32, #tpu.memory_space<vmem_shared>>
      tpu.wait_dma2 semaphore(%run_scoped3A : memref<!tpu.dma_semaphore, #tpu.memory_space<semaphore_mem>>) src(%arg7 : memref<128x128xf32, #tpu.memory_space<vmem>>) dst(%dma_wait3A_28 : memref<128x128xf32, #tpu.memory_space<vmem_shared>>)
      tpu.yield
    }) : () -> ()
    %add3A_13 = arith.constant 384 : i32
    %add3A_14 = arith.addi %mul3A_6, %add3A_13 : i32
    "tpu.region"() ({
      %run_scoped3A = tpu.sem_alloc : memref<!tpu.dma_semaphore, #tpu.memory_space<semaphore_mem>>
      %dma_start3A = arith.constant 0 : i32
      %dma_start3A_23 = tpu.memref_slice %arg5[%add3A_14, %dma_start3A] : memref<10112x128xf32, #tpu.memory_space<vmem_shared>> -> memref<128x128xf32, #tpu.memory_space<vmem_shared>>
      %dma_start3A_24 = arith.constant 0 : i32
      %dma_start3A_25 = tpu.memref_slice %arg5[%add3A_14, %dma_start3A_24] : memref<10112x128xf32, #tpu.memory_space<vmem_shared>> -> memref<128x128xf32, #tpu.memory_space<vmem_shared>>
      tpu.enqueue_dma source(%arg7 : memref<128x128xf32, #tpu.memory_space<vmem>>) target(%dma_start3A_25 : memref<128x128xf32, #tpu.memory_space<vmem_shared>>) target_semaphore(%run_scoped3A : memref<!tpu.dma_semaphore, #tpu.memory_space<semaphore_mem>>)
      %dma_wait3A = arith.constant 0 : i32
      %dma_wait3A_26 = tpu.memref_slice %arg5[%add3A_14, %dma_wait3A] : memref<10112x128xf32, #tpu.memory_space<vmem_shared>> -> memref<128x128xf32, #tpu.memory_space<vmem_shared>>
      %dma_wait3A_27 = arith.constant 0 : i32
      %dma_wait3A_28 = tpu.memref_slice %arg5[%add3A_14, %dma_wait3A_27] : memref<10112x128xf32, #tpu.memory_space<vmem_shared>> -> memref<128x128xf32, #tpu.memory_space<vmem_shared>>
      tpu.wait_dma2 semaphore(%run_scoped3A : memref<!tpu.dma_semaphore, #tpu.memory_space<semaphore_mem>>) src(%arg7 : memref<128x128xf32, #tpu.memory_space<vmem>>) dst(%dma_wait3A_28 : memref<128x128xf32, #tpu.memory_space<vmem_shared>>)
      tpu.yield
    }) : () -> ()
    %add3A_15 = arith.constant 512 : i32
    %add3A_16 = arith.addi %mul3A_6, %add3A_15 : i32
    "tpu.region"() ({
      %run_scoped3A = tpu.sem_alloc : memref<!tpu.dma_semaphore, #tpu.memory_space<semaphore_mem>>
      %dma_start3A = arith.constant 0 : i32
      %dma_start3A_23 = arith.constant 0 : i32
      %dma_start3A_24 = tpu.memref_slice %arg7[%dma_start3A, %dma_start3A_23] : memref<128x128xf32, #tpu.memory_space<vmem>> -> memref<120x128xf32, #tpu.memory_space<vmem>>
      %dma_start3A_25 = arith.constant 0 : i32
      %dma_start3A_26 = tpu.memref_slice %arg5[%add3A_16, %dma_start3A_25] : memref<10112x128xf32, #tpu.memory_space<vmem_shared>> -> memref<120x128xf32, #tpu.memory_space<vmem_shared>>
      %dma_start3A_27 = arith.constant 0 : i32
      %dma_start3A_28 = tpu.memref_slice %arg5[%add3A_16, %dma_start3A_27] : memref<10112x128xf32, #tpu.memory_space<vmem_shared>> -> memref<120x128xf32, #tpu.memory_space<vmem_shared>>
      %dma_start3A_29 = arith.constant 0 : i32
      %dma_start3A_30 = arith.constant 0 : i32
      %dma_start3A_31 = tpu.memref_slice %arg7[%dma_start3A_29, %dma_start3A_30] : memref<128x128xf32, #tpu.memory_space<vmem>> -> memref<120x128xf32, #tpu.memory_space<vmem>>
      tpu.enqueue_dma source(%dma_start3A_31 : memref<120x128xf32, #tpu.memory_space<vmem>>) target(%dma_start3A_28 : memref<120x128xf32, #tpu.memory_space<vmem_shared>>) target_semaphore(%run_scoped3A : memref<!tpu.dma_semaphore, #tpu.memory_space<semaphore_mem>>)
      %dma_wait3A = arith.constant 0 : i32
      %dma_wait3A_32 = arith.constant 0 : i32
      %dma_wait3A_33 = tpu.memref_slice %arg7[%dma_wait3A, %dma_wait3A_32] : memref<128x128xf32, #tpu.memory_space<vmem>> -> memref<120x128xf32, #tpu.memory_space<vmem>>
      %dma_wait3A_34 = arith.constant 0 : i32
      %dma_wait3A_35 = tpu.memref_slice %arg5[%add3A_16, %dma_wait3A_34] : memref<10112x128xf32, #tpu.memory_space<vmem_shared>> -> memref<120x128xf32, #tpu.memory_space<vmem_shared>>
      %dma_wait3A_36 = arith.constant 0 : i32
      %dma_wait3A_37 = tpu.memref_slice %arg5[%add3A_16, %dma_wait3A_36] : memref<10112x128xf32, #tpu.memory_space<vmem_shared>> -> memref<120x128xf32, #tpu.memory_space<vmem_shared>>
      %dma_wait3A_38 = arith.constant 0 : i32
      %dma_wait3A_39 = arith.constant 0 : i32
      %dma_wait3A_40 = tpu.memref_slice %arg7[%dma_wait3A_38, %dma_wait3A_39] : memref<128x128xf32, #tpu.memory_space<vmem>> -> memref<120x128xf32, #tpu.memory_space<vmem>>
      tpu.wait_dma2 semaphore(%run_scoped3A : memref<!tpu.dma_semaphore, #tpu.memory_space<semaphore_mem>>) src(%dma_wait3A_40 : memref<120x128xf32, #tpu.memory_space<vmem>>) dst(%dma_wait3A_37 : memref<120x128xf32, #tpu.memory_space<vmem_shared>>)
      tpu.yield
    }) : () -> ()
    %barrier3A = arith.constant 0 : index
    tpu.barrier barrier_id(%barrier3A)
    %scan3A_17 = arith.constant 0 : i32
    %scan3A_18 = arith.constant 10 : i32
    %scan3A_19 = arith.addi %scan3A_17, %scan3A_18 : i32
    %scan3A_20 = arith.constant 1 : i32
    scf.for %scan3A_23 = %scan3A_17 to %scan3A_19 step %scan3A_20  : i32 {
      %mul3A_24 = arith.constant 1 : i32
      %mul3A_25 = arith.muli %scan3A_23, %mul3A_24 : i32
      %add3A_26 = arith.constant 0 : i32
      %add3A_27 = arith.addi %add3A_26, %mul3A_25 : i32
      "tpu.region"() ({
        %run_scoped3A_59 = tpu.sem_alloc : memref<!tpu.dma_semaphore, #tpu.memory_space<semaphore_mem>>
        %dma_start3A = arith.constant 0 : i32
        %dma_start3A_60 = arith.constant 0 : i32
        %dma_start3A_61 = arith.constant 0 : i32
        %dma_start3A_62 = tpu.memref_slice %arg3[%add3A, %add3A_27, %dma_start3A, %dma_start3A_60, %dma_start3A_61] : memref<32x10x2x8x128xi32, #tpu.memory_space<hbm>> -> memref<1x1x2x8x128xi32, #tpu.memory_space<hbm>>
        %dma_start3A_63 = tpu.memref_squeeze %dma_start3A_62 : memref<1x1x2x8x128xi32, #tpu.memory_space<hbm>> -> memref<2x8x128xi32, #tpu.memory_space<hbm>>
        %dma_start3A_64 = arith.constant 0 : i32
        %dma_start3A_65 = arith.constant 0 : i32
        %dma_start3A_66 = arith.constant 0 : i32
        %dma_start3A_67 = tpu.memref_slice %arg3[%add3A, %add3A_27, %dma_start3A_64, %dma_start3A_65, %dma_start3A_66] : memref<32x10x2x8x128xi32, #tpu.memory_space<hbm>> -> memref<1x1x2x8x128xi32, #tpu.memory_space<hbm>>
        %dma_start3A_68 = tpu.memref_squeeze %dma_start3A_67 : memref<1x1x2x8x128xi32, #tpu.memory_space<hbm>> -> memref<2x8x128xi32, #tpu.memory_space<hbm>>
        tpu.enqueue_dma source(%dma_start3A_68 : memref<2x8x128xi32, #tpu.memory_space<hbm>>) target(%arg6 : memref<2x8x128xi32, #tpu.memory_space<vmem>>) target_semaphore(%run_scoped3A_59 : memref<!tpu.dma_semaphore, #tpu.memory_space<semaphore_mem>>)
        %dma_wait3A = arith.constant 0 : i32
        %dma_wait3A_69 = arith.constant 0 : i32
        %dma_wait3A_70 = arith.constant 0 : i32
        %dma_wait3A_71 = tpu.memref_slice %arg3[%add3A, %add3A_27, %dma_wait3A, %dma_wait3A_69, %dma_wait3A_70] : memref<32x10x2x8x128xi32, #tpu.memory_space<hbm>> -> memref<1x1x2x8x128xi32, #tpu.memory_space<hbm>>
        %dma_wait3A_72 = tpu.memref_squeeze %dma_wait3A_71 : memref<1x1x2x8x128xi32, #tpu.memory_space<hbm>> -> memref<2x8x128xi32, #tpu.memory_space<hbm>>
        %dma_wait3A_73 = arith.constant 0 : i32
        %dma_wait3A_74 = arith.constant 0 : i32
        %dma_wait3A_75 = arith.constant 0 : i32
        %dma_wait3A_76 = tpu.memref_slice %arg3[%add3A, %add3A_27, %dma_wait3A_73, %dma_wait3A_74, %dma_wait3A_75] : memref<32x10x2x8x128xi32, #tpu.memory_space<hbm>> -> memref<1x1x2x8x128xi32, #tpu.memory_space<hbm>>
        %dma_wait3A_77 = tpu.memref_squeeze %dma_wait3A_76 : memref<1x1x2x8x128xi32, #tpu.memory_space<hbm>> -> memref<2x8x128xi32, #tpu.memory_space<hbm>>
        tpu.wait_dma2 semaphore(%run_scoped3A_59 : memref<!tpu.dma_semaphore, #tpu.memory_space<semaphore_mem>>) src(%dma_wait3A_77 : memref<2x8x128xi32, #tpu.memory_space<hbm>>) dst(%arg6 : memref<2x8x128xi32, #tpu.memory_space<vmem>>)
        tpu.yield
      }) : () -> ()
      %run_scoped3A = arith.constant 0 : i32
      %run_scoped3A_28 = arith.constant 0 : i32
      "tpu.region"() ({
        %run_scoped3A_59 = tpu.sem_alloc : memref<!tpu.dma_semaphore, #tpu.memory_space<semaphore_mem>>
        %dma_start3A = arith.constant 0 : i32
        %dma_start3A_60 = tpu.memref_slice %arg6[%run_scoped3A, %run_scoped3A_28, %dma_start3A] : memref<2x8x128xi32, #tpu.memory_space<vmem>> -> memref<1x1x128xi32, #tpu.memory_space<vmem>>
        %dma_start3A_61 = tpu.memref_squeeze %dma_start3A_60 : memref<1x1x128xi32, #tpu.memory_space<vmem>> -> memref<128xi32, #tpu.memory_space<vmem>>
        %dma_start3A_62 = arith.constant 0 : i32
        %dma_start3A_63 = arith.constant 0 : i32
        %dma_start3A_64 = tpu.memref_slice %arg2[%dma_start3A_62, %dma_start3A_63] : memref<10000x128xf32, #tpu.memory_space<hbm>> -> memref<10000x128xf32, #tpu.memory_space<hbm>>
        tpu.enqueue_indirect_dma source(%dma_start3A_64 : memref<10000x128xf32, #tpu.memory_space<hbm>>) target(%arg7 : memref<128x128xf32, #tpu.memory_space<vmem>>) offsets(%dma_start3A_61 : memref<128xi32, #tpu.memory_space<vmem>>) semaphore(%run_scoped3A_59 : memref<!tpu.dma_semaphore, #tpu.memory_space<semaphore_mem>>)
        %dma_wait3A = arith.constant 0 : i32
        %dma_wait3A_65 = tpu.memref_slice %arg6[%run_scoped3A, %run_scoped3A_28, %dma_wait3A] : memref<2x8x128xi32, #tpu.memory_space<vmem>> -> memref<1x1x128xi32, #tpu.memory_space<vmem>>
        %dma_wait3A_66 = tpu.memref_squeeze %dma_wait3A_65 : memref<1x1x128xi32, #tpu.memory_space<vmem>> -> memref<128xi32, #tpu.memory_space<vmem>>
        %dma_wait3A_67 = arith.constant 0 : i32
        %dma_wait3A_68 = arith.constant 0 : i32
        %dma_wait3A_69 = tpu.memref_slice %arg2[%dma_wait3A_67, %dma_wait3A_68] : memref<10000x128xf32, #tpu.memory_space<hbm>> -> memref<10000x128xf32, #tpu.memory_space<hbm>>
        tpu.wait_indirect_dma semaphore(%run_scoped3A_59 : memref<!tpu.dma_semaphore, #tpu.memory_space<semaphore_mem>>) src(%dma_wait3A_69 : memref<10000x128xf32, #tpu.memory_space<hbm>>) dst(%arg7 : memref<128x128xf32, #tpu.memory_space<vmem>>)
        tpu.yield
      }) : () -> ()
      %run_scoped3A_29 = arith.constant 1 : i32
      %run_scoped3A_30 = arith.constant 0 : i32
      "tpu.region"() ({
        %run_scoped3A_59 = tpu.sem_alloc : memref<!tpu.dma_semaphore, #tpu.memory_space<semaphore_mem>>
        %dma_start3A = arith.constant 0 : i32
        %dma_start3A_60 = tpu.memref_slice %arg6[%run_scoped3A_29, %run_scoped3A_30, %dma_start3A] : memref<2x8x128xi32, #tpu.memory_space<vmem>> -> memref<1x1x128xi32, #tpu.memory_space<vmem>>
        %dma_start3A_61 = tpu.memref_squeeze %dma_start3A_60 : memref<1x1x128xi32, #tpu.memory_space<vmem>> -> memref<128xi32, #tpu.memory_space<vmem>>
        %dma_start3A_62 = arith.constant 0 : i32
        %dma_start3A_63 = arith.constant 0 : i32
        %dma_start3A_64 = tpu.memref_slice %arg5[%dma_start3A_62, %dma_start3A_63] : memref<10112x128xf32, #tpu.memory_space<vmem_shared>> -> memref<10112x128xf32, #tpu.memory_space<vmem_shared>>
        tpu.enqueue_indirect_dma source(%arg7 : memref<128x128xf32, #tpu.memory_space<vmem>>) target(%dma_start3A_64 : memref<10112x128xf32, #tpu.memory_space<vmem_shared>>) offsets(%dma_start3A_61 : memref<128xi32, #tpu.memory_space<vmem>>) semaphore(%run_scoped3A_59 : memref<!tpu.dma_semaphore, #tpu.memory_space<semaphore_mem>>) {add = true}
        %dma_wait3A = arith.constant 0 : i32
        %dma_wait3A_65 = tpu.memref_slice %arg6[%run_scoped3A_29, %run_scoped3A_30, %dma_wait3A] : memref<2x8x128xi32, #tpu.memory_space<vmem>> -> memref<1x1x128xi32, #tpu.memory_space<vmem>>
        %dma_wait3A_66 = tpu.memref_squeeze %dma_wait3A_65 : memref<1x1x128xi32, #tpu.memory_space<vmem>> -> memref<128xi32, #tpu.memory_space<vmem>>
        %dma_wait3A_67 = arith.constant 0 : i32
        %dma_wait3A_68 = arith.constant 0 : i32
        %dma_wait3A_69 = tpu.memref_slice %arg5[%dma_wait3A_67, %dma_wait3A_68] : memref<10112x128xf32, #tpu.memory_space<vmem_shared>> -> memref<10112x128xf32, #tpu.memory_space<vmem_shared>>
        tpu.wait_indirect_dma semaphore(%run_scoped3A_59 : memref<!tpu.dma_semaphore, #tpu.memory_space<semaphore_mem>>) src(%arg7 : memref<128x128xf32, #tpu.memory_space<vmem>>) dst(%dma_wait3A_69 : memref<10112x128xf32, #tpu.memory_space<vmem_shared>>)
        tpu.yield
      }) : () -> ()
      %run_scoped3A_31 = arith.constant 0 : i32
      %run_scoped3A_32 = arith.constant 1 : i32
      "tpu.region"() ({
        %run_scoped3A_59 = tpu.sem_alloc : memref<!tpu.dma_semaphore, #tpu.memory_space<semaphore_mem>>
        %dma_start3A = arith.constant 0 : i32
        %dma_start3A_60 = tpu.memref_slice %arg6[%run_scoped3A_31, %run_scoped3A_32, %dma_start3A] : memref<2x8x128xi32, #tpu.memory_space<vmem>> -> memref<1x1x128xi32, #tpu.memory_space<vmem>>
        %dma_start3A_61 = tpu.memref_squeeze %dma_start3A_60 : memref<1x1x128xi32, #tpu.memory_space<vmem>> -> memref<128xi32, #tpu.memory_space<vmem>>
        %dma_start3A_62 = arith.constant 0 : i32
        %dma_start3A_63 = arith.constant 0 : i32
        %dma_start3A_64 = tpu.memref_slice %arg2[%dma_start3A_62, %dma_start3A_63] : memref<10000x128xf32, #tpu.memory_space<hbm>> -> memref<10000x128xf32, #tpu.memory_space<hbm>>
        tpu.enqueue_indirect_dma source(%dma_start3A_64 : memref<10000x128xf32, #tpu.memory_space<hbm>>) target(%arg7 : memref<128x128xf32, #tpu.memory_space<vmem>>) offsets(%dma_start3A_61 : memref<128xi32, #tpu.memory_space<vmem>>) semaphore(%run_scoped3A_59 : memref<!tpu.dma_semaphore, #tpu.memory_space<semaphore_mem>>)
        %dma_wait3A = arith.constant 0 : i32
        %dma_wait3A_65 = tpu.memref_slice %arg6[%run_scoped3A_31, %run_scoped3A_32, %dma_wait3A] : memref<2x8x128xi32, #tpu.memory_space<vmem>> -> memref<1x1x128xi32, #tpu.memory_space<vmem>>
        %dma_wait3A_66 = tpu.memref_squeeze %dma_wait3A_65 : memref<1x1x128xi32, #tpu.memory_space<vmem>> -> memref<128xi32, #tpu.memory_space<vmem>>
        %dma_wait3A_67 = arith.constant 0 : i32
        %dma_wait3A_68 = arith.constant 0 : i32
        %dma_wait3A_69 = tpu.memref_slice %arg2[%dma_wait3A_67, %dma_wait3A_68] : memref<10000x128xf32, #tpu.memory_space<hbm>> -> memref<10000x128xf32, #tpu.memory_space<hbm>>
        tpu.wait_indirect_dma semaphore(%run_scoped3A_59 : memref<!tpu.dma_semaphore, #tpu.memory_space<semaphore_mem>>) src(%dma_wait3A_69 : memref<10000x128xf32, #tpu.memory_space<hbm>>) dst(%arg7 : memref<128x128xf32, #tpu.memory_space<vmem>>)
        tpu.yield
      }) : () -> ()
      %run_scoped3A_33 = arith.constant 1 : i32
      %run_scoped3A_34 = arith.constant 1 : i32
      "tpu.region"() ({
        %run_scoped3A_59 = tpu.sem_alloc : memref<!tpu.dma_semaphore, #tpu.memory_space<semaphore_mem>>
        %dma_start3A = arith.constant 0 : i32
        %dma_start3A_60 = tpu.memref_slice %arg6[%run_scoped3A_33, %run_scoped3A_34, %dma_start3A] : memref<2x8x128xi32, #tpu.memory_space<vmem>> -> memref<1x1x128xi32, #tpu.memory_space<vmem>>
        %dma_start3A_61 = tpu.memref_squeeze %dma_start3A_60 : memref<1x1x128xi32, #tpu.memory_space<vmem>> -> memref<128xi32, #tpu.memory_space<vmem>>
        %dma_start3A_62 = arith.constant 0 : i32
        %dma_start3A_63 = arith.constant 0 : i32
        %dma_start3A_64 = tpu.memref_slice %arg5[%dma_start3A_62, %dma_start3A_63] : memref<10112x128xf32, #tpu.memory_space<vmem_shared>> -> memref<10112x128xf32, #tpu.memory_space<vmem_shared>>
        tpu.enqueue_indirect_dma source(%arg7 : memref<128x128xf32, #tpu.memory_space<vmem>>) target(%dma_start3A_64 : memref<10112x128xf32, #tpu.memory_space<vmem_shared>>) offsets(%dma_start3A_61 : memref<128xi32, #tpu.memory_space<vmem>>) semaphore(%run_scoped3A_59 : memref<!tpu.dma_semaphore, #tpu.memory_space<semaphore_mem>>) {add = true}
        %dma_wait3A = arith.constant 0 : i32
        %dma_wait3A_65 = tpu.memref_slice %arg6[%run_scoped3A_33, %run_scoped3A_34, %dma_wait3A] : memref<2x8x128xi32, #tpu.memory_space<vmem>> -> memref<1x1x128xi32, #tpu.memory_space<vmem>>
        %dma_wait3A_66 = tpu.memref_squeeze %dma_wait3A_65 : memref<1x1x128xi32, #tpu.memory_space<vmem>> -> memref<128xi32, #tpu.memory_space<vmem>>
        %dma_wait3A_67 = arith.constant 0 : i32
        %dma_wait3A_68 = arith.constant 0 : i32
        %dma_wait3A_69 = tpu.memref_slice %arg5[%dma_wait3A_67, %dma_wait3A_68] : memref<10112x128xf32, #tpu.memory_space<vmem_shared>> -> memref<10112x128xf32, #tpu.memory_space<vmem_shared>>
        tpu.wait_indirect_dma semaphore(%run_scoped3A_59 : memref<!tpu.dma_semaphore, #tpu.memory_space<semaphore_mem>>) src(%arg7 : memref<128x128xf32, #tpu.memory_space<vmem>>) dst(%dma_wait3A_69 : memref<10112x128xf32, #tpu.memory_space<vmem_shared>>)
        tpu.yield
      }) : () -> ()
      %run_scoped3A_35 = arith.constant 0 : i32
      %run_scoped3A_36 = arith.constant 2 : i32
      "tpu.region"() ({
        %run_scoped3A_59 = tpu.sem_alloc : memref<!tpu.dma_semaphore, #tpu.memory_space<semaphore_mem>>
        %dma_start3A = arith.constant 0 : i32
        %dma_start3A_60 = tpu.memref_slice %arg6[%run_scoped3A_35, %run_scoped3A_36, %dma_start3A] : memref<2x8x128xi32, #tpu.memory_space<vmem>> -> memref<1x1x128xi32, #tpu.memory_space<vmem>>
        %dma_start3A_61 = tpu.memref_squeeze %dma_start3A_60 : memref<1x1x128xi32, #tpu.memory_space<vmem>> -> memref<128xi32, #tpu.memory_space<vmem>>
        %dma_start3A_62 = arith.constant 0 : i32
        %dma_start3A_63 = arith.constant 0 : i32
        %dma_start3A_64 = tpu.memref_slice %arg2[%dma_start3A_62, %dma_start3A_63] : memref<10000x128xf32, #tpu.memory_space<hbm>> -> memref<10000x128xf32, #tpu.memory_space<hbm>>
        tpu.enqueue_indirect_dma source(%dma_start3A_64 : memref<10000x128xf32, #tpu.memory_space<hbm>>) target(%arg7 : memref<128x128xf32, #tpu.memory_space<vmem>>) offsets(%dma_start3A_61 : memref<128xi32, #tpu.memory_space<vmem>>) semaphore(%run_scoped3A_59 : memref<!tpu.dma_semaphore, #tpu.memory_space<semaphore_mem>>)
        %dma_wait3A = arith.constant 0 : i32
        %dma_wait3A_65 = tpu.memref_slice %arg6[%run_scoped3A_35, %run_scoped3A_36, %dma_wait3A] : memref<2x8x128xi32, #tpu.memory_space<vmem>> -> memref<1x1x128xi32, #tpu.memory_space<vmem>>
        %dma_wait3A_66 = tpu.memref_squeeze %dma_wait3A_65 : memref<1x1x128xi32, #tpu.memory_space<vmem>> -> memref<128xi32, #tpu.memory_space<vmem>>
        %dma_wait3A_67 = arith.constant 0 : i32
        %dma_wait3A_68 = arith.constant 0 : i32
        %dma_wait3A_69 = tpu.memref_slice %arg2[%dma_wait3A_67, %dma_wait3A_68] : memref<10000x128xf32, #tpu.memory_space<hbm>> -> memref<10000x128xf32, #tpu.memory_space<hbm>>
        tpu.wait_indirect_dma semaphore(%run_scoped3A_59 : memref<!tpu.dma_semaphore, #tpu.memory_space<semaphore_mem>>) src(%dma_wait3A_69 : memref<10000x128xf32, #tpu.memory_space<hbm>>) dst(%arg7 : memref<128x128xf32, #tpu.memory_space<vmem>>)
        tpu.yield
      }) : () -> ()
      %run_scoped3A_37 = arith.constant 1 : i32
      %run_scoped3A_38 = arith.constant 2 : i32
      "tpu.region"() ({
        %run_scoped3A_59 = tpu.sem_alloc : memref<!tpu.dma_semaphore, #tpu.memory_space<semaphore_mem>>
        %dma_start3A = arith.constant 0 : i32
        %dma_start3A_60 = tpu.memref_slice %arg6[%run_scoped3A_37, %run_scoped3A_38, %dma_start3A] : memref<2x8x128xi32, #tpu.memory_space<vmem>> -> memref<1x1x128xi32, #tpu.memory_space<vmem>>
        %dma_start3A_61 = tpu.memref_squeeze %dma_start3A_60 : memref<1x1x128xi32, #tpu.memory_space<vmem>> -> memref<128xi32, #tpu.memory_space<vmem>>
        %dma_start3A_62 = arith.constant 0 : i32
        %dma_start3A_63 = arith.constant 0 : i32
        %dma_start3A_64 = tpu.memref_slice %arg5[%dma_start3A_62, %dma_start3A_63] : memref<10112x128xf32, #tpu.memory_space<vmem_shared>> -> memref<10112x128xf32, #tpu.memory_space<vmem_shared>>
        tpu.enqueue_indirect_dma source(%arg7 : memref<128x128xf32, #tpu.memory_space<vmem>>) target(%dma_start3A_64 : memref<10112x128xf32, #tpu.memory_space<vmem_shared>>) offsets(%dma_start3A_61 : memref<128xi32, #tpu.memory_space<vmem>>) semaphore(%run_scoped3A_59 : memref<!tpu.dma_semaphore, #tpu.memory_space<semaphore_mem>>) {add = true}
        %dma_wait3A = arith.constant 0 : i32
        %dma_wait3A_65 = tpu.memref_slice %arg6[%run_scoped3A_37, %run_scoped3A_38, %dma_wait3A] : memref<2x8x128xi32, #tpu.memory_space<vmem>> -> memref<1x1x128xi32, #tpu.memory_space<vmem>>
        %dma_wait3A_66 = tpu.memref_squeeze %dma_wait3A_65 : memref<1x1x128xi32, #tpu.memory_space<vmem>> -> memref<128xi32, #tpu.memory_space<vmem>>
        %dma_wait3A_67 = arith.constant 0 : i32
        %dma_wait3A_68 = arith.constant 0 : i32
        %dma_wait3A_69 = tpu.memref_slice %arg5[%dma_wait3A_67, %dma_wait3A_68] : memref<10112x128xf32, #tpu.memory_space<vmem_shared>> -> memref<10112x128xf32, #tpu.memory_space<vmem_shared>>
        tpu.wait_indirect_dma semaphore(%run_scoped3A_59 : memref<!tpu.dma_semaphore, #tpu.memory_space<semaphore_mem>>) src(%arg7 : memref<128x128xf32, #tpu.memory_space<vmem>>) dst(%dma_wait3A_69 : memref<10112x128xf32, #tpu.memory_space<vmem_shared>>)
        tpu.yield
      }) : () -> ()
      %run_scoped3A_39 = arith.constant 0 : i32
      %run_scoped3A_40 = arith.constant 3 : i32
      "tpu.region"() ({
        %run_scoped3A_59 = tpu.sem_alloc : memref<!tpu.dma_semaphore, #tpu.memory_space<semaphore_mem>>
        %dma_start3A = arith.constant 0 : i32
        %dma_start3A_60 = tpu.memref_slice %arg6[%run_scoped3A_39, %run_scoped3A_40, %dma_start3A] : memref<2x8x128xi32, #tpu.memory_space<vmem>> -> memref<1x1x128xi32, #tpu.memory_space<vmem>>
        %dma_start3A_61 = tpu.memref_squeeze %dma_start3A_60 : memref<1x1x128xi32, #tpu.memory_space<vmem>> -> memref<128xi32, #tpu.memory_space<vmem>>
        %dma_start3A_62 = arith.constant 0 : i32
        %dma_start3A_63 = arith.constant 0 : i32
        %dma_start3A_64 = tpu.memref_slice %arg2[%dma_start3A_62, %dma_start3A_63] : memref<10000x128xf32, #tpu.memory_space<hbm>> -> memref<10000x128xf32, #tpu.memory_space<hbm>>
        tpu.enqueue_indirect_dma source(%dma_start3A_64 : memref<10000x128xf32, #tpu.memory_space<hbm>>) target(%arg7 : memref<128x128xf32, #tpu.memory_space<vmem>>) offsets(%dma_start3A_61 : memref<128xi32, #tpu.memory_space<vmem>>) semaphore(%run_scoped3A_59 : memref<!tpu.dma_semaphore, #tpu.memory_space<semaphore_mem>>)
        %dma_wait3A = arith.constant 0 : i32
        %dma_wait3A_65 = tpu.memref_slice %arg6[%run_scoped3A_39, %run_scoped3A_40, %dma_wait3A] : memref<2x8x128xi32, #tpu.memory_space<vmem>> -> memref<1x1x128xi32, #tpu.memory_space<vmem>>
        %dma_wait3A_66 = tpu.memref_squeeze %dma_wait3A_65 : memref<1x1x128xi32, #tpu.memory_space<vmem>> -> memref<128xi32, #tpu.memory_space<vmem>>
        %dma_wait3A_67 = arith.constant 0 : i32
        %dma_wait3A_68 = arith.constant 0 : i32
        %dma_wait3A_69 = tpu.memref_slice %arg2[%dma_wait3A_67, %dma_wait3A_68] : memref<10000x128xf32, #tpu.memory_space<hbm>> -> memref<10000x128xf32, #tpu.memory_space<hbm>>
        tpu.wait_indirect_dma semaphore(%run_scoped3A_59 : memref<!tpu.dma_semaphore, #tpu.memory_space<semaphore_mem>>) src(%dma_wait3A_69 : memref<10000x128xf32, #tpu.memory_space<hbm>>) dst(%arg7 : memref<128x128xf32, #tpu.memory_space<vmem>>)
        tpu.yield
      }) : () -> ()
      %run_scoped3A_41 = arith.constant 1 : i32
      %run_scoped3A_42 = arith.constant 3 : i32
      "tpu.region"() ({
        %run_scoped3A_59 = tpu.sem_alloc : memref<!tpu.dma_semaphore, #tpu.memory_space<semaphore_mem>>
        %dma_start3A = arith.constant 0 : i32
        %dma_start3A_60 = tpu.memref_slice %arg6[%run_scoped3A_41, %run_scoped3A_42, %dma_start3A] : memref<2x8x128xi32, #tpu.memory_space<vmem>> -> memref<1x1x128xi32, #tpu.memory_space<vmem>>
        %dma_start3A_61 = tpu.memref_squeeze %dma_start3A_60 : memref<1x1x128xi32, #tpu.memory_space<vmem>> -> memref<128xi32, #tpu.memory_space<vmem>>
        %dma_start3A_62 = arith.constant 0 : i32
        %dma_start3A_63 = arith.constant 0 : i32
        %dma_start3A_64 = tpu.memref_slice %arg5[%dma_start3A_62, %dma_start3A_63] : memref<10112x128xf32, #tpu.memory_space<vmem_shared>> -> memref<10112x128xf32, #tpu.memory_space<vmem_shared>>
        tpu.enqueue_indirect_dma source(%arg7 : memref<128x128xf32, #tpu.memory_space<vmem>>) target(%dma_start3A_64 : memref<10112x128xf32, #tpu.memory_space<vmem_shared>>) offsets(%dma_start3A_61 : memref<128xi32, #tpu.memory_space<vmem>>) semaphore(%run_scoped3A_59 : memref<!tpu.dma_semaphore, #tpu.memory_space<semaphore_mem>>) {add = true}
        %dma_wait3A = arith.constant 0 : i32
        %dma_wait3A_65 = tpu.memref_slice %arg6[%run_scoped3A_41, %run_scoped3A_42, %dma_wait3A] : memref<2x8x128xi32, #tpu.memory_space<vmem>> -> memref<1x1x128xi32, #tpu.memory_space<vmem>>
        %dma_wait3A_66 = tpu.memref_squeeze %dma_wait3A_65 : memref<1x1x128xi32, #tpu.memory_space<vmem>> -> memref<128xi32, #tpu.memory_space<vmem>>
        %dma_wait3A_67 = arith.constant 0 : i32
        %dma_wait3A_68 = arith.constant 0 : i32
        %dma_wait3A_69 = tpu.memref_slice %arg5[%dma_wait3A_67, %dma_wait3A_68] : memref<10112x128xf32, #tpu.memory_space<vmem_shared>> -> memref<10112x128xf32, #tpu.memory_space<vmem_shared>>
        tpu.wait_indirect_dma semaphore(%run_scoped3A_59 : memref<!tpu.dma_semaphore, #tpu.memory_space<semaphore_mem>>) src(%arg7 : memref<128x128xf32, #tpu.memory_space<vmem>>) dst(%dma_wait3A_69 : memref<10112x128xf32, #tpu.memory_space<vmem_shared>>)
        tpu.yield
      }) : () -> ()
      %run_scoped3A_43 = arith.constant 0 : i32
      %run_scoped3A_44 = arith.constant 4 : i32
      "tpu.region"() ({
        %run_scoped3A_59 = tpu.sem_alloc : memref<!tpu.dma_semaphore, #tpu.memory_space<semaphore_mem>>
        %dma_start3A = arith.constant 0 : i32
        %dma_start3A_60 = tpu.memref_slice %arg6[%run_scoped3A_43, %run_scoped3A_44, %dma_start3A] : memref<2x8x128xi32, #tpu.memory_space<vmem>> -> memref<1x1x128xi32, #tpu.memory_space<vmem>>
        %dma_start3A_61 = tpu.memref_squeeze %dma_start3A_60 : memref<1x1x128xi32, #tpu.memory_space<vmem>> -> memref<128xi32, #tpu.memory_space<vmem>>
        %dma_start3A_62 = arith.constant 0 : i32
        %dma_start3A_63 = arith.constant 0 : i32
        %dma_start3A_64 = tpu.memref_slice %arg2[%dma_start3A_62, %dma_start3A_63] : memref<10000x128xf32, #tpu.memory_space<hbm>> -> memref<10000x128xf32, #tpu.memory_space<hbm>>
        tpu.enqueue_indirect_dma source(%dma_start3A_64 : memref<10000x128xf32, #tpu.memory_space<hbm>>) target(%arg7 : memref<128x128xf32, #tpu.memory_space<vmem>>) offsets(%dma_start3A_61 : memref<128xi32, #tpu.memory_space<vmem>>) semaphore(%run_scoped3A_59 : memref<!tpu.dma_semaphore, #tpu.memory_space<semaphore_mem>>)
        %dma_wait3A = arith.constant 0 : i32
        %dma_wait3A_65 = tpu.memref_slice %arg6[%run_scoped3A_43, %run_scoped3A_44, %dma_wait3A] : memref<2x8x128xi32, #tpu.memory_space<vmem>> -> memref<1x1x128xi32, #tpu.memory_space<vmem>>
        %dma_wait3A_66 = tpu.memref_squeeze %dma_wait3A_65 : memref<1x1x128xi32, #tpu.memory_space<vmem>> -> memref<128xi32, #tpu.memory_space<vmem>>
        %dma_wait3A_67 = arith.constant 0 : i32
        %dma_wait3A_68 = arith.constant 0 : i32
        %dma_wait3A_69 = tpu.memref_slice %arg2[%dma_wait3A_67, %dma_wait3A_68] : memref<10000x128xf32, #tpu.memory_space<hbm>> -> memref<10000x128xf32, #tpu.memory_space<hbm>>
        tpu.wait_indirect_dma semaphore(%run_scoped3A_59 : memref<!tpu.dma_semaphore, #tpu.memory_space<semaphore_mem>>) src(%dma_wait3A_69 : memref<10000x128xf32, #tpu.memory_space<hbm>>) dst(%arg7 : memref<128x128xf32, #tpu.memory_space<vmem>>)
        tpu.yield
      }) : () -> ()
      %run_scoped3A_45 = arith.constant 1 : i32
      %run_scoped3A_46 = arith.constant 4 : i32
      "tpu.region"() ({
        %run_scoped3A_59 = tpu.sem_alloc : memref<!tpu.dma_semaphore, #tpu.memory_space<semaphore_mem>>
        %dma_start3A = arith.constant 0 : i32
        %dma_start3A_60 = tpu.memref_slice %arg6[%run_scoped3A_45, %run_scoped3A_46, %dma_start3A] : memref<2x8x128xi32, #tpu.memory_space<vmem>> -> memref<1x1x128xi32, #tpu.memory_space<vmem>>
        %dma_start3A_61 = tpu.memref_squeeze %dma_start3A_60 : memref<1x1x128xi32, #tpu.memory_space<vmem>> -> memref<128xi32, #tpu.memory_space<vmem>>
        %dma_start3A_62 = arith.constant 0 : i32
        %dma_start3A_63 = arith.constant 0 : i32
        %dma_start3A_64 = tpu.memref_slice %arg5[%dma_start3A_62, %dma_start3A_63] : memref<10112x128xf32, #tpu.memory_space<vmem_shared>> -> memref<10112x128xf32, #tpu.memory_space<vmem_shared>>
        tpu.enqueue_indirect_dma source(%arg7 : memref<128x128xf32, #tpu.memory_space<vmem>>) target(%dma_start3A_64 : memref<10112x128xf32, #tpu.memory_space<vmem_shared>>) offsets(%dma_start3A_61 : memref<128xi32, #tpu.memory_space<vmem>>) semaphore(%run_scoped3A_59 : memref<!tpu.dma_semaphore, #tpu.memory_space<semaphore_mem>>) {add = true}
        %dma_wait3A = arith.constant 0 : i32
        %dma_wait3A_65 = tpu.memref_slice %arg6[%run_scoped3A_45, %run_scoped3A_46, %dma_wait3A] : memref<2x8x128xi32, #tpu.memory_space<vmem>> -> memref<1x1x128xi32, #tpu.memory_space<vmem>>
        %dma_wait3A_66 = tpu.memref_squeeze %dma_wait3A_65 : memref<1x1x128xi32, #tpu.memory_space<vmem>> -> memref<128xi32, #tpu.memory_space<vmem>>
        %dma_wait3A_67 = arith.constant 0 : i32
        %dma_wait3A_68 = arith.constant 0 : i32
        %dma_wait3A_69 = tpu.memref_slice %arg5[%dma_wait3A_67, %dma_wait3A_68] : memref<10112x128xf32, #tpu.memory_space<vmem_shared>> -> memref<10112x128xf32, #tpu.memory_space<vmem_shared>>
        tpu.wait_indirect_dma semaphore(%run_scoped3A_59 : memref<!tpu.dma_semaphore, #tpu.memory_space<semaphore_mem>>) src(%arg7 : memref<128x128xf32, #tpu.memory_space<vmem>>) dst(%dma_wait3A_69 : memref<10112x128xf32, #tpu.memory_space<vmem_shared>>)
        tpu.yield
      }) : () -> ()
      %run_scoped3A_47 = arith.constant 0 : i32
      %run_scoped3A_48 = arith.constant 5 : i32
      "tpu.region"() ({
        %run_scoped3A_59 = tpu.sem_alloc : memref<!tpu.dma_semaphore, #tpu.memory_space<semaphore_mem>>
        %dma_start3A = arith.constant 0 : i32
        %dma_start3A_60 = tpu.memref_slice %arg6[%run_scoped3A_47, %run_scoped3A_48, %dma_start3A] : memref<2x8x128xi32, #tpu.memory_space<vmem>> -> memref<1x1x128xi32, #tpu.memory_space<vmem>>
        %dma_start3A_61 = tpu.memref_squeeze %dma_start3A_60 : memref<1x1x128xi32, #tpu.memory_space<vmem>> -> memref<128xi32, #tpu.memory_space<vmem>>
        %dma_start3A_62 = arith.constant 0 : i32
        %dma_start3A_63 = arith.constant 0 : i32
        %dma_start3A_64 = tpu.memref_slice %arg2[%dma_start3A_62, %dma_start3A_63] : memref<10000x128xf32, #tpu.memory_space<hbm>> -> memref<10000x128xf32, #tpu.memory_space<hbm>>
        tpu.enqueue_indirect_dma source(%dma_start3A_64 : memref<10000x128xf32, #tpu.memory_space<hbm>>) target(%arg7 : memref<128x128xf32, #tpu.memory_space<vmem>>) offsets(%dma_start3A_61 : memref<128xi32, #tpu.memory_space<vmem>>) semaphore(%run_scoped3A_59 : memref<!tpu.dma_semaphore, #tpu.memory_space<semaphore_mem>>)
        %dma_wait3A = arith.constant 0 : i32
        %dma_wait3A_65 = tpu.memref_slice %arg6[%run_scoped3A_47, %run_scoped3A_48, %dma_wait3A] : memref<2x8x128xi32, #tpu.memory_space<vmem>> -> memref<1x1x128xi32, #tpu.memory_space<vmem>>
        %dma_wait3A_66 = tpu.memref_squeeze %dma_wait3A_65 : memref<1x1x128xi32, #tpu.memory_space<vmem>> -> memref<128xi32, #tpu.memory_space<vmem>>
        %dma_wait3A_67 = arith.constant 0 : i32
        %dma_wait3A_68 = arith.constant 0 : i32
        %dma_wait3A_69 = tpu.memref_slice %arg2[%dma_wait3A_67, %dma_wait3A_68] : memref<10000x128xf32, #tpu.memory_space<hbm>> -> memref<10000x128xf32, #tpu.memory_space<hbm>>
        tpu.wait_indirect_dma semaphore(%run_scoped3A_59 : memref<!tpu.dma_semaphore, #tpu.memory_space<semaphore_mem>>) src(%dma_wait3A_69 : memref<10000x128xf32, #tpu.memory_space<hbm>>) dst(%arg7 : memref<128x128xf32, #tpu.memory_space<vmem>>)
        tpu.yield
      }) : () -> ()
      %run_scoped3A_49 = arith.constant 1 : i32
      %run_scoped3A_50 = arith.constant 5 : i32
      "tpu.region"() ({
        %run_scoped3A_59 = tpu.sem_alloc : memref<!tpu.dma_semaphore, #tpu.memory_space<semaphore_mem>>
        %dma_start3A = arith.constant 0 : i32
        %dma_start3A_60 = tpu.memref_slice %arg6[%run_scoped3A_49, %run_scoped3A_50, %dma_start3A] : memref<2x8x128xi32, #tpu.memory_space<vmem>> -> memref<1x1x128xi32, #tpu.memory_space<vmem>>
        %dma_start3A_61 = tpu.memref_squeeze %dma_start3A_60 : memref<1x1x128xi32, #tpu.memory_space<vmem>> -> memref<128xi32, #tpu.memory_space<vmem>>
        %dma_start3A_62 = arith.constant 0 : i32
        %dma_start3A_63 = arith.constant 0 : i32
        %dma_start3A_64 = tpu.memref_slice %arg5[%dma_start3A_62, %dma_start3A_63] : memref<10112x128xf32, #tpu.memory_space<vmem_shared>> -> memref<10112x128xf32, #tpu.memory_space<vmem_shared>>
        tpu.enqueue_indirect_dma source(%arg7 : memref<128x128xf32, #tpu.memory_space<vmem>>) target(%dma_start3A_64 : memref<10112x128xf32, #tpu.memory_space<vmem_shared>>) offsets(%dma_start3A_61 : memref<128xi32, #tpu.memory_space<vmem>>) semaphore(%run_scoped3A_59 : memref<!tpu.dma_semaphore, #tpu.memory_space<semaphore_mem>>) {add = true}
        %dma_wait3A = arith.constant 0 : i32
        %dma_wait3A_65 = tpu.memref_slice %arg6[%run_scoped3A_49, %run_scoped3A_50, %dma_wait3A] : memref<2x8x128xi32, #tpu.memory_space<vmem>> -> memref<1x1x128xi32, #tpu.memory_space<vmem>>
        %dma_wait3A_66 = tpu.memref_squeeze %dma_wait3A_65 : memref<1x1x128xi32, #tpu.memory_space<vmem>> -> memref<128xi32, #tpu.memory_space<vmem>>
        %dma_wait3A_67 = arith.constant 0 : i32
        %dma_wait3A_68 = arith.constant 0 : i32
        %dma_wait3A_69 = tpu.memref_slice %arg5[%dma_wait3A_67, %dma_wait3A_68] : memref<10112x128xf32, #tpu.memory_space<vmem_shared>> -> memref<10112x128xf32, #tpu.memory_space<vmem_shared>>
        tpu.wait_indirect_dma semaphore(%run_scoped3A_59 : memref<!tpu.dma_semaphore, #tpu.memory_space<semaphore_mem>>) src(%arg7 : memref<128x128xf32, #tpu.memory_space<vmem>>) dst(%dma_wait3A_69 : memref<10112x128xf32, #tpu.memory_space<vmem_shared>>)
        tpu.yield
      }) : () -> ()
      %run_scoped3A_51 = arith.constant 0 : i32
      %run_scoped3A_52 = arith.constant 6 : i32
      "tpu.region"() ({
        %run_scoped3A_59 = tpu.sem_alloc : memref<!tpu.dma_semaphore, #tpu.memory_space<semaphore_mem>>
        %dma_start3A = arith.constant 0 : i32
        %dma_start3A_60 = tpu.memref_slice %arg6[%run_scoped3A_51, %run_scoped3A_52, %dma_start3A] : memref<2x8x128xi32, #tpu.memory_space<vmem>> -> memref<1x1x128xi32, #tpu.memory_space<vmem>>
        %dma_start3A_61 = tpu.memref_squeeze %dma_start3A_60 : memref<1x1x128xi32, #tpu.memory_space<vmem>> -> memref<128xi32, #tpu.memory_space<vmem>>
        %dma_start3A_62 = arith.constant 0 : i32
        %dma_start3A_63 = arith.constant 0 : i32
        %dma_start3A_64 = tpu.memref_slice %arg2[%dma_start3A_62, %dma_start3A_63] : memref<10000x128xf32, #tpu.memory_space<hbm>> -> memref<10000x128xf32, #tpu.memory_space<hbm>>
        tpu.enqueue_indirect_dma source(%dma_start3A_64 : memref<10000x128xf32, #tpu.memory_space<hbm>>) target(%arg7 : memref<128x128xf32, #tpu.memory_space<vmem>>) offsets(%dma_start3A_61 : memref<128xi32, #tpu.memory_space<vmem>>) semaphore(%run_scoped3A_59 : memref<!tpu.dma_semaphore, #tpu.memory_space<semaphore_mem>>)
        %dma_wait3A = arith.constant 0 : i32
        %dma_wait3A_65 = tpu.memref_slice %arg6[%run_scoped3A_51, %run_scoped3A_52, %dma_wait3A] : memref<2x8x128xi32, #tpu.memory_space<vmem>> -> memref<1x1x128xi32, #tpu.memory_space<vmem>>
        %dma_wait3A_66 = tpu.memref_squeeze %dma_wait3A_65 : memref<1x1x128xi32, #tpu.memory_space<vmem>> -> memref<128xi32, #tpu.memory_space<vmem>>
        %dma_wait3A_67 = arith.constant 0 : i32
        %dma_wait3A_68 = arith.constant 0 : i32
        %dma_wait3A_69 = tpu.memref_slice %arg2[%dma_wait3A_67, %dma_wait3A_68] : memref<10000x128xf32, #tpu.memory_space<hbm>> -> memref<10000x128xf32, #tpu.memory_space<hbm>>
        tpu.wait_indirect_dma semaphore(%run_scoped3A_59 : memref<!tpu.dma_semaphore, #tpu.memory_space<semaphore_mem>>) src(%dma_wait3A_69 : memref<10000x128xf32, #tpu.memory_space<hbm>>) dst(%arg7 : memref<128x128xf32, #tpu.memory_space<vmem>>)
        tpu.yield
      }) : () -> ()
      %run_scoped3A_53 = arith.constant 1 : i32
      %run_scoped3A_54 = arith.constant 6 : i32
      "tpu.region"() ({
        %run_scoped3A_59 = tpu.sem_alloc : memref<!tpu.dma_semaphore, #tpu.memory_space<semaphore_mem>>
        %dma_start3A = arith.constant 0 : i32
        %dma_start3A_60 = tpu.memref_slice %arg6[%run_scoped3A_53, %run_scoped3A_54, %dma_start3A] : memref<2x8x128xi32, #tpu.memory_space<vmem>> -> memref<1x1x128xi32, #tpu.memory_space<vmem>>
        %dma_start3A_61 = tpu.memref_squeeze %dma_start3A_60 : memref<1x1x128xi32, #tpu.memory_space<vmem>> -> memref<128xi32, #tpu.memory_space<vmem>>
        %dma_start3A_62 = arith.constant 0 : i32
        %dma_start3A_63 = arith.constant 0 : i32
        %dma_start3A_64 = tpu.memref_slice %arg5[%dma_start3A_62, %dma_start3A_63] : memref<10112x128xf32, #tpu.memory_space<vmem_shared>> -> memref<10112x128xf32, #tpu.memory_space<vmem_shared>>
        tpu.enqueue_indirect_dma source(%arg7 : memref<128x128xf32, #tpu.memory_space<vmem>>) target(%dma_start3A_64 : memref<10112x128xf32, #tpu.memory_space<vmem_shared>>) offsets(%dma_start3A_61 : memref<128xi32, #tpu.memory_space<vmem>>) semaphore(%run_scoped3A_59 : memref<!tpu.dma_semaphore, #tpu.memory_space<semaphore_mem>>) {add = true}
        %dma_wait3A = arith.constant 0 : i32
        %dma_wait3A_65 = tpu.memref_slice %arg6[%run_scoped3A_53, %run_scoped3A_54, %dma_wait3A] : memref<2x8x128xi32, #tpu.memory_space<vmem>> -> memref<1x1x128xi32, #tpu.memory_space<vmem>>
        %dma_wait3A_66 = tpu.memref_squeeze %dma_wait3A_65 : memref<1x1x128xi32, #tpu.memory_space<vmem>> -> memref<128xi32, #tpu.memory_space<vmem>>
        %dma_wait3A_67 = arith.constant 0 : i32
        %dma_wait3A_68 = arith.constant 0 : i32
        %dma_wait3A_69 = tpu.memref_slice %arg5[%dma_wait3A_67, %dma_wait3A_68] : memref<10112x128xf32, #tpu.memory_space<vmem_shared>> -> memref<10112x128xf32, #tpu.memory_space<vmem_shared>>
        tpu.wait_indirect_dma semaphore(%run_scoped3A_59 : memref<!tpu.dma_semaphore, #tpu.memory_space<semaphore_mem>>) src(%arg7 : memref<128x128xf32, #tpu.memory_space<vmem>>) dst(%dma_wait3A_69 : memref<10112x128xf32, #tpu.memory_space<vmem_shared>>)
        tpu.yield
      }) : () -> ()
      %run_scoped3A_55 = arith.constant 0 : i32
      %run_scoped3A_56 = arith.constant 7 : i32
      "tpu.region"() ({
        %run_scoped3A_59 = tpu.sem_alloc : memref<!tpu.dma_semaphore, #tpu.memory_space<semaphore_mem>>
        %dma_start3A = arith.constant 0 : i32
        %dma_start3A_60 = tpu.memref_slice %arg6[%run_scoped3A_55, %run_scoped3A_56, %dma_start3A] : memref<2x8x128xi32, #tpu.memory_space<vmem>> -> memref<1x1x128xi32, #tpu.memory_space<vmem>>
        %dma_start3A_61 = tpu.memref_squeeze %dma_start3A_60 : memref<1x1x128xi32, #tpu.memory_space<vmem>> -> memref<128xi32, #tpu.memory_space<vmem>>
        %dma_start3A_62 = arith.constant 0 : i32
        %dma_start3A_63 = arith.constant 0 : i32
        %dma_start3A_64 = tpu.memref_slice %arg2[%dma_start3A_62, %dma_start3A_63] : memref<10000x128xf32, #tpu.memory_space<hbm>> -> memref<10000x128xf32, #tpu.memory_space<hbm>>
        tpu.enqueue_indirect_dma source(%dma_start3A_64 : memref<10000x128xf32, #tpu.memory_space<hbm>>) target(%arg7 : memref<128x128xf32, #tpu.memory_space<vmem>>) offsets(%dma_start3A_61 : memref<128xi32, #tpu.memory_space<vmem>>) semaphore(%run_scoped3A_59 : memref<!tpu.dma_semaphore, #tpu.memory_space<semaphore_mem>>)
        %dma_wait3A = arith.constant 0 : i32
        %dma_wait3A_65 = tpu.memref_slice %arg6[%run_scoped3A_55, %run_scoped3A_56, %dma_wait3A] : memref<2x8x128xi32, #tpu.memory_space<vmem>> -> memref<1x1x128xi32, #tpu.memory_space<vmem>>
        %dma_wait3A_66 = tpu.memref_squeeze %dma_wait3A_65 : memref<1x1x128xi32, #tpu.memory_space<vmem>> -> memref<128xi32, #tpu.memory_space<vmem>>
        %dma_wait3A_67 = arith.constant 0 : i32
        %dma_wait3A_68 = arith.constant 0 : i32
        %dma_wait3A_69 = tpu.memref_slice %arg2[%dma_wait3A_67, %dma_wait3A_68] : memref<10000x128xf32, #tpu.memory_space<hbm>> -> memref<10000x128xf32, #tpu.memory_space<hbm>>
        tpu.wait_indirect_dma semaphore(%run_scoped3A_59 : memref<!tpu.dma_semaphore, #tpu.memory_space<semaphore_mem>>) src(%dma_wait3A_69 : memref<10000x128xf32, #tpu.memory_space<hbm>>) dst(%arg7 : memref<128x128xf32, #tpu.memory_space<vmem>>)
        tpu.yield
      }) : () -> ()
      %run_scoped3A_57 = arith.constant 1 : i32
      %run_scoped3A_58 = arith.constant 7 : i32
      "tpu.region"() ({
        %run_scoped3A_59 = tpu.sem_alloc : memref<!tpu.dma_semaphore, #tpu.memory_space<semaphore_mem>>
        %dma_start3A = arith.constant 0 : i32
        %dma_start3A_60 = tpu.memref_slice %arg6[%run_scoped3A_57, %run_scoped3A_58, %dma_start3A] : memref<2x8x128xi32, #tpu.memory_space<vmem>> -> memref<1x1x128xi32, #tpu.memory_space<vmem>>
        %dma_start3A_61 = tpu.memref_squeeze %dma_start3A_60 : memref<1x1x128xi32, #tpu.memory_space<vmem>> -> memref<128xi32, #tpu.memory_space<vmem>>
        %dma_start3A_62 = arith.constant 0 : i32
        %dma_start3A_63 = arith.constant 0 : i32
        %dma_start3A_64 = tpu.memref_slice %arg5[%dma_start3A_62, %dma_start3A_63] : memref<10112x128xf32, #tpu.memory_space<vmem_shared>> -> memref<10112x128xf32, #tpu.memory_space<vmem_shared>>
        tpu.enqueue_indirect_dma source(%arg7 : memref<128x128xf32, #tpu.memory_space<vmem>>) target(%dma_start3A_64 : memref<10112x128xf32, #tpu.memory_space<vmem_shared>>) offsets(%dma_start3A_61 : memref<128xi32, #tpu.memory_space<vmem>>) semaphore(%run_scoped3A_59 : memref<!tpu.dma_semaphore, #tpu.memory_space<semaphore_mem>>) {add = true}
        %dma_wait3A = arith.constant 0 : i32
        %dma_wait3A_65 = tpu.memref_slice %arg6[%run_scoped3A_57, %run_scoped3A_58, %dma_wait3A] : memref<2x8x128xi32, #tpu.memory_space<vmem>> -> memref<1x1x128xi32, #tpu.memory_space<vmem>>
        %dma_wait3A_66 = tpu.memref_squeeze %dma_wait3A_65 : memref<1x1x128xi32, #tpu.memory_space<vmem>> -> memref<128xi32, #tpu.memory_space<vmem>>
        %dma_wait3A_67 = arith.constant 0 : i32
        %dma_wait3A_68 = arith.constant 0 : i32
        %dma_wait3A_69 = tpu.memref_slice %arg5[%dma_wait3A_67, %dma_wait3A_68] : memref<10112x128xf32, #tpu.memory_space<vmem_shared>> -> memref<10112x128xf32, #tpu.memory_space<vmem_shared>>
        tpu.wait_indirect_dma semaphore(%run_scoped3A_59 : memref<!tpu.dma_semaphore, #tpu.memory_space<semaphore_mem>>) src(%arg7 : memref<128x128xf32, #tpu.memory_space<vmem>>) dst(%dma_wait3A_69 : memref<10112x128xf32, #tpu.memory_space<vmem_shared>>)
        tpu.yield
      }) : () -> ()
    }
    %scan3A_21 = arith.constant 10 : i32
    %barrier3A_22 = arith.constant 0 : index
    tpu.barrier barrier_id(%barrier3A_22)
    "tpu.region"() ({
      %run_scoped3A = tpu.sem_alloc : memref<!tpu.dma_semaphore, #tpu.memory_space<semaphore_mem>>
      %dma_start3A = arith.constant 0 : i32
      %dma_start3A_23 = tpu.memref_slice %arg4[%arg0, %mul3A_6, %dma_start3A] : memref<2x10112x128xf32, #tpu.memory_space<hbm>> -> memref<1x632x128xf32, #tpu.memory_space<hbm>>
      %dma_start3A_24 = tpu.memref_squeeze %dma_start3A_23 : memref<1x632x128xf32, #tpu.memory_space<hbm>> -> memref<632x128xf32, #tpu.memory_space<hbm>>
      %dma_start3A_25 = arith.constant 0 : i32
      %dma_start3A_26 = tpu.memref_slice %arg5[%mul3A_6, %dma_start3A_25] : memref<10112x128xf32, #tpu.memory_space<vmem_shared>> -> memref<632x128xf32, #tpu.memory_space<vmem_shared>>
      tpu.enqueue_dma source(%dma_start3A_26 : memref<632x128xf32, #tpu.memory_space<vmem_shared>>) target(%dma_start3A_24 : memref<632x128xf32, #tpu.memory_space<hbm>>) target_semaphore(%run_scoped3A : memref<!tpu.dma_semaphore, #tpu.memory_space<semaphore_mem>>)
      %dma_wait3A = arith.constant 0 : i32
      %dma_wait3A_27 = tpu.memref_slice %arg4[%arg0, %mul3A_6, %dma_wait3A] : memref<2x10112x128xf32, #tpu.memory_space<hbm>> -> memref<1x632x128xf32, #tpu.memory_space<hbm>>
      %dma_wait3A_28 = tpu.memref_squeeze %dma_wait3A_27 : memref<1x632x128xf32, #tpu.memory_space<hbm>> -> memref<632x128xf32, #tpu.memory_space<hbm>>
      %dma_wait3A_29 = arith.constant 0 : i32
      %dma_wait3A_30 = tpu.memref_slice %arg5[%mul3A_6, %dma_wait3A_29] : memref<10112x128xf32, #tpu.memory_space<vmem_shared>> -> memref<632x128xf32, #tpu.memory_space<vmem_shared>>
      tpu.wait_dma2 semaphore(%run_scoped3A : memref<!tpu.dma_semaphore, #tpu.memory_space<semaphore_mem>>) src(%dma_wait3A_30 : memref<632x128xf32, #tpu.memory_space<vmem_shared>>) dst(%dma_wait3A_28 : memref<632x128xf32, #tpu.memory_space<hbm>>)
      tpu.yield
    }) : () -> ()
    return
  }
}

#map = affine_map<(d0, d1) -> (0, 0)>
#map1 = affine_map<(d0, d1) -> (0, 0, 0, 0, 0)>
#map2 = affine_map<(d0, d1) -> (0, 0, 0)>
module attributes {stable_mosaic.version = 14 : i64} {
  func.func @run(%arg0: i32, %arg1: i32, %arg2: memref<10000x128xf32, #tpu.memory_space<hbm>>, %arg3: memref<32x10x2x8x128xi32, #tpu.memory_space<hbm>>, %arg4: memref<2x10112x128xf32, #tpu.memory_space<hbm>>, %arg5: memref<10112x128xf32, #tpu.memory_space<vmem_shared>>, %arg6: memref<2x8x128xi32, #tpu.memory_space<vmem>>, %arg7: memref<128x128xf32, #tpu.memory_space<vmem>>) attributes {dimension_semantics = [#tpu.dimension_semantics<core_parallel>, #tpu.dimension_semantics<subcore_parallel>], iteration_bounds = array<i64: 2, 16>, scalar_prefetch = 0 : i64, scratch_operands = 3 : i64, tpu.core_type = #tpu.core_type<sc_vector_subcore>, window_params = [{transform_indices = #map}, {transform_indices = #map1}, {transform_indices = #map2}]} {
    %mul3A = arith.constant 16 : i32
    %mul3A_0 = arith.muli %arg0, %mul3A : i32
    %add3A = arith.addi %mul3A_0, %arg1 : i32
    %scan3A = arith.constant 0 : i32
    %scan3A_1 = arith.constant 128 : i32
    %scan3A_2 = arith.addi %scan3A, %scan3A_1 : i32
    %scan3A_3 = arith.constant 1 : i32
    scf.for %scan3A_23 = %scan3A to %scan3A_2 step %scan3A_3  : i32 {
      %mul3A_24 = arith.constant 1 : i32
      %mul3A_25 = arith.muli %scan3A_23, %mul3A_24 : i32
      %add3A_26 = arith.constant 0 : i32
      %add3A_27 = arith.addi %add3A_26, %mul3A_25 : i32
      %scan3A_28 = arith.constant 0 : i32
      %scan3A_29 = arith.constant 8 : i32
      %scan3A_30 = arith.addi %scan3A_28, %scan3A_29 : i32
      %scan3A_31 = arith.constant 1 : i32
      scf.for %scan3A_33 = %scan3A_28 to %scan3A_30 step %scan3A_31  : i32 {
        %mul3A_34 = arith.constant 16 : i32
        %mul3A_35 = arith.muli %scan3A_33, %mul3A_34 : i32
        %add3A_36 = arith.constant 0 : i32
        %add3A_37 = arith.addi %add3A_36, %mul3A_35 : i32
        %broadcast_in_dim3A = arith.constant 0.000000e+00 : f32
        %broadcast_in_dim3A_38 = vector.broadcast %broadcast_in_dim3A : f32 to vector<16xf32>
        %swap3A = arith.index_cast %add3A_27 : i32 to index
        %swap3A_39 = arith.index_cast %add3A_37 : i32 to index
        %swap3A_40 = tpu.vector_load %arg7[%swap3A, %swap3A_39] {strides = array<i32>} : memref<128x128xf32, #tpu.memory_space<vmem>>, vector<1x16xf32>,
        %swap3A_41 = vector.shape_cast %swap3A_40 : vector<1x16xf32> to vector<16xf32>
        %swap3A_42 = vector.shape_cast %broadcast_in_dim3A_38 : vector<16xf32> to vector<1x16xf32>
        tpu.vector_store %arg7[%swap3A, %swap3A_39], %swap3A_42 {strides = array<i32>} : memref<128x128xf32, #tpu.memory_space<vmem>>, vector<1x16xf32>,
      }
      %scan3A_32 = arith.constant 8 : i32
    }
    %scan3A_4 = arith.constant 128 : i32
    %mul3A_5 = arith.constant 632 : i32
    %mul3A_6 = arith.muli %arg1, %mul3A_5 : i32
    %add3A_7 = arith.constant 0 : i32
    %add3A_8 = arith.addi %mul3A_6, %add3A_7 : i32
    "tpu.region"() ({
      %run_scoped3A = tpu.sem_alloc : memref<!tpu.dma_semaphore, #tpu.memory_space<semaphore_mem>>
      %dma_start3A = arith.constant 0 : i32
      %dma_start3A_23 = tpu.memref_slice %arg5[%add3A_8, %dma_start3A] : memref<10112x128xf32, #tpu.memory_space<vmem_shared>> -> memref<128x128xf32, #tpu.memory_space<vmem_shared>>
      %dma_start3A_24 = arith.constant 0 : i32
      %dma_start3A_25 = tpu.memref_slice %arg5[%add3A_8, %dma_start3A_24] : memref<10112x128xf32, #tpu.memory_space<vmem_shared>> -> memref<128x128xf32, #tpu.memory_space<vmem_shared>>
      tpu.enqueue_dma source(%arg7 : memref<128x128xf32, #tpu.memory_space<vmem>>) target(%dma_start3A_25 : memref<128x128xf32, #tpu.memory_space<vmem_shared>>) target_semaphore(%run_scoped3A : memref<!tpu.dma_semaphore, #tpu.memory_space<semaphore_mem>>)
      %dma_wait3A = arith.constant 0 : i32
      %dma_wait3A_26 = tpu.memref_slice %arg5[%add3A_8, %dma_wait3A] : memref<10112x128xf32, #tpu.memory_space<vmem_shared>> -> memref<128x128xf32, #tpu.memory_space<vmem_shared>>
      %dma_wait3A_27 = arith.constant 0 : i32
      %dma_wait3A_28 = tpu.memref_slice %arg5[%add3A_8, %dma_wait3A_27] : memref<10112x128xf32, #tpu.memory_space<vmem_shared>> -> memref<128x128xf32, #tpu.memory_space<vmem_shared>>
      tpu.wait_dma2 semaphore(%run_scoped3A : memref<!tpu.dma_semaphore, #tpu.memory_space<semaphore_mem>>) src(%arg7 : memref<128x128xf32, #tpu.memory_space<vmem>>) dst(%dma_wait3A_28 : memref<128x128xf32, #tpu.memory_space<vmem_shared>>)
      tpu.yield
    }) : () -> ()
    %add3A_9 = arith.constant 128 : i32
    %add3A_10 = arith.addi %mul3A_6, %add3A_9 : i32
    "tpu.region"() ({
      %run_scoped3A = tpu.sem_alloc : memref<!tpu.dma_semaphore, #tpu.memory_space<semaphore_mem>>
      %dma_start3A = arith.constant 0 : i32
      %dma_start3A_23 = tpu.memref_slice %arg5[%add3A_10, %dma_start3A] : memref<10112x128xf32, #tpu.memory_space<vmem_shared>> -> memref<128x128xf32, #tpu.memory_space<vmem_shared>>
      %dma_start3A_24 = arith.constant 0 : i32
      %dma_start3A_25 = tpu.memref_slice %arg5[%add3A_10, %dma_start3A_24] : memref<10112x128xf32, #tpu.memory_space<vmem_shared>> -> memref<128x128xf32, #tpu.memory_space<vmem_shared>>
      tpu.enqueue_dma source(%arg7 : memref<128x128xf32, #tpu.memory_space<vmem>>) target(%dma_start3A_25 : memref<128x128xf32, #tpu.memory_space<vmem_shared>>) target_semaphore(%run_scoped3A : memref<!tpu.dma_semaphore, #tpu.memory_space<semaphore_mem>>)
      %dma_wait3A = arith.constant 0 : i32
      %dma_wait3A_26 = tpu.memref_slice %arg5[%add3A_10, %dma_wait3A] : memref<10112x128xf32, #tpu.memory_space<vmem_shared>> -> memref<128x128xf32, #tpu.memory_space<vmem_shared>>
      %dma_wait3A_27 = arith.constant 0 : i32
      %dma_wait3A_28 = tpu.memref_slice %arg5[%add3A_10, %dma_wait3A_27] : memref<10112x128xf32, #tpu.memory_space<vmem_shared>> -> memref<128x128xf32, #tpu.memory_space<vmem_shared>>
      tpu.wait_dma2 semaphore(%run_scoped3A : memref<!tpu.dma_semaphore, #tpu.memory_space<semaphore_mem>>) src(%arg7 : memref<128x128xf32, #tpu.memory_space<vmem>>) dst(%dma_wait3A_28 : memref<128x128xf32, #tpu.memory_space<vmem_shared>>)
      tpu.yield
    }) : () -> ()
    %add3A_11 = arith.constant 256 : i32
    %add3A_12 = arith.addi %mul3A_6, %add3A_11 : i32
    "tpu.region"() ({
      %run_scoped3A = tpu.sem_alloc : memref<!tpu.dma_semaphore, #tpu.memory_space<semaphore_mem>>
      %dma_start3A = arith.constant 0 : i32
      %dma_start3A_23 = tpu.memref_slice %arg5[%add3A_12, %dma_start3A] : memref<10112x128xf32, #tpu.memory_space<vmem_shared>> -> memref<128x128xf32, #tpu.memory_space<vmem_shared>>
      %dma_start3A_24 = arith.constant 0 : i32
      %dma_start3A_25 = tpu.memref_slice %arg5[%add3A_12, %dma_start3A_24] : memref<10112x128xf32, #tpu.memory_space<vmem_shared>> -> memref<128x128xf32, #tpu.memory_space<vmem_shared>>
      tpu.enqueue_dma source(%arg7 : memref<128x128xf32, #tpu.memory_space<vmem>>) target(%dma_start3A_25 : memref<128x128xf32, #tpu.memory_space<vmem_shared>>) target_semaphore(%run_scoped3A : memref<!tpu.dma_semaphore, #tpu.memory_space<semaphore_mem>>)
      %dma_wait3A = arith.constant 0 : i32
      %dma_wait3A_26 = tpu.memref_slice %arg5[%add3A_12, %dma_wait3A] : memref<10112x128xf32, #tpu.memory_space<vmem_shared>> -> memref<128x128xf32, #tpu.memory_space<vmem_shared>>
      %dma_wait3A_27 = arith.constant 0 : i32
      %dma_wait3A_28 = tpu.memref_slice %arg5[%add3A_12, %dma_wait3A_27] : memref<10112x128xf32, #tpu.memory_space<vmem_shared>> -> memref<128x128xf32, #tpu.memory_space<vmem_shared>>
      tpu.wait_dma2 semaphore(%run_scoped3A : memref<!tpu.dma_semaphore, #tpu.memory_space<semaphore_mem>>) src(%arg7 : memref<128x128xf32, #tpu.memory_space<vmem>>) dst(%dma_wait3A_28 : memref<128x128xf32, #tpu.memory_space<vmem_shared>>)
      tpu.yield
    }) : () -> ()
    %add3A_13 = arith.constant 384 : i32
    %add3A_14 = arith.addi %mul3A_6, %add3A_13 : i32
    "tpu.region"() ({
      %run_scoped3A = tpu.sem_alloc : memref<!tpu.dma_semaphore, #tpu.memory_space<semaphore_mem>>
      %dma_start3A = arith.constant 0 : i32
      %dma_start3A_23 = tpu.memref_slice %arg5[%add3A_14, %dma_start3A] : memref<10112x128xf32, #tpu.memory_space<vmem_shared>> -> memref<128x128xf32, #tpu.memory_space<vmem_shared>>
      %dma_start3A_24 = arith.constant 0 : i32
      %dma_start3A_25 = tpu.memref_slice %arg5[%add3A_14, %dma_start3A_24] : memref<10112x128xf32, #tpu.memory_space<vmem_shared>> -> memref<128x128xf32, #tpu.memory_space<vmem_shared>>
      tpu.enqueue_dma source(%arg7 : memref<128x128xf32, #tpu.memory_space<vmem>>) target(%dma_start3A_25 : memref<128x128xf32, #tpu.memory_space<vmem_shared>>) target_semaphore(%run_scoped3A : memref<!tpu.dma_semaphore, #tpu.memory_space<semaphore_mem>>)
      %dma_wait3A = arith.constant 0 : i32
      %dma_wait3A_26 = tpu.memref_slice %arg5[%add3A_14, %dma_wait3A] : memref<10112x128xf32, #tpu.memory_space<vmem_shared>> -> memref<128x128xf32, #tpu.memory_space<vmem_shared>>
      %dma_wait3A_27 = arith.constant 0 : i32
      %dma_wait3A_28 = tpu.memref_slice %arg5[%add3A_14, %dma_wait3A_27] : memref<10112x128xf32, #tpu.memory_space<vmem_shared>> -> memref<128x128xf32, #tpu.memory_space<vmem_shared>>
      tpu.wait_dma2 semaphore(%run_scoped3A : memref<!tpu.dma_semaphore, #tpu.memory_space<semaphore_mem>>) src(%arg7 : memref<128x128xf32, #tpu.memory_space<vmem>>) dst(%dma_wait3A_28 : memref<128x128xf32, #tpu.memory_space<vmem_shared>>)
      tpu.yield
    }) : () -> ()
    %add3A_15 = arith.constant 512 : i32
    %add3A_16 = arith.addi %mul3A_6, %add3A_15 : i32
    "tpu.region"() ({
      %run_scoped3A = tpu.sem_alloc : memref<!tpu.dma_semaphore, #tpu.memory_space<semaphore_mem>>
      %dma_start3A = arith.constant 0 : i32
      %dma_start3A_23 = arith.constant 0 : i32
      %dma_start3A_24 = tpu.memref_slice %arg7[%dma_start3A, %dma_start3A_23] : memref<128x128xf32, #tpu.memory_space<vmem>> -> memref<120x128xf32, #tpu.memory_space<vmem>>
      %dma_start3A_25 = arith.constant 0 : i32
      %dma_start3A_26 = tpu.memref_slice %arg5[%add3A_16, %dma_start3A_25] : memref<10112x128xf32, #tpu.memory_space<vmem_shared>> -> memref<120x128xf32, #tpu.memory_space<vmem_shared>>
      %dma_start3A_27 = arith.constant 0 : i32
      %dma_start3A_28 = tpu.memref_slice %arg5[%add3A_16, %dma_start3A_27] : memref<10112x128xf32, #tpu.memory_space<vmem_shared>> -> memref<120x128xf32, #tpu.memory_space<vmem_shared>>
      %dma_start3A_29 = arith.constant 0 : i32
      %dma_start3A_30 = arith.constant 0 : i32
      %dma_start3A_31 = tpu.memref_slice %arg7[%dma_start3A_29, %dma_start3A_30] : memref<128x128xf32, #tpu.memory_space<vmem>> -> memref<120x128xf32, #tpu.memory_space<vmem>>
      tpu.enqueue_dma source(%dma_start3A_31 : memref<120x128xf32, #tpu.memory_space<vmem>>) target(%dma_start3A_28 : memref<120x128xf32, #tpu.memory_space<vmem_shared>>) target_semaphore(%run_scoped3A : memref<!tpu.dma_semaphore, #tpu.memory_space<semaphore_mem>>)
      %dma_wait3A = arith.constant 0 : i32
      %dma_wait3A_32 = arith.constant 0 : i32
      %dma_wait3A_33 = tpu.memref_slice %arg7[%dma_wait3A, %dma_wait3A_32] : memref<128x128xf32, #tpu.memory_space<vmem>> -> memref<120x128xf32, #tpu.memory_space<vmem>>
      %dma_wait3A_34 = arith.constant 0 : i32
      %dma_wait3A_35 = tpu.memref_slice %arg5[%add3A_16, %dma_wait3A_34] : memref<10112x128xf32, #tpu.memory_space<vmem_shared>> -> memref<120x128xf32, #tpu.memory_space<vmem_shared>>
      %dma_wait3A_36 = arith.constant 0 : i32
      %dma_wait3A_37 = tpu.memref_slice %arg5[%add3A_16, %dma_wait3A_36] : memref<10112x128xf32, #tpu.memory_space<vmem_shared>> -> memref<120x128xf32, #tpu.memory_space<vmem_shared>>
      %dma_wait3A_38 = arith.constant 0 : i32
      %dma_wait3A_39 = arith.constant 0 : i32
      %dma_wait3A_40 = tpu.memref_slice %arg7[%dma_wait3A_38, %dma_wait3A_39] : memref<128x128xf32, #tpu.memory_space<vmem>> -> memref<120x128xf32, #tpu.memory_space<vmem>>
      tpu.wait_dma2 semaphore(%run_scoped3A : memref<!tpu.dma_semaphore, #tpu.memory_space<semaphore_mem>>) src(%dma_wait3A_40 : memref<120x128xf32, #tpu.memory_space<vmem>>) dst(%dma_wait3A_37 : memref<120x128xf32, #tpu.memory_space<vmem_shared>>)
      tpu.yield
    }) : () -> ()
    %barrier3A = arith.constant 0 : index
    tpu.barrier barrier_id(%barrier3A)
    %scan3A_17 = arith.constant 0 : i32
    %scan3A_18 = arith.constant 10 : i32
    %scan3A_19 = arith.addi %scan3A_17, %scan3A_18 : i32
    %scan3A_20 = arith.constant 1 : i32
    scf.for %scan3A_23 = %scan3A_17 to %scan3A_19 step %scan3A_20  : i32 {
      %mul3A_24 = arith.constant 1 : i32
      %mul3A_25 = arith.muli %scan3A_23, %mul3A_24 : i32
      %add3A_26 = arith.constant 0 : i32
      %add3A_27 = arith.addi %add3A_26, %mul3A_25 : i32
      "tpu.region"() ({
        %run_scoped3A_59 = tpu.sem_alloc : memref<!tpu.dma_semaphore, #tpu.memory_space<semaphore_mem>>
        %dma_start3A = arith.constant 0 : i32
        %dma_start3A_60 = arith.constant 0 : i32
        %dma_start3A_61 = arith.constant 0 : i32
        %dma_start3A_62 = tpu.memref_slice %arg3[%add3A, %add3A_27, %dma_start3A, %dma_start3A_60, %dma_start3A_61] : memref<32x10x2x8x128xi32, #tpu.memory_space<hbm>> -> memref<1x1x2x8x128xi32, #tpu.memory_space<hbm>>
        %dma_start3A_63 = tpu.memref_squeeze %dma_start3A_62 : memref<1x1x2x8x128xi32, #tpu.memory_space<hbm>> -> memref<2x8x128xi32, #tpu.memory_space<hbm>>
        %dma_start3A_64 = arith.constant 0 : i32
        %dma_start3A_65 = arith.constant 0 : i32
        %dma_start3A_66 = arith.constant 0 : i32
        %dma_start3A_67 = tpu.memref_slice %arg3[%add3A, %add3A_27, %dma_start3A_64, %dma_start3A_65, %dma_start3A_66] : memref<32x10x2x8x128xi32, #tpu.memory_space<hbm>> -> memref<1x1x2x8x128xi32, #tpu.memory_space<hbm>>
        %dma_start3A_68 = tpu.memref_squeeze %dma_start3A_67 : memref<1x1x2x8x128xi32, #tpu.memory_space<hbm>> -> memref<2x8x128xi32, #tpu.memory_space<hbm>>
        tpu.enqueue_dma source(%dma_start3A_68 : memref<2x8x128xi32, #tpu.memory_space<hbm>>) target(%arg6 : memref<2x8x128xi32, #tpu.memory_space<vmem>>) target_semaphore(%run_scoped3A_59 : memref<!tpu.dma_semaphore, #tpu.memory_space<semaphore_mem>>)
        %dma_wait3A = arith.constant 0 : i32
        %dma_wait3A_69 = arith.constant 0 : i32
        %dma_wait3A_70 = arith.constant 0 : i32
        %dma_wait3A_71 = tpu.memref_slice %arg3[%add3A, %add3A_27, %dma_wait3A, %dma_wait3A_69, %dma_wait3A_70] : memref<32x10x2x8x128xi32, #tpu.memory_space<hbm>> -> memref<1x1x2x8x128xi32, #tpu.memory_space<hbm>>
        %dma_wait3A_72 = tpu.memref_squeeze %dma_wait3A_71 : memref<1x1x2x8x128xi32, #tpu.memory_space<hbm>> -> memref<2x8x128xi32, #tpu.memory_space<hbm>>
        %dma_wait3A_73 = arith.constant 0 : i32
        %dma_wait3A_74 = arith.constant 0 : i32
        %dma_wait3A_75 = arith.constant 0 : i32
        %dma_wait3A_76 = tpu.memref_slice %arg3[%add3A, %add3A_27, %dma_wait3A_73, %dma_wait3A_74, %dma_wait3A_75] : memref<32x10x2x8x128xi32, #tpu.memory_space<hbm>> -> memref<1x1x2x8x128xi32, #tpu.memory_space<hbm>>
        %dma_wait3A_77 = tpu.memref_squeeze %dma_wait3A_76 : memref<1x1x2x8x128xi32, #tpu.memory_space<hbm>> -> memref<2x8x128xi32, #tpu.memory_space<hbm>>
        tpu.wait_dma2 semaphore(%run_scoped3A_59 : memref<!tpu.dma_semaphore, #tpu.memory_space<semaphore_mem>>) src(%dma_wait3A_77 : memref<2x8x128xi32, #tpu.memory_space<hbm>>) dst(%arg6 : memref<2x8x128xi32, #tpu.memory_space<vmem>>)
        tpu.yield
      }) : () -> ()
      %run_scoped3A = arith.constant 0 : i32
      %run_scoped3A_28 = arith.constant 0 : i32
      "tpu.region"() ({
        %run_scoped3A_59 = tpu.sem_alloc : memref<!tpu.dma_semaphore, #tpu.memory_space<semaphore_mem>>
        %dma_start3A = arith.constant 0 : i32
        %dma_start3A_60 = tpu.memref_slice %arg6[%run_scoped3A, %run_scoped3A_28, %dma_start3A] : memref<2x8x128xi32, #tpu.memory_space<vmem>> -> memref<1x1x128xi32, #tpu.memory_space<vmem>>
        %dma_start3A_61 = tpu.memref_squeeze %dma_start3A_60 : memref<1x1x128xi32, #tpu.memory_space<vmem>> -> memref<128xi32, #tpu.memory_space<vmem>>
        %dma_start3A_62 = arith.constant 0 : i32
        %dma_start3A_63 = arith.constant 0 : i32
        %dma_start3A_64 = tpu.memref_slice %arg2[%dma_start3A_62, %dma_start3A_63] : memref<10000x128xf32, #tpu.memory_space<hbm>> -> memref<10000x128xf32, #tpu.memory_space<hbm>>
        tpu.enqueue_indirect_dma source(%dma_start3A_64 : memref<10000x128xf32, #tpu.memory_space<hbm>>) target(%arg7 : memref<128x128xf32, #tpu.memory_space<vmem>>) offsets(%dma_start3A_61 : memref<128xi32, #tpu.memory_space<vmem>>) semaphore(%run_scoped3A_59 : memref<!tpu.dma_semaphore, #tpu.memory_space<semaphore_mem>>)
        %dma_wait3A = arith.constant 0 : i32
        %dma_wait3A_65 = tpu.memref_slice %arg6[%run_scoped3A, %run_scoped3A_28, %dma_wait3A] : memref<2x8x128xi32, #tpu.memory_space<vmem>> -> memref<1x1x128xi32, #tpu.memory_space<vmem>>
        %dma_wait3A_66 = tpu.memref_squeeze %dma_wait3A_65 : memref<1x1x128xi32, #tpu.memory_space<vmem>> -> memref<128xi32, #tpu.memory_space<vmem>>
        %dma_wait3A_67 = arith.constant 0 : i32
        %dma_wait3A_68 = arith.constant 0 : i32
        %dma_wait3A_69 = tpu.memref_slice %arg2[%dma_wait3A_67, %dma_wait3A_68] : memref<10000x128xf32, #tpu.memory_space<hbm>> -> memref<10000x128xf32, #tpu.memory_space<hbm>>
        tpu.wait_indirect_dma semaphore(%run_scoped3A_59 : memref<!tpu.dma_semaphore, #tpu.memory_space<semaphore_mem>>) src(%dma_wait3A_69 : memref<10000x128xf32, #tpu.memory_space<hbm>>) dst(%arg7 : memref<128x128xf32, #tpu.memory_space<vmem>>)
        tpu.yield
      }) : () -> ()
      %run_scoped3A_29 = arith.constant 1 : i32
      %run_scoped3A_30 = arith.constant 0 : i32
      "tpu.region"() ({
        %run_scoped3A_59 = tpu.sem_alloc : memref<!tpu.dma_semaphore, #tpu.memory_space<semaphore_mem>>
        %dma_start3A = arith.constant 0 : i32
        %dma_start3A_60 = tpu.memref_slice %arg6[%run_scoped3A_29, %run_scoped3A_30, %dma_start3A] : memref<2x8x128xi32, #tpu.memory_space<vmem>> -> memref<1x1x128xi32, #tpu.memory_space<vmem>>
        %dma_start3A_61 = tpu.memref_squeeze %dma_start3A_60 : memref<1x1x128xi32, #tpu.memory_space<vmem>> -> memref<128xi32, #tpu.memory_space<vmem>>
        %dma_start3A_62 = arith.constant 0 : i32
        %dma_start3A_63 = arith.constant 0 : i32
        %dma_start3A_64 = tpu.memref_slice %arg5[%dma_start3A_62, %dma_start3A_63] : memref<10112x128xf32, #tpu.memory_space<vmem_shared>> -> memref<10112x128xf32, #tpu.memory_space<vmem_shared>>
        tpu.enqueue_indirect_dma source(%arg7 : memref<128x128xf32, #tpu.memory_space<vmem>>) target(%dma_start3A_64 : memref<10112x128xf32, #tpu.memory_space<vmem_shared>>) offsets(%dma_start3A_61 : memref<128xi32, #tpu.memory_space<vmem>>) semaphore(%run_scoped3A_59 : memref<!tpu.dma_semaphore, #tpu.memory_space<semaphore_mem>>) {add = true}
        %dma_wait3A = arith.constant 0 : i32
        %dma_wait3A_65 = tpu.memref_slice %arg6[%run_scoped3A_29, %run_scoped3A_30, %dma_wait3A] : memref<2x8x128xi32, #tpu.memory_space<vmem>> -> memref<1x1x128xi32, #tpu.memory_space<vmem>>
        %dma_wait3A_66 = tpu.memref_squeeze %dma_wait3A_65 : memref<1x1x128xi32, #tpu.memory_space<vmem>> -> memref<128xi32, #tpu.memory_space<vmem>>
        %dma_wait3A_67 = arith.constant 0 : i32
        %dma_wait3A_68 = arith.constant 0 : i32
        %dma_wait3A_69 = tpu.memref_slice %arg5[%dma_wait3A_67, %dma_wait3A_68] : memref<10112x128xf32, #tpu.memory_space<vmem_shared>> -> memref<10112x128xf32, #tpu.memory_space<vmem_shared>>
        tpu.wait_indirect_dma semaphore(%run_scoped3A_59 : memref<!tpu.dma_semaphore, #tpu.memory_space<semaphore_mem>>) src(%arg7 : memref<128x128xf32, #tpu.memory_space<vmem>>) dst(%dma_wait3A_69 : memref<10112x128xf32, #tpu.memory_space<vmem_shared>>)
        tpu.yield
      }) : () -> ()
      %run_scoped3A_31 = arith.constant 0 : i32
      %run_scoped3A_32 = arith.constant 1 : i32
      "tpu.region"() ({
        %run_scoped3A_59 = tpu.sem_alloc : memref<!tpu.dma_semaphore, #tpu.memory_space<semaphore_mem>>
        %dma_start3A = arith.constant 0 : i32
        %dma_start3A_60 = tpu.memref_slice %arg6[%run_scoped3A_31, %run_scoped3A_32, %dma_start3A] : memref<2x8x128xi32, #tpu.memory_space<vmem>> -> memref<1x1x128xi32, #tpu.memory_space<vmem>>
        %dma_start3A_61 = tpu.memref_squeeze %dma_start3A_60 : memref<1x1x128xi32, #tpu.memory_space<vmem>> -> memref<128xi32, #tpu.memory_space<vmem>>
        %dma_start3A_62 = arith.constant 0 : i32
        %dma_start3A_63 = arith.constant 0 : i32
        %dma_start3A_64 = tpu.memref_slice %arg2[%dma_start3A_62, %dma_start3A_63] : memref<10000x128xf32, #tpu.memory_space<hbm>> -> memref<10000x128xf32, #tpu.memory_space<hbm>>
        tpu.enqueue_indirect_dma source(%dma_start3A_64 : memref<10000x128xf32, #tpu.memory_space<hbm>>) target(%arg7 : memref<128x128xf32, #tpu.memory_space<vmem>>) offsets(%dma_start3A_61 : memref<128xi32, #tpu.memory_space<vmem>>) semaphore(%run_scoped3A_59 : memref<!tpu.dma_semaphore, #tpu.memory_space<semaphore_mem>>)
        %dma_wait3A = arith.constant 0 : i32
        %dma_wait3A_65 = tpu.memref_slice %arg6[%run_scoped3A_31, %run_scoped3A_32, %dma_wait3A] : memref<2x8x128xi32, #tpu.memory_space<vmem>> -> memref<1x1x128xi32, #tpu.memory_space<vmem>>
        %dma_wait3A_66 = tpu.memref_squeeze %dma_wait3A_65 : memref<1x1x128xi32, #tpu.memory_space<vmem>> -> memref<128xi32, #tpu.memory_space<vmem>>
        %dma_wait3A_67 = arith.constant 0 : i32
        %dma_wait3A_68 = arith.constant 0 : i32
        %dma_wait3A_69 = tpu.memref_slice %arg2[%dma_wait3A_67, %dma_wait3A_68] : memref<10000x128xf32, #tpu.memory_space<hbm>> -> memref<10000x128xf32, #tpu.memory_space<hbm>>
        tpu.wait_indirect_dma semaphore(%run_scoped3A_59 : memref<!tpu.dma_semaphore, #tpu.memory_space<semaphore_mem>>) src(%dma_wait3A_69 : memref<10000x128xf32, #tpu.memory_space<hbm>>) dst(%arg7 : memref<128x128xf32, #tpu.memory_space<vmem>>)
        tpu.yield
      }) : () -> ()
      %run_scoped3A_33 = arith.constant 1 : i32
      %run_scoped3A_34 = arith.constant 1 : i32
      "tpu.region"() ({
        %run_scoped3A_59 = tpu.sem_alloc : memref<!tpu.dma_semaphore, #tpu.memory_space<semaphore_mem>>
        %dma_start3A = arith.constant 0 : i32
        %dma_start3A_60 = tpu.memref_slice %arg6[%run_scoped3A_33, %run_scoped3A_34, %dma_start3A] : memref<2x8x128xi32, #tpu.memory_space<vmem>> -> memref<1x1x128xi32, #tpu.memory_space<vmem>>
        %dma_start3A_61 = tpu.memref_squeeze %dma_start3A_60 : memref<1x1x128xi32, #tpu.memory_space<vmem>> -> memref<128xi32, #tpu.memory_space<vmem>>
        %dma_start3A_62 = arith.constant 0 : i32
        %dma_start3A_63 = arith.constant 0 : i32
        %dma_start3A_64 = tpu.memref_slice %arg5[%dma_start3A_62, %dma_start3A_63] : memref<10112x128xf32, #tpu.memory_space<vmem_shared>> -> memref<10112x128xf32, #tpu.memory_space<vmem_shared>>
        tpu.enqueue_indirect_dma source(%arg7 : memref<128x128xf32, #tpu.memory_space<vmem>>) target(%dma_start3A_64 : memref<10112x128xf32, #tpu.memory_space<vmem_shared>>) offsets(%dma_start3A_61 : memref<128xi32, #tpu.memory_space<vmem>>) semaphore(%run_scoped3A_59 : memref<!tpu.dma_semaphore, #tpu.memory_space<semaphore_mem>>) {add = true}
        %dma_wait3A = arith.constant 0 : i32
        %dma_wait3A_65 = tpu.memref_slice %arg6[%run_scoped3A_33, %run_scoped3A_34, %dma_wait3A] : memref<2x8x128xi32, #tpu.memory_space<vmem>> -> memref<1x1x128xi32, #tpu.memory_space<vmem>>
        %dma_wait3A_66 = tpu.memref_squeeze %dma_wait3A_65 : memref<1x1x128xi32, #tpu.memory_space<vmem>> -> memref<128xi32, #tpu.memory_space<vmem>>
        %dma_wait3A_67 = arith.constant 0 : i32
        %dma_wait3A_68 = arith.constant 0 : i32
        %dma_wait3A_69 = tpu.memref_slice %arg5[%dma_wait3A_67, %dma_wait3A_68] : memref<10112x128xf32, #tpu.memory_space<vmem_shared>> -> memref<10112x128xf32, #tpu.memory_space<vmem_shared>>
        tpu.wait_indirect_dma semaphore(%run_scoped3A_59 : memref<!tpu.dma_semaphore, #tpu.memory_space<semaphore_mem>>) src(%arg7 : memref<128x128xf32, #tpu.memory_space<vmem>>) dst(%dma_wait3A_69 : memref<10112x128xf32, #tpu.memory_space<vmem_shared>>)
        tpu.yield
      }) : () -> ()
      %run_scoped3A_35 = arith.constant 0 : i32
      %run_scoped3A_36 = arith.constant 2 : i32
      "tpu.region"() ({
        %run_scoped3A_59 = tpu.sem_alloc : memref<!tpu.dma_semaphore, #tpu.memory_space<semaphore_mem>>
        %dma_start3A = arith.constant 0 : i32
        %dma_start3A_60 = tpu.memref_slice %arg6[%run_scoped3A_35, %run_scoped3A_36, %dma_start3A] : memref<2x8x128xi32, #tpu.memory_space<vmem>> -> memref<1x1x128xi32, #tpu.memory_space<vmem>>
        %dma_start3A_61 = tpu.memref_squeeze %dma_start3A_60 : memref<1x1x128xi32, #tpu.memory_space<vmem>> -> memref<128xi32, #tpu.memory_space<vmem>>
        %dma_start3A_62 = arith.constant 0 : i32
        %dma_start3A_63 = arith.constant 0 : i32
        %dma_start3A_64 = tpu.memref_slice %arg2[%dma_start3A_62, %dma_start3A_63] : memref<10000x128xf32, #tpu.memory_space<hbm>> -> memref<10000x128xf32, #tpu.memory_space<hbm>>
        tpu.enqueue_indirect_dma source(%dma_start3A_64 : memref<10000x128xf32, #tpu.memory_space<hbm>>) target(%arg7 : memref<128x128xf32, #tpu.memory_space<vmem>>) offsets(%dma_start3A_61 : memref<128xi32, #tpu.memory_space<vmem>>) semaphore(%run_scoped3A_59 : memref<!tpu.dma_semaphore, #tpu.memory_space<semaphore_mem>>)
        %dma_wait3A = arith.constant 0 : i32
        %dma_wait3A_65 = tpu.memref_slice %arg6[%run_scoped3A_35, %run_scoped3A_36, %dma_wait3A] : memref<2x8x128xi32, #tpu.memory_space<vmem>> -> memref<1x1x128xi32, #tpu.memory_space<vmem>>
        %dma_wait3A_66 = tpu.memref_squeeze %dma_wait3A_65 : memref<1x1x128xi32, #tpu.memory_space<vmem>> -> memref<128xi32, #tpu.memory_space<vmem>>
        %dma_wait3A_67 = arith.constant 0 : i32
        %dma_wait3A_68 = arith.constant 0 : i32
        %dma_wait3A_69 = tpu.memref_slice %arg2[%dma_wait3A_67, %dma_wait3A_68] : memref<10000x128xf32, #tpu.memory_space<hbm>> -> memref<10000x128xf32, #tpu.memory_space<hbm>>
        tpu.wait_indirect_dma semaphore(%run_scoped3A_59 : memref<!tpu.dma_semaphore, #tpu.memory_space<semaphore_mem>>) src(%dma_wait3A_69 : memref<10000x128xf32, #tpu.memory_space<hbm>>) dst(%arg7 : memref<128x128xf32, #tpu.memory_space<vmem>>)
        tpu.yield
      }) : () -> ()
      %run_scoped3A_37 = arith.constant 1 : i32
      %run_scoped3A_38 = arith.constant 2 : i32
      "tpu.region"() ({
        %run_scoped3A_59 = tpu.sem_alloc : memref<!tpu.dma_semaphore, #tpu.memory_space<semaphore_mem>>
        %dma_start3A = arith.constant 0 : i32
        %dma_start3A_60 = tpu.memref_slice %arg6[%run_scoped3A_37, %run_scoped3A_38, %dma_start3A] : memref<2x8x128xi32, #tpu.memory_space<vmem>> -> memref<1x1x128xi32, #tpu.memory_space<vmem>>
        %dma_start3A_61 = tpu.memref_squeeze %dma_start3A_60 : memref<1x1x128xi32, #tpu.memory_space<vmem>> -> memref<128xi32, #tpu.memory_space<vmem>>
        %dma_start3A_62 = arith.constant 0 : i32
        %dma_start3A_63 = arith.constant 0 : i32
        %dma_start3A_64 = tpu.memref_slice %arg5[%dma_start3A_62, %dma_start3A_63] : memref<10112x128xf32, #tpu.memory_space<vmem_shared>> -> memref<10112x128xf32, #tpu.memory_space<vmem_shared>>
        tpu.enqueue_indirect_dma source(%arg7 : memref<128x128xf32, #tpu.memory_space<vmem>>) target(%dma_start3A_64 : memref<10112x128xf32, #tpu.memory_space<vmem_shared>>) offsets(%dma_start3A_61 : memref<128xi32, #tpu.memory_space<vmem>>) semaphore(%run_scoped3A_59 : memref<!tpu.dma_semaphore, #tpu.memory_space<semaphore_mem>>) {add = true}
        %dma_wait3A = arith.constant 0 : i32
        %dma_wait3A_65 = tpu.memref_slice %arg6[%run_scoped3A_37, %run_scoped3A_38, %dma_wait3A] : memref<2x8x128xi32, #tpu.memory_space<vmem>> -> memref<1x1x128xi32, #tpu.memory_space<vmem>>
        %dma_wait3A_66 = tpu.memref_squeeze %dma_wait3A_65 : memref<1x1x128xi32, #tpu.memory_space<vmem>> -> memref<128xi32, #tpu.memory_space<vmem>>
        %dma_wait3A_67 = arith.constant 0 : i32
        %dma_wait3A_68 = arith.constant 0 : i32
        %dma_wait3A_69 = tpu.memref_slice %arg5[%dma_wait3A_67, %dma_wait3A_68] : memref<10112x128xf32, #tpu.memory_space<vmem_shared>> -> memref<10112x128xf32, #tpu.memory_space<vmem_shared>>
        tpu.wait_indirect_dma semaphore(%run_scoped3A_59 : memref<!tpu.dma_semaphore, #tpu.memory_space<semaphore_mem>>) src(%arg7 : memref<128x128xf32, #tpu.memory_space<vmem>>) dst(%dma_wait3A_69 : memref<10112x128xf32, #tpu.memory_space<vmem_shared>>)
        tpu.yield
      }) : () -> ()
      %run_scoped3A_39 = arith.constant 0 : i32
      %run_scoped3A_40 = arith.constant 3 : i32
      "tpu.region"() ({
        %run_scoped3A_59 = tpu.sem_alloc : memref<!tpu.dma_semaphore, #tpu.memory_space<semaphore_mem>>
        %dma_start3A = arith.constant 0 : i32
        %dma_start3A_60 = tpu.memref_slice %arg6[%run_scoped3A_39, %run_scoped3A_40, %dma_start3A] : memref<2x8x128xi32, #tpu.memory_space<vmem>> -> memref<1x1x128xi32, #tpu.memory_space<vmem>>
        %dma_start3A_61 = tpu.memref_squeeze %dma_start3A_60 : memref<1x1x128xi32, #tpu.memory_space<vmem>> -> memref<128xi32, #tpu.memory_space<vmem>>
        %dma_start3A_62 = arith.constant 0 : i32
        %dma_start3A_63 = arith.constant 0 : i32
        %dma_start3A_64 = tpu.memref_slice %arg2[%dma_start3A_62, %dma_start3A_63] : memref<10000x128xf32, #tpu.memory_space<hbm>> -> memref<10000x128xf32, #tpu.memory_space<hbm>>
        tpu.enqueue_indirect_dma source(%dma_start3A_64 : memref<10000x128xf32, #tpu.memory_space<hbm>>) target(%arg7 : memref<128x128xf32, #tpu.memory_space<vmem>>) offsets(%dma_start3A_61 : memref<128xi32, #tpu.memory_space<vmem>>) semaphore(%run_scoped3A_59 : memref<!tpu.dma_semaphore, #tpu.memory_space<semaphore_mem>>)
        %dma_wait3A = arith.constant 0 : i32
        %dma_wait3A_65 = tpu.memref_slice %arg6[%run_scoped3A_39, %run_scoped3A_40, %dma_wait3A] : memref<2x8x128xi32, #tpu.memory_space<vmem>> -> memref<1x1x128xi32, #tpu.memory_space<vmem>>
        %dma_wait3A_66 = tpu.memref_squeeze %dma_wait3A_65 : memref<1x1x128xi32, #tpu.memory_space<vmem>> -> memref<128xi32, #tpu.memory_space<vmem>>
        %dma_wait3A_67 = arith.constant 0 : i32
        %dma_wait3A_68 = arith.constant 0 : i32
        %dma_wait3A_69 = tpu.memref_slice %arg2[%dma_wait3A_67, %dma_wait3A_68] : memref<10000x128xf32, #tpu.memory_space<hbm>> -> memref<10000x128xf32, #tpu.memory_space<hbm>>
        tpu.wait_indirect_dma semaphore(%run_scoped3A_59 : memref<!tpu.dma_semaphore, #tpu.memory_space<semaphore_mem>>) src(%dma_wait3A_69 : memref<10000x128xf32, #tpu.memory_space<hbm>>) dst(%arg7 : memref<128x128xf32, #tpu.memory_space<vmem>>)
        tpu.yield
      }) : () -> ()
      %run_scoped3A_41 = arith.constant 1 : i32
      %run_scoped3A_42 = arith.constant 3 : i32
      "tpu.region"() ({
        %run_scoped3A_59 = tpu.sem_alloc : memref<!tpu.dma_semaphore, #tpu.memory_space<semaphore_mem>>
        %dma_start3A = arith.constant 0 : i32
        %dma_start3A_60 = tpu.memref_slice %arg6[%run_scoped3A_41, %run_scoped3A_42, %dma_start3A] : memref<2x8x128xi32, #tpu.memory_space<vmem>> -> memref<1x1x128xi32, #tpu.memory_space<vmem>>
        %dma_start3A_61 = tpu.memref_squeeze %dma_start3A_60 : memref<1x1x128xi32, #tpu.memory_space<vmem>> -> memref<128xi32, #tpu.memory_space<vmem>>
        %dma_start3A_62 = arith.constant 0 : i32
        %dma_start3A_63 = arith.constant 0 : i32
        %dma_start3A_64 = tpu.memref_slice %arg5[%dma_start3A_62, %dma_start3A_63] : memref<10112x128xf32, #tpu.memory_space<vmem_shared>> -> memref<10112x128xf32, #tpu.memory_space<vmem_shared>>
        tpu.enqueue_indirect_dma source(%arg7 : memref<128x128xf32, #tpu.memory_space<vmem>>) target(%dma_start3A_64 : memref<10112x128xf32, #tpu.memory_space<vmem_shared>>) offsets(%dma_start3A_61 : memref<128xi32, #tpu.memory_space<vmem>>) semaphore(%run_scoped3A_59 : memref<!tpu.dma_semaphore, #tpu.memory_space<semaphore_mem>>) {add = true}
        %dma_wait3A = arith.constant 0 : i32
        %dma_wait3A_65 = tpu.memref_slice %arg6[%run_scoped3A_41, %run_scoped3A_42, %dma_wait3A] : memref<2x8x128xi32, #tpu.memory_space<vmem>> -> memref<1x1x128xi32, #tpu.memory_space<vmem>>
        %dma_wait3A_66 = tpu.memref_squeeze %dma_wait3A_65 : memref<1x1x128xi32, #tpu.memory_space<vmem>> -> memref<128xi32, #tpu.memory_space<vmem>>
        %dma_wait3A_67 = arith.constant 0 : i32
        %dma_wait3A_68 = arith.constant 0 : i32
        %dma_wait3A_69 = tpu.memref_slice %arg5[%dma_wait3A_67, %dma_wait3A_68] : memref<10112x128xf32, #tpu.memory_space<vmem_shared>> -> memref<10112x128xf32, #tpu.memory_space<vmem_shared>>
        tpu.wait_indirect_dma semaphore(%run_scoped3A_59 : memref<!tpu.dma_semaphore, #tpu.memory_space<semaphore_mem>>) src(%arg7 : memref<128x128xf32, #tpu.memory_space<vmem>>) dst(%dma_wait3A_69 : memref<10112x128xf32, #tpu.memory_space<vmem_shared>>)
        tpu.yield
      }) : () -> ()
      %run_scoped3A_43 = arith.constant 0 : i32
      %run_scoped3A_44 = arith.constant 4 : i32
      "tpu.region"() ({
        %run_scoped3A_59 = tpu.sem_alloc : memref<!tpu.dma_semaphore, #tpu.memory_space<semaphore_mem>>
        %dma_start3A = arith.constant 0 : i32
        %dma_start3A_60 = tpu.memref_slice %arg6[%run_scoped3A_43, %run_scoped3A_44, %dma_start3A] : memref<2x8x128xi32, #tpu.memory_space<vmem>> -> memref<1x1x128xi32, #tpu.memory_space<vmem>>
        %dma_start3A_61 = tpu.memref_squeeze %dma_start3A_60 : memref<1x1x128xi32, #tpu.memory_space<vmem>> -> memref<128xi32, #tpu.memory_space<vmem>>
        %dma_start3A_62 = arith.constant 0 : i32
        %dma_start3A_63 = arith.constant 0 : i32
        %dma_start3A_64 = tpu.memref_slice %arg2[%dma_start3A_62, %dma_start3A_63] : memref<10000x128xf32, #tpu.memory_space<hbm>> -> memref<10000x128xf32, #tpu.memory_space<hbm>>
        tpu.enqueue_indirect_dma source(%dma_start3A_64 : memref<10000x128xf32, #tpu.memory_space<hbm>>) target(%arg7 : memref<128x128xf32, #tpu.memory_space<vmem>>) offsets(%dma_start3A_61 : memref<128xi32, #tpu.memory_space<vmem>>) semaphore(%run_scoped3A_59 : memref<!tpu.dma_semaphore, #tpu.memory_space<semaphore_mem>>)
        %dma_wait3A = arith.constant 0 : i32
        %dma_wait3A_65 = tpu.memref_slice %arg6[%run_scoped3A_43, %run_scoped3A_44, %dma_wait3A] : memref<2x8x128xi32, #tpu.memory_space<vmem>> -> memref<1x1x128xi32, #tpu.memory_space<vmem>>
        %dma_wait3A_66 = tpu.memref_squeeze %dma_wait3A_65 : memref<1x1x128xi32, #tpu.memory_space<vmem>> -> memref<128xi32, #tpu.memory_space<vmem>>
        %dma_wait3A_67 = arith.constant 0 : i32
        %dma_wait3A_68 = arith.constant 0 : i32
        %dma_wait3A_69 = tpu.memref_slice %arg2[%dma_wait3A_67, %dma_wait3A_68] : memref<10000x128xf32, #tpu.memory_space<hbm>> -> memref<10000x128xf32, #tpu.memory_space<hbm>>
        tpu.wait_indirect_dma semaphore(%run_scoped3A_59 : memref<!tpu.dma_semaphore, #tpu.memory_space<semaphore_mem>>) src(%dma_wait3A_69 : memref<10000x128xf32, #tpu.memory_space<hbm>>) dst(%arg7 : memref<128x128xf32, #tpu.memory_space<vmem>>)
        tpu.yield
      }) : () -> ()
      %run_scoped3A_45 = arith.constant 1 : i32
      %run_scoped3A_46 = arith.constant 4 : i32
      "tpu.region"() ({
        %run_scoped3A_59 = tpu.sem_alloc : memref<!tpu.dma_semaphore, #tpu.memory_space<semaphore_mem>>
        %dma_start3A = arith.constant 0 : i32
        %dma_start3A_60 = tpu.memref_slice %arg6[%run_scoped3A_45, %run_scoped3A_46, %dma_start3A] : memref<2x8x128xi32, #tpu.memory_space<vmem>> -> memref<1x1x128xi32, #tpu.memory_space<vmem>>
        %dma_start3A_61 = tpu.memref_squeeze %dma_start3A_60 : memref<1x1x128xi32, #tpu.memory_space<vmem>> -> memref<128xi32, #tpu.memory_space<vmem>>
        %dma_start3A_62 = arith.constant 0 : i32
        %dma_start3A_63 = arith.constant 0 : i32
        %dma_start3A_64 = tpu.memref_slice %arg5[%dma_start3A_62, %dma_start3A_63] : memref<10112x128xf32, #tpu.memory_space<vmem_shared>> -> memref<10112x128xf32, #tpu.memory_space<vmem_shared>>
        tpu.enqueue_indirect_dma source(%arg7 : memref<128x128xf32, #tpu.memory_space<vmem>>) target(%dma_start3A_64 : memref<10112x128xf32, #tpu.memory_space<vmem_shared>>) offsets(%dma_start3A_61 : memref<128xi32, #tpu.memory_space<vmem>>) semaphore(%run_scoped3A_59 : memref<!tpu.dma_semaphore, #tpu.memory_space<semaphore_mem>>) {add = true}
        %dma_wait3A = arith.constant 0 : i32
        %dma_wait3A_65 = tpu.memref_slice %arg6[%run_scoped3A_45, %run_scoped3A_46, %dma_wait3A] : memref<2x8x128xi32, #tpu.memory_space<vmem>> -> memref<1x1x128xi32, #tpu.memory_space<vmem>>
        %dma_wait3A_66 = tpu.memref_squeeze %dma_wait3A_65 : memref<1x1x128xi32, #tpu.memory_space<vmem>> -> memref<128xi32, #tpu.memory_space<vmem>>
        %dma_wait3A_67 = arith.constant 0 : i32
        %dma_wait3A_68 = arith.constant 0 : i32
        %dma_wait3A_69 = tpu.memref_slice %arg5[%dma_wait3A_67, %dma_wait3A_68] : memref<10112x128xf32, #tpu.memory_space<vmem_shared>> -> memref<10112x128xf32, #tpu.memory_space<vmem_shared>>
        tpu.wait_indirect_dma semaphore(%run_scoped3A_59 : memref<!tpu.dma_semaphore, #tpu.memory_space<semaphore_mem>>) src(%arg7 : memref<128x128xf32, #tpu.memory_space<vmem>>) dst(%dma_wait3A_69 : memref<10112x128xf32, #tpu.memory_space<vmem_shared>>)
        tpu.yield
      }) : () -> ()
      %run_scoped3A_47 = arith.constant 0 : i32
      %run_scoped3A_48 = arith.constant 5 : i32
      "tpu.region"() ({
        %run_scoped3A_59 = tpu.sem_alloc : memref<!tpu.dma_semaphore, #tpu.memory_space<semaphore_mem>>
        %dma_start3A = arith.constant 0 : i32
        %dma_start3A_60 = tpu.memref_slice %arg6[%run_scoped3A_47, %run_scoped3A_48, %dma_start3A] : memref<2x8x128xi32, #tpu.memory_space<vmem>> -> memref<1x1x128xi32, #tpu.memory_space<vmem>>
        %dma_start3A_61 = tpu.memref_squeeze %dma_start3A_60 : memref<1x1x128xi32, #tpu.memory_space<vmem>> -> memref<128xi32, #tpu.memory_space<vmem>>
        %dma_start3A_62 = arith.constant 0 : i32
        %dma_start3A_63 = arith.constant 0 : i32
        %dma_start3A_64 = tpu.memref_slice %arg2[%dma_start3A_62, %dma_start3A_63] : memref<10000x128xf32, #tpu.memory_space<hbm>> -> memref<10000x128xf32, #tpu.memory_space<hbm>>
        tpu.enqueue_indirect_dma source(%dma_start3A_64 : memref<10000x128xf32, #tpu.memory_space<hbm>>) target(%arg7 : memref<128x128xf32, #tpu.memory_space<vmem>>) offsets(%dma_start3A_61 : memref<128xi32, #tpu.memory_space<vmem>>) semaphore(%run_scoped3A_59 : memref<!tpu.dma_semaphore, #tpu.memory_space<semaphore_mem>>)
        %dma_wait3A = arith.constant 0 : i32
        %dma_wait3A_65 = tpu.memref_slice %arg6[%run_scoped3A_47, %run_scoped3A_48, %dma_wait3A] : memref<2x8x128xi32, #tpu.memory_space<vmem>> -> memref<1x1x128xi32, #tpu.memory_space<vmem>>
        %dma_wait3A_66 = tpu.memref_squeeze %dma_wait3A_65 : memref<1x1x128xi32, #tpu.memory_space<vmem>> -> memref<128xi32, #tpu.memory_space<vmem>>
        %dma_wait3A_67 = arith.constant 0 : i32
        %dma_wait3A_68 = arith.constant 0 : i32
        %dma_wait3A_69 = tpu.memref_slice %arg2[%dma_wait3A_67, %dma_wait3A_68] : memref<10000x128xf32, #tpu.memory_space<hbm>> -> memref<10000x128xf32, #tpu.memory_space<hbm>>
        tpu.wait_indirect_dma semaphore(%run_scoped3A_59 : memref<!tpu.dma_semaphore, #tpu.memory_space<semaphore_mem>>) src(%dma_wait3A_69 : memref<10000x128xf32, #tpu.memory_space<hbm>>) dst(%arg7 : memref<128x128xf32, #tpu.memory_space<vmem>>)
        tpu.yield
      }) : () -> ()
      %run_scoped3A_49 = arith.constant 1 : i32
      %run_scoped3A_50 = arith.constant 5 : i32
      "tpu.region"() ({
        %run_scoped3A_59 = tpu.sem_alloc : memref<!tpu.dma_semaphore, #tpu.memory_space<semaphore_mem>>
        %dma_start3A = arith.constant 0 : i32
        %dma_start3A_60 = tpu.memref_slice %arg6[%run_scoped3A_49, %run_scoped3A_50, %dma_start3A] : memref<2x8x128xi32, #tpu.memory_space<vmem>> -> memref<1x1x128xi32, #tpu.memory_space<vmem>>
        %dma_start3A_61 = tpu.memref_squeeze %dma_start3A_60 : memref<1x1x128xi32, #tpu.memory_space<vmem>> -> memref<128xi32, #tpu.memory_space<vmem>>
        %dma_start3A_62 = arith.constant 0 : i32
        %dma_start3A_63 = arith.constant 0 : i32
        %dma_start3A_64 = tpu.memref_slice %arg5[%dma_start3A_62, %dma_start3A_63] : memref<10112x128xf32, #tpu.memory_space<vmem_shared>> -> memref<10112x128xf32, #tpu.memory_space<vmem_shared>>
        tpu.enqueue_indirect_dma source(%arg7 : memref<128x128xf32, #tpu.memory_space<vmem>>) target(%dma_start3A_64 : memref<10112x128xf32, #tpu.memory_space<vmem_shared>>) offsets(%dma_start3A_61 : memref<128xi32, #tpu.memory_space<vmem>>) semaphore(%run_scoped3A_59 : memref<!tpu.dma_semaphore, #tpu.memory_space<semaphore_mem>>) {add = true}
        %dma_wait3A = arith.constant 0 : i32
        %dma_wait3A_65 = tpu.memref_slice %arg6[%run_scoped3A_49, %run_scoped3A_50, %dma_wait3A] : memref<2x8x128xi32, #tpu.memory_space<vmem>> -> memref<1x1x128xi32, #tpu.memory_space<vmem>>
        %dma_wait3A_66 = tpu.memref_squeeze %dma_wait3A_65 : memref<1x1x128xi32, #tpu.memory_space<vmem>> -> memref<128xi32, #tpu.memory_space<vmem>>
        %dma_wait3A_67 = arith.constant 0 : i32
        %dma_wait3A_68 = arith.constant 0 : i32
        %dma_wait3A_69 = tpu.memref_slice %arg5[%dma_wait3A_67, %dma_wait3A_68] : memref<10112x128xf32, #tpu.memory_space<vmem_shared>> -> memref<10112x128xf32, #tpu.memory_space<vmem_shared>>
        tpu.wait_indirect_dma semaphore(%run_scoped3A_59 : memref<!tpu.dma_semaphore, #tpu.memory_space<semaphore_mem>>) src(%arg7 : memref<128x128xf32, #tpu.memory_space<vmem>>) dst(%dma_wait3A_69 : memref<10112x128xf32, #tpu.memory_space<vmem_shared>>)
        tpu.yield
      }) : () -> ()
      %run_scoped3A_51 = arith.constant 0 : i32
      %run_scoped3A_52 = arith.constant 6 : i32
      "tpu.region"() ({
        %run_scoped3A_59 = tpu.sem_alloc : memref<!tpu.dma_semaphore, #tpu.memory_space<semaphore_mem>>
        %dma_start3A = arith.constant 0 : i32
        %dma_start3A_60 = tpu.memref_slice %arg6[%run_scoped3A_51, %run_scoped3A_52, %dma_start3A] : memref<2x8x128xi32, #tpu.memory_space<vmem>> -> memref<1x1x128xi32, #tpu.memory_space<vmem>>
        %dma_start3A_61 = tpu.memref_squeeze %dma_start3A_60 : memref<1x1x128xi32, #tpu.memory_space<vmem>> -> memref<128xi32, #tpu.memory_space<vmem>>
        %dma_start3A_62 = arith.constant 0 : i32
        %dma_start3A_63 = arith.constant 0 : i32
        %dma_start3A_64 = tpu.memref_slice %arg2[%dma_start3A_62, %dma_start3A_63] : memref<10000x128xf32, #tpu.memory_space<hbm>> -> memref<10000x128xf32, #tpu.memory_space<hbm>>
        tpu.enqueue_indirect_dma source(%dma_start3A_64 : memref<10000x128xf32, #tpu.memory_space<hbm>>) target(%arg7 : memref<128x128xf32, #tpu.memory_space<vmem>>) offsets(%dma_start3A_61 : memref<128xi32, #tpu.memory_space<vmem>>) semaphore(%run_scoped3A_59 : memref<!tpu.dma_semaphore, #tpu.memory_space<semaphore_mem>>)
        %dma_wait3A = arith.constant 0 : i32
        %dma_wait3A_65 = tpu.memref_slice %arg6[%run_scoped3A_51, %run_scoped3A_52, %dma_wait3A] : memref<2x8x128xi32, #tpu.memory_space<vmem>> -> memref<1x1x128xi32, #tpu.memory_space<vmem>>
        %dma_wait3A_66 = tpu.memref_squeeze %dma_wait3A_65 : memref<1x1x128xi32, #tpu.memory_space<vmem>> -> memref<128xi32, #tpu.memory_space<vmem>>
        %dma_wait3A_67 = arith.constant 0 : i32
        %dma_wait3A_68 = arith.constant 0 : i32
        %dma_wait3A_69 = tpu.memref_slice %arg2[%dma_wait3A_67, %dma_wait3A_68] : memref<10000x128xf32, #tpu.memory_space<hbm>> -> memref<10000x128xf32, #tpu.memory_space<hbm>>
        tpu.wait_indirect_dma semaphore(%run_scoped3A_59 : memref<!tpu.dma_semaphore, #tpu.memory_space<semaphore_mem>>) src(%dma_wait3A_69 : memref<10000x128xf32, #tpu.memory_space<hbm>>) dst(%arg7 : memref<128x128xf32, #tpu.memory_space<vmem>>)
        tpu.yield
      }) : () -> ()
      %run_scoped3A_53 = arith.constant 1 : i32
      %run_scoped3A_54 = arith.constant 6 : i32
      "tpu.region"() ({
        %run_scoped3A_59 = tpu.sem_alloc : memref<!tpu.dma_semaphore, #tpu.memory_space<semaphore_mem>>
        %dma_start3A = arith.constant 0 : i32
        %dma_start3A_60 = tpu.memref_slice %arg6[%run_scoped3A_53, %run_scoped3A_54, %dma_start3A] : memref<2x8x128xi32, #tpu.memory_space<vmem>> -> memref<1x1x128xi32, #tpu.memory_space<vmem>>
        %dma_start3A_61 = tpu.memref_squeeze %dma_start3A_60 : memref<1x1x128xi32, #tpu.memory_space<vmem>> -> memref<128xi32, #tpu.memory_space<vmem>>
        %dma_start3A_62 = arith.constant 0 : i32
        %dma_start3A_63 = arith.constant 0 : i32
        %dma_start3A_64 = tpu.memref_slice %arg5[%dma_start3A_62, %dma_start3A_63] : memref<10112x128xf32, #tpu.memory_space<vmem_shared>> -> memref<10112x128xf32, #tpu.memory_space<vmem_shared>>
        tpu.enqueue_indirect_dma source(%arg7 : memref<128x128xf32, #tpu.memory_space<vmem>>) target(%dma_start3A_64 : memref<10112x128xf32, #tpu.memory_space<vmem_shared>>) offsets(%dma_start3A_61 : memref<128xi32, #tpu.memory_space<vmem>>) semaphore(%run_scoped3A_59 : memref<!tpu.dma_semaphore, #tpu.memory_space<semaphore_mem>>) {add = true}
        %dma_wait3A = arith.constant 0 : i32
        %dma_wait3A_65 = tpu.memref_slice %arg6[%run_scoped3A_53, %run_scoped3A_54, %dma_wait3A] : memref<2x8x128xi32, #tpu.memory_space<vmem>> -> memref<1x1x128xi32, #tpu.memory_space<vmem>>
        %dma_wait3A_66 = tpu.memref_squeeze %dma_wait3A_65 : memref<1x1x128xi32, #tpu.memory_space<vmem>> -> memref<128xi32, #tpu.memory_space<vmem>>
        %dma_wait3A_67 = arith.constant 0 : i32
        %dma_wait3A_68 = arith.constant 0 : i32
        %dma_wait3A_69 = tpu.memref_slice %arg5[%dma_wait3A_67, %dma_wait3A_68] : memref<10112x128xf32, #tpu.memory_space<vmem_shared>> -> memref<10112x128xf32, #tpu.memory_space<vmem_shared>>
        tpu.wait_indirect_dma semaphore(%run_scoped3A_59 : memref<!tpu.dma_semaphore, #tpu.memory_space<semaphore_mem>>) src(%arg7 : memref<128x128xf32, #tpu.memory_space<vmem>>) dst(%dma_wait3A_69 : memref<10112x128xf32, #tpu.memory_space<vmem_shared>>)
        tpu.yield
      }) : () -> ()
      %run_scoped3A_55 = arith.constant 0 : i32
      %run_scoped3A_56 = arith.constant 7 : i32
      "tpu.region"() ({
        %run_scoped3A_59 = tpu.sem_alloc : memref<!tpu.dma_semaphore, #tpu.memory_space<semaphore_mem>>
        %dma_start3A = arith.constant 0 : i32
        %dma_start3A_60 = tpu.memref_slice %arg6[%run_scoped3A_55, %run_scoped3A_56, %dma_start3A] : memref<2x8x128xi32, #tpu.memory_space<vmem>> -> memref<1x1x128xi32, #tpu.memory_space<vmem>>
        %dma_start3A_61 = tpu.memref_squeeze %dma_start3A_60 : memref<1x1x128xi32, #tpu.memory_space<vmem>> -> memref<128xi32, #tpu.memory_space<vmem>>
        %dma_start3A_62 = arith.constant 0 : i32
        %dma_start3A_63 = arith.constant 0 : i32
        %dma_start3A_64 = tpu.memref_slice %arg2[%dma_start3A_62, %dma_start3A_63] : memref<10000x128xf32, #tpu.memory_space<hbm>> -> memref<10000x128xf32, #tpu.memory_space<hbm>>
        tpu.enqueue_indirect_dma source(%dma_start3A_64 : memref<10000x128xf32, #tpu.memory_space<hbm>>) target(%arg7 : memref<128x128xf32, #tpu.memory_space<vmem>>) offsets(%dma_start3A_61 : memref<128xi32, #tpu.memory_space<vmem>>) semaphore(%run_scoped3A_59 : memref<!tpu.dma_semaphore, #tpu.memory_space<semaphore_mem>>)
        %dma_wait3A = arith.constant 0 : i32
        %dma_wait3A_65 = tpu.memref_slice %arg6[%run_scoped3A_55, %run_scoped3A_56, %dma_wait3A] : memref<2x8x128xi32, #tpu.memory_space<vmem>> -> memref<1x1x128xi32, #tpu.memory_space<vmem>>
        %dma_wait3A_66 = tpu.memref_squeeze %dma_wait3A_65 : memref<1x1x128xi32, #tpu.memory_space<vmem>> -> memref<128xi32, #tpu.memory_space<vmem>>
        %dma_wait3A_67 = arith.constant 0 : i32
        %dma_wait3A_68 = arith.constant 0 : i32
        %dma_wait3A_69 = tpu.memref_slice %arg2[%dma_wait3A_67, %dma_wait3A_68] : memref<10000x128xf32, #tpu.memory_space<hbm>> -> memref<10000x128xf32, #tpu.memory_space<hbm>>
        tpu.wait_indirect_dma semaphore(%run_scoped3A_59 : memref<!tpu.dma_semaphore, #tpu.memory_space<semaphore_mem>>) src(%dma_wait3A_69 : memref<10000x128xf32, #tpu.memory_space<hbm>>) dst(%arg7 : memref<128x128xf32, #tpu.memory_space<vmem>>)
        tpu.yield
      }) : () -> ()
      %run_scoped3A_57 = arith.constant 1 : i32
      %run_scoped3A_58 = arith.constant 7 : i32
      "tpu.region"() ({
        %run_scoped3A_59 = tpu.sem_alloc : memref<!tpu.dma_semaphore, #tpu.memory_space<semaphore_mem>>
        %dma_start3A = arith.constant 0 : i32
        %dma_start3A_60 = tpu.memref_slice %arg6[%run_scoped3A_57, %run_scoped3A_58, %dma_start3A] : memref<2x8x128xi32, #tpu.memory_space<vmem>> -> memref<1x1x128xi32, #tpu.memory_space<vmem>>
        %dma_start3A_61 = tpu.memref_squeeze %dma_start3A_60 : memref<1x1x128xi32, #tpu.memory_space<vmem>> -> memref<128xi32, #tpu.memory_space<vmem>>
        %dma_start3A_62 = arith.constant 0 : i32
        %dma_start3A_63 = arith.constant 0 : i32
        %dma_start3A_64 = tpu.memref_slice %arg5[%dma_start3A_62, %dma_start3A_63] : memref<10112x128xf32, #tpu.memory_space<vmem_shared>> -> memref<10112x128xf32, #tpu.memory_space<vmem_shared>>
        tpu.enqueue_indirect_dma source(%arg7 : memref<128x128xf32, #tpu.memory_space<vmem>>) target(%dma_start3A_64 : memref<10112x128xf32, #tpu.memory_space<vmem_shared>>) offsets(%dma_start3A_61 : memref<128xi32, #tpu.memory_space<vmem>>) semaphore(%run_scoped3A_59 : memref<!tpu.dma_semaphore, #tpu.memory_space<semaphore_mem>>) {add = true}
        %dma_wait3A = arith.constant 0 : i32
        %dma_wait3A_65 = tpu.memref_slice %arg6[%run_scoped3A_57, %run_scoped3A_58, %dma_wait3A] : memref<2x8x128xi32, #tpu.memory_space<vmem>> -> memref<1x1x128xi32, #tpu.memory_space<vmem>>
        %dma_wait3A_66 = tpu.memref_squeeze %dma_wait3A_65 : memref<1x1x128xi32, #tpu.memory_space<vmem>> -> memref<128xi32, #tpu.memory_space<vmem>>
        %dma_wait3A_67 = arith.constant 0 : i32
        %dma_wait3A_68 = arith.constant 0 : i32
        %dma_wait3A_69 = tpu.memref_slice %arg5[%dma_wait3A_67, %dma_wait3A_68] : memref<10112x128xf32, #tpu.memory_space<vmem_shared>> -> memref<10112x128xf32, #tpu.memory_space<vmem_shared>>
        tpu.wait_indirect_dma semaphore(%run_scoped3A_59 : memref<!tpu.dma_semaphore, #tpu.memory_space<semaphore_mem>>) src(%arg7 : memref<128x128xf32, #tpu.memory_space<vmem>>) dst(%dma_wait3A_69 : memref<10112x128xf32, #tpu.memory_space<vmem_shared>>)
        tpu.yield
      }) : () -> ()
    }
    %scan3A_21 = arith.constant 10 : i32
    %barrier3A_22 = arith.constant 0 : index
    tpu.barrier barrier_id(%barrier3A_22)
    "tpu.region"() ({
      %run_scoped3A = tpu.sem_alloc : memref<!tpu.dma_semaphore, #tpu.memory_space<semaphore_mem>>
      %dma_start3A = arith.constant 0 : i32
      %dma_start3A_23 = tpu.memref_slice %arg4[%arg0, %mul3A_6, %dma_start3A] : memref<2x10112x128xf32, #tpu.memory_space<hbm>> -> memref<1x632x128xf32, #tpu.memory_space<hbm>>
      %dma_start3A_24 = tpu.memref_squeeze %dma_start3A_23 : memref<1x632x128xf32, #tpu.memory_space<hbm>> -> memref<632x128xf32, #tpu.memory_space<hbm>>
      %dma_start3A_25 = arith.constant 0 : i32
      %dma_start3A_26 = tpu.memref_slice %arg5[%mul3A_6, %dma_start3A_25] : memref<10112x128xf32, #tpu.memory_space<vmem_shared>> -> memref<632x128xf32, #tpu.memory_space<vmem_shared>>
      tpu.enqueue_dma source(%dma_start3A_26 : memref<632x128xf32, #tpu.memory_space<vmem_shared>>) target(%dma_start3A_24 : memref<632x128xf32, #tpu.memory_space<hbm>>) target_semaphore(%run_scoped3A : memref<!tpu.dma_semaphore, #tpu.memory_space<semaphore_mem>>)
      %dma_wait3A = arith.constant 0 : i32
      %dma_wait3A_27 = tpu.memref_slice %arg4[%arg0, %mul3A_6, %dma_wait3A] : memref<2x10112x128xf32, #tpu.memory_space<hbm>> -> memref<1x632x128xf32, #tpu.memory_space<hbm>>
      %dma_wait3A_28 = tpu.memref_squeeze %dma_wait3A_27 : memref<1x632x128xf32, #tpu.memory_space<hbm>> -> memref<632x128xf32, #tpu.memory_space<hbm>>
      %dma_wait3A_29 = arith.constant 0 : i32
      %dma_wait3A_30 = tpu.memref_slice %arg5[%mul3A_6, %dma_wait3A_29] : memref<10112x128xf32, #tpu.memory_space<vmem_shared>> -> memref<632x128xf32, #tpu.memory_space<vmem_shared>>
      tpu.wait_dma2 semaphore(%run_scoped3A : memref<!tpu.dma_semaphore, #tpu.memory_space<semaphore_mem>>) src(%dma_wait3A_30 : memref<632x128xf32, #tpu.memory_space<vmem_shared>>) dst(%dma_wait3A_28 : memref<632x128xf32, #tpu.memory_space<hbm>>)
      tpu.yield
    }) : () -> ()
    return
  }
}

module attributes {stable_mosaic.version = 14 : i64} {
  func.func @_tc1_body(%arg0: i32, %arg1: memref<2x2000x16xf32, #tpu.memory_space<vmem>>, %arg2: memref<2000x128xf32, #tpu.memory_space<vmem>>, %arg3: memref<128x128xf32, #tpu.memory_space<vmem>>, %arg4: memref<2000x128xf32, #tpu.memory_space<vmem>>) attributes {dimension_semantics = [#tpu.dimension_semantics<arbitrary>], iteration_bounds = array<i64: 5>, scalar_prefetch = 0 : i64, scratch_operands = 0 : i64, tpu.core_type = #tpu.core_type<tc>, window_params = [{transform_indices = @transform_0, window_bounds = array<i64: 2, 2000, 16>}, {transform_indices = @transform_1, window_bounds = array<i64: 2000, 128>}, {pipeline_mode = #tpu.pipeline_mode<synchronous>, transform_indices = @transform_2, window_bounds = array<i64: 128, 128>}, {transform_indices = @transform_3, window_bounds = array<i64: 2000, 128>}]} {
    %get3A = arith.constant 0 : index
    %get3A_0 = arith.constant 0 : index
    %get3A_1 = arith.constant 0 : index
    %get3A_2 = vector.load %arg1[%get3A, %get3A_0, %get3A_1] : memref<2x2000x16xf32, #tpu.memory_space<vmem>>, vector<2x2000x16xf32>
    %slice3A = vector.extract_strided_slice %get3A_2 {offsets = [0, 0, 0], sizes = [1, 2000, 1], strides = [1, 1, 1]} : vector<2x2000x16xf32> to vector<1x2000x1xf32>
    %squeeze3A = vector.shape_cast %slice3A : vector<1x2000x1xf32> to vector<2000xf32>
    %slice3A_3 = vector.extract_strided_slice %get3A_2 {offsets = [1, 0, 0], sizes = [1, 2000, 1], strides = [1, 1, 1]} : vector<2x2000x16xf32> to vector<1x2000x1xf32>
    %squeeze3A_4 = vector.shape_cast %slice3A_3 : vector<1x2000x1xf32> to vector<2000xf32>
    %add3A = arith.addf %squeeze3A, %squeeze3A_4 : vector<2000xf32>
    %add3A_5 = arith.constant 1.000000e+00 : f32
    %add3A_6 = vector.broadcast %add3A_5 : f32 to vector<2000xf32>
    %add3A_7 = arith.addf %add3A, %add3A_6 : vector<2000xf32>
    %rsqrt3A = math.rsqrt %add3A_7 : vector<2000xf32>
    %get3A_8 = arith.constant 0 : index
    %get3A_9 = arith.constant 0 : index
    %get3A_10 = vector.load %arg2[%get3A_8, %get3A_9] : memref<2000x128xf32, #tpu.memory_space<vmem>>, vector<2000x128xf32>
    %get3A_11 = arith.constant 0 : index
    %get3A_12 = arith.constant 0 : index
    %get3A_13 = vector.load %arg3[%get3A_11, %get3A_12] : memref<128x128xf32, #tpu.memory_space<vmem>>, vector<128x128xf32>
    %dot_general3A = arith.constant dense<0.000000e+00> : vector<2000x128xf32>
    %dot_general3A_14 = tpu.matmul %get3A_10, %get3A_13, %dot_general3A {dimension_numbers = #tpu.dot_dimension_numbers<[1], [0], [0], [1], [0, 0, 1, 1], [], []>, transpose_lhs_hint = false} : vector<2000x128xf32>, vector<128x128xf32>, vector<2000x128xf32> -> vector<2000x128xf32>
    %broadcast_in_dim3A = vector.shape_cast %rsqrt3A : vector<2000xf32> to vector<2000x1xf32>
    %mul3A = vector.broadcast %broadcast_in_dim3A : vector<2000x1xf32> to vector<2000x128xf32>
    %mul3A_15 = arith.mulf %dot_general3A_14, %mul3A : vector<2000x128xf32>
    %swap3A = arith.constant 0 : index
    %swap3A_16 = arith.constant 0 : index
    %swap3A_17 = vector.load %arg4[%swap3A, %swap3A_16] : memref<2000x128xf32, #tpu.memory_space<vmem>>, vector<2000x128xf32>
    tpu.vector_store %arg4[%swap3A, %swap3A_16], %mul3A_15 {strides = array<i32>} : memref<2000x128xf32, #tpu.memory_space<vmem>>, vector<2000x128xf32>,
    return
  }
  func.func @transform_0(%arg0: i32) -> (i32, i32, i32) {
    %c0_i32 = arith.constant 0 : i32
    %c0_i32_0 = arith.constant 0 : i32
    %c0_i32_1 = arith.constant 0 : i32
    return %c0_i32, %arg0, %c0_i32_0 : i32, i32, i32
  }
  func.func @transform_1(%arg0: i32) -> (i32, i32) {
    %c0_i32 = arith.constant 0 : i32
    %c0_i32_0 = arith.constant 0 : i32
    return %arg0, %c0_i32 : i32, i32
  }
  func.func @transform_2(%arg0: i32) -> (i32, i32) {
    %c0_i32 = arith.constant 0 : i32
    %c0_i32_0 = arith.constant 0 : i32
    %c0_i32_1 = arith.constant 0 : i32
    return %c0_i32, %c0_i32_0 : i32, i32
  }
  func.func @transform_3(%arg0: i32) -> (i32, i32) {
    %c0_i32 = arith.constant 0 : i32
    %c0_i32_0 = arith.constant 0 : i32
    return %arg0, %c0_i32 : i32, i32
  }
}

module attributes {stable_mosaic.version = 14 : i64} {
  func.func @_tc2_body(%arg0: i32, %arg1: memref<2x2000x16xf32, #tpu.memory_space<vmem>>, %arg2: memref<2x2000x128xf32, #tpu.memory_space<vmem>>, %arg3: memref<2000x128xf32, #tpu.memory_space<vmem>>, %arg4: memref<1x128xf32, #tpu.memory_space<vmem>>, %arg5: memref<128x128xf32, #tpu.memory_space<vmem>>, %arg6: memref<2000x128xf32, #tpu.memory_space<vmem>>) attributes {dimension_semantics = [#tpu.dimension_semantics<arbitrary>], iteration_bounds = array<i64: 5>, scalar_prefetch = 0 : i64, scratch_operands = 0 : i64, tpu.core_type = #tpu.core_type<tc>, window_params = [{transform_indices = @transform_0, window_bounds = array<i64: 2, 2000, 16>}, {transform_indices = @transform_1, window_bounds = array<i64: 2, 2000, 128>}, {transform_indices = @transform_2, window_bounds = array<i64: 2000, 128>}, {pipeline_mode = #tpu.pipeline_mode<synchronous>, transform_indices = @transform_3, window_bounds = array<i64: 1, 128>}, {pipeline_mode = #tpu.pipeline_mode<synchronous>, transform_indices = @transform_4, window_bounds = array<i64: 128, 128>}, {transform_indices = @transform_5, window_bounds = array<i64: 2000, 128>}]} {
    %get3A = arith.constant 0 : index
    %get3A_0 = arith.constant 0 : index
    %get3A_1 = arith.constant 0 : index
    %get3A_2 = vector.load %arg1[%get3A, %get3A_0, %get3A_1] : memref<2x2000x16xf32, #tpu.memory_space<vmem>>, vector<2x2000x16xf32>
    %slice3A = vector.extract_strided_slice %get3A_2 {offsets = [0, 0, 0], sizes = [1, 2000, 1], strides = [1, 1, 1]} : vector<2x2000x16xf32> to vector<1x2000x1xf32>
    %squeeze3A = vector.shape_cast %slice3A : vector<1x2000x1xf32> to vector<2000xf32>
    %slice3A_3 = vector.extract_strided_slice %get3A_2 {offsets = [1, 0, 0], sizes = [1, 2000, 1], strides = [1, 1, 1]} : vector<2x2000x16xf32> to vector<1x2000x1xf32>
    %squeeze3A_4 = vector.shape_cast %slice3A_3 : vector<1x2000x1xf32> to vector<2000xf32>
    %add3A = arith.addf %squeeze3A, %squeeze3A_4 : vector<2000xf32>
    %add3A_5 = arith.constant 1.000000e+00 : f32
    %add3A_6 = vector.broadcast %add3A_5 : f32 to vector<2000xf32>
    %add3A_7 = arith.addf %add3A, %add3A_6 : vector<2000xf32>
    %rsqrt3A = math.rsqrt %add3A_7 : vector<2000xf32>
    %get3A_8 = arith.constant 0 : index
    %get3A_9 = arith.constant 0 : index
    %get3A_10 = arith.constant 0 : index
    %get3A_11 = vector.load %arg2[%get3A_8, %get3A_9, %get3A_10] : memref<2x2000x128xf32, #tpu.memory_space<vmem>>, vector<2x2000x128xf32>
    %slice3A_12 = vector.extract_strided_slice %get3A_11 {offsets = [0, 0, 0], sizes = [1, 2000, 128], strides = [1, 1, 1]} : vector<2x2000x128xf32> to vector<1x2000x128xf32>
    %squeeze3A_13 = vector.shape_cast %slice3A_12 : vector<1x2000x128xf32> to vector<2000x128xf32>
    %slice3A_14 = vector.extract_strided_slice %get3A_11 {offsets = [1, 0, 0], sizes = [1, 2000, 128], strides = [1, 1, 1]} : vector<2x2000x128xf32> to vector<1x2000x128xf32>
    %squeeze3A_15 = vector.shape_cast %slice3A_14 : vector<1x2000x128xf32> to vector<2000x128xf32>
    %add3A_16 = arith.addf %squeeze3A_13, %squeeze3A_15 : vector<2000x128xf32>
    %get3A_17 = arith.constant 0 : index
    %get3A_18 = arith.constant 0 : index
    %get3A_19 = vector.load %arg3[%get3A_17, %get3A_18] : memref<2000x128xf32, #tpu.memory_space<vmem>>, vector<2000x128xf32>
    %add3A_20 = arith.addf %add3A_16, %get3A_19 : vector<2000x128xf32>
    %broadcast_in_dim3A = vector.shape_cast %rsqrt3A : vector<2000xf32> to vector<2000x1xf32>
    %mul3A = vector.broadcast %broadcast_in_dim3A : vector<2000x1xf32> to vector<2000x128xf32>
    %mul3A_21 = arith.mulf %add3A_20, %mul3A : vector<2000x128xf32>
    %get3A_22 = arith.constant 0 : index
    %get3A_23 = arith.constant 0 : index
    %get3A_24 = vector.load %arg4[%get3A_22, %get3A_23] : memref<1x128xf32, #tpu.memory_space<vmem>>, vector<1x128xf32>
    %add3A_25 = vector.broadcast %get3A_24 : vector<1x128xf32> to vector<2000x128xf32>
    %add3A_26 = arith.addf %mul3A_21, %add3A_25 : vector<2000x128xf32>
    %max3A = arith.constant 0.000000e+00 : f32
    %max3A_27 = vector.broadcast %max3A : f32 to vector<2000x128xf32>
    %max3A_28 = arith.maximumf %add3A_26, %max3A_27 : vector<2000x128xf32>
    %get3A_29 = arith.constant 0 : index
    %get3A_30 = arith.constant 0 : index
    %get3A_31 = vector.load %arg5[%get3A_29, %get3A_30] : memref<128x128xf32, #tpu.memory_space<vmem>>, vector<128x128xf32>
    %dot_general3A = arith.constant dense<0.000000e+00> : vector<2000x128xf32>
    %dot_general3A_32 = tpu.matmul %max3A_28, %get3A_31, %dot_general3A {dimension_numbers = #tpu.dot_dimension_numbers<[1], [0], [0], [1], [0, 0, 1, 1], [], []>, transpose_lhs_hint = false} : vector<2000x128xf32>, vector<128x128xf32>, vector<2000x128xf32> -> vector<2000x128xf32>
    %broadcast_in_dim3A_33 = vector.shape_cast %rsqrt3A : vector<2000xf32> to vector<2000x1xf32>
    %mul3A_34 = vector.broadcast %broadcast_in_dim3A_33 : vector<2000x1xf32> to vector<2000x128xf32>
    %mul3A_35 = arith.mulf %dot_general3A_32, %mul3A_34 : vector<2000x128xf32>
    %swap3A = arith.constant 0 : index
    %swap3A_36 = arith.constant 0 : index
    %swap3A_37 = vector.load %arg6[%swap3A, %swap3A_36] : memref<2000x128xf32, #tpu.memory_space<vmem>>, vector<2000x128xf32>
    tpu.vector_store %arg6[%swap3A, %swap3A_36], %mul3A_35 {strides = array<i32>} : memref<2000x128xf32, #tpu.memory_space<vmem>>, vector<2000x128xf32>,
    return
  }
  func.func @transform_0(%arg0: i32) -> (i32, i32, i32) {
    %c0_i32 = arith.constant 0 : i32
    %c0_i32_0 = arith.constant 0 : i32
    %c0_i32_1 = arith.constant 0 : i32
    return %c0_i32, %arg0, %c0_i32_0 : i32, i32, i32
  }
  func.func @transform_1(%arg0: i32) -> (i32, i32, i32) {
    %c0_i32 = arith.constant 0 : i32
    %c0_i32_0 = arith.constant 0 : i32
    %c0_i32_1 = arith.constant 0 : i32
    return %c0_i32, %arg0, %c0_i32_0 : i32, i32, i32
  }
  func.func @transform_2(%arg0: i32) -> (i32, i32) {
    %c0_i32 = arith.constant 0 : i32
    %c0_i32_0 = arith.constant 0 : i32
    return %arg0, %c0_i32 : i32, i32
  }
  func.func @transform_3(%arg0: i32) -> (i32, i32) {
    %c0_i32 = arith.constant 0 : i32
    %c0_i32_0 = arith.constant 0 : i32
    %c0_i32_1 = arith.constant 0 : i32
    return %c0_i32, %c0_i32_0 : i32, i32
  }
  func.func @transform_4(%arg0: i32) -> (i32, i32) {
    %c0_i32 = arith.constant 0 : i32
    %c0_i32_0 = arith.constant 0 : i32
    %c0_i32_1 = arith.constant 0 : i32
    return %c0_i32, %c0_i32_0 : i32, i32
  }
  func.func @transform_5(%arg0: i32) -> (i32, i32) {
    %c0_i32 = arith.constant 0 : i32
    %c0_i32_0 = arith.constant 0 : i32
    return %arg0, %c0_i32 : i32, i32
  }
}

module attributes {stable_mosaic.version = 14 : i64} {
  func.func @_tc3_body(%arg0: i32, %arg1: memref<2x2000x16xf32, #tpu.memory_space<vmem>>, %arg2: memref<2x2000x128xf32, #tpu.memory_space<vmem>>, %arg3: memref<2000x128xf32, #tpu.memory_space<vmem>>, %arg4: memref<1x128xf32, #tpu.memory_space<vmem>>, %arg5: memref<128x128xf32, #tpu.memory_space<vmem>>, %arg6: memref<1x128xf32, #tpu.memory_space<vmem>>, %arg7: memref<2000x128xf32, #tpu.memory_space<vmem>>) attributes {dimension_semantics = [#tpu.dimension_semantics<arbitrary>], iteration_bounds = array<i64: 5>, scalar_prefetch = 0 : i64, scratch_operands = 0 : i64, tpu.core_type = #tpu.core_type<tc>, window_params = [{transform_indices = @transform_0, window_bounds = array<i64: 2, 2000, 16>}, {transform_indices = @transform_1, window_bounds = array<i64: 2, 2000, 128>}, {transform_indices = @transform_2, window_bounds = array<i64: 2000, 128>}, {pipeline_mode = #tpu.pipeline_mode<synchronous>, transform_indices = @transform_3, window_bounds = array<i64: 1, 128>}, {pipeline_mode = #tpu.pipeline_mode<synchronous>, transform_indices = @transform_4, window_bounds = array<i64: 128, 128>}, {pipeline_mode = #tpu.pipeline_mode<synchronous>, transform_indices = @transform_5, window_bounds = array<i64: 1, 128>}, {transform_indices = @transform_6, window_bounds = array<i64: 2000, 128>}]} {
    %get3A = arith.constant 0 : index
    %get3A_0 = arith.constant 0 : index
    %get3A_1 = arith.constant 0 : index
    %get3A_2 = vector.load %arg1[%get3A, %get3A_0, %get3A_1] : memref<2x2000x16xf32, #tpu.memory_space<vmem>>, vector<2x2000x16xf32>
    %slice3A = vector.extract_strided_slice %get3A_2 {offsets = [0, 0, 0], sizes = [1, 2000, 1], strides = [1, 1, 1]} : vector<2x2000x16xf32> to vector<1x2000x1xf32>
    %squeeze3A = vector.shape_cast %slice3A : vector<1x2000x1xf32> to vector<2000xf32>
    %slice3A_3 = vector.extract_strided_slice %get3A_2 {offsets = [1, 0, 0], sizes = [1, 2000, 1], strides = [1, 1, 1]} : vector<2x2000x16xf32> to vector<1x2000x1xf32>
    %squeeze3A_4 = vector.shape_cast %slice3A_3 : vector<1x2000x1xf32> to vector<2000xf32>
    %add3A = arith.addf %squeeze3A, %squeeze3A_4 : vector<2000xf32>
    %add3A_5 = arith.constant 1.000000e+00 : f32
    %add3A_6 = vector.broadcast %add3A_5 : f32 to vector<2000xf32>
    %add3A_7 = arith.addf %add3A, %add3A_6 : vector<2000xf32>
    %rsqrt3A = math.rsqrt %add3A_7 : vector<2000xf32>
    %get3A_8 = arith.constant 0 : index
    %get3A_9 = arith.constant 0 : index
    %get3A_10 = arith.constant 0 : index
    %get3A_11 = vector.load %arg2[%get3A_8, %get3A_9, %get3A_10] : memref<2x2000x128xf32, #tpu.memory_space<vmem>>, vector<2x2000x128xf32>
    %slice3A_12 = vector.extract_strided_slice %get3A_11 {offsets = [0, 0, 0], sizes = [1, 2000, 128], strides = [1, 1, 1]} : vector<2x2000x128xf32> to vector<1x2000x128xf32>
    %squeeze3A_13 = vector.shape_cast %slice3A_12 : vector<1x2000x128xf32> to vector<2000x128xf32>
    %slice3A_14 = vector.extract_strided_slice %get3A_11 {offsets = [1, 0, 0], sizes = [1, 2000, 128], strides = [1, 1, 1]} : vector<2x2000x128xf32> to vector<1x2000x128xf32>
    %squeeze3A_15 = vector.shape_cast %slice3A_14 : vector<1x2000x128xf32> to vector<2000x128xf32>
    %add3A_16 = arith.addf %squeeze3A_13, %squeeze3A_15 : vector<2000x128xf32>
    %get3A_17 = arith.constant 0 : index
    %get3A_18 = arith.constant 0 : index
    %get3A_19 = vector.load %arg3[%get3A_17, %get3A_18] : memref<2000x128xf32, #tpu.memory_space<vmem>>, vector<2000x128xf32>
    %add3A_20 = arith.addf %add3A_16, %get3A_19 : vector<2000x128xf32>
    %broadcast_in_dim3A = vector.shape_cast %rsqrt3A : vector<2000xf32> to vector<2000x1xf32>
    %mul3A = vector.broadcast %broadcast_in_dim3A : vector<2000x1xf32> to vector<2000x128xf32>
    %mul3A_21 = arith.mulf %add3A_20, %mul3A : vector<2000x128xf32>
    %get3A_22 = arith.constant 0 : index
    %get3A_23 = arith.constant 0 : index
    %get3A_24 = vector.load %arg4[%get3A_22, %get3A_23] : memref<1x128xf32, #tpu.memory_space<vmem>>, vector<1x128xf32>
    %add3A_25 = vector.broadcast %get3A_24 : vector<1x128xf32> to vector<2000x128xf32>
    %add3A_26 = arith.addf %mul3A_21, %add3A_25 : vector<2000x128xf32>
    %max3A = arith.constant 0.000000e+00 : f32
    %max3A_27 = vector.broadcast %max3A : f32 to vector<2000x128xf32>
    %max3A_28 = arith.maximumf %add3A_26, %max3A_27 : vector<2000x128xf32>
    %get3A_29 = arith.constant 0 : index
    %get3A_30 = arith.constant 0 : index
    %get3A_31 = vector.load %arg5[%get3A_29, %get3A_30] : memref<128x128xf32, #tpu.memory_space<vmem>>, vector<128x128xf32>
    %dot_general3A = arith.constant dense<0.000000e+00> : vector<2000x128xf32>
    %dot_general3A_32 = tpu.matmul %max3A_28, %get3A_31, %dot_general3A {dimension_numbers = #tpu.dot_dimension_numbers<[1], [0], [0], [1], [0, 0, 1, 1], [], []>, transpose_lhs_hint = false} : vector<2000x128xf32>, vector<128x128xf32>, vector<2000x128xf32> -> vector<2000x128xf32>
    %get3A_33 = arith.constant 0 : index
    %get3A_34 = arith.constant 0 : index
    %get3A_35 = vector.load %arg6[%get3A_33, %get3A_34] : memref<1x128xf32, #tpu.memory_space<vmem>>, vector<1x128xf32>
    %add3A_36 = vector.broadcast %get3A_35 : vector<1x128xf32> to vector<2000x128xf32>
    %add3A_37 = arith.addf %dot_general3A_32, %add3A_36 : vector<2000x128xf32>
    %reduce_max3A = arith.constant dense<0xFF800000> : vector<2000xf32>
    %reduce_max3A_38 = vector.multi_reduction <maximumf>, %add3A_37, %reduce_max3A [1] : vector<2000x128xf32> to vector<2000xf32>
    %broadcast_in_dim3A_39 = vector.shape_cast %reduce_max3A_38 : vector<2000xf32> to vector<2000x1xf32>
    %sub3A = vector.broadcast %broadcast_in_dim3A_39 : vector<2000x1xf32> to vector<2000x128xf32>
    %sub3A_40 = arith.subf %add3A_37, %sub3A : vector<2000x128xf32>
    %exp3A = math.exp %sub3A_40 : vector<2000x128xf32>
    %reduce_sum3A = arith.constant dense<0.000000e+00> : vector<2000xf32>
    %reduce_sum3A_41 = vector.multi_reduction <add>, %exp3A, %reduce_sum3A [1] : vector<2000x128xf32> to vector<2000xf32>
    %broadcast_in_dim3A_42 = vector.shape_cast %reduce_sum3A_41 : vector<2000xf32> to vector<2000x1xf32>
    %log3A = math.log %broadcast_in_dim3A_42 : vector<2000x1xf32>
    %add3A_43 = arith.addf %log3A, %broadcast_in_dim3A_39 : vector<2000x1xf32>
    %sub3A_44 = vector.broadcast %add3A_43 : vector<2000x1xf32> to vector<2000x128xf32>
    %sub3A_45 = arith.subf %add3A_37, %sub3A_44 : vector<2000x128xf32>
    %swap3A = arith.constant 0 : index
    %swap3A_46 = arith.constant 0 : index
    %swap3A_47 = vector.load %arg7[%swap3A, %swap3A_46] : memref<2000x128xf32, #tpu.memory_space<vmem>>, vector<2000x128xf32>
    tpu.vector_store %arg7[%swap3A, %swap3A_46], %sub3A_45 {strides = array<i32>} : memref<2000x128xf32, #tpu.memory_space<vmem>>, vector<2000x128xf32>,
    return
  }
  func.func @transform_0(%arg0: i32) -> (i32, i32, i32) {
    %c0_i32 = arith.constant 0 : i32
    %c0_i32_0 = arith.constant 0 : i32
    %c0_i32_1 = arith.constant 0 : i32
    return %c0_i32, %arg0, %c0_i32_0 : i32, i32, i32
  }
  func.func @transform_1(%arg0: i32) -> (i32, i32, i32) {
    %c0_i32 = arith.constant 0 : i32
    %c0_i32_0 = arith.constant 0 : i32
    %c0_i32_1 = arith.constant 0 : i32
    return %c0_i32, %arg0, %c0_i32_0 : i32, i32, i32
  }
  func.func @transform_2(%arg0: i32) -> (i32, i32) {
    %c0_i32 = arith.constant 0 : i32
    %c0_i32_0 = arith.constant 0 : i32
    return %arg0, %c0_i32 : i32, i32
  }
  func.func @transform_3(%arg0: i32) -> (i32, i32) {
    %c0_i32 = arith.constant 0 : i32
    %c0_i32_0 = arith.constant 0 : i32
    %c0_i32_1 = arith.constant 0 : i32
    return %c0_i32, %c0_i32_0 : i32, i32
  }
  func.func @transform_4(%arg0: i32) -> (i32, i32) {
    %c0_i32 = arith.constant 0 : i32
    %c0_i32_0 = arith.constant 0 : i32
    %c0_i32_1 = arith.constant 0 : i32
    return %c0_i32, %c0_i32_0 : i32, i32
  }
  func.func @transform_5(%arg0: i32) -> (i32, i32) {
    %c0_i32 = arith.constant 0 : i32
    %c0_i32_0 = arith.constant 0 : i32
    %c0_i32_1 = arith.constant 0 : i32
    return %c0_i32, %c0_i32_0 : i32, i32
  }
  func.func @transform_6(%arg0: i32) -> (i32, i32) {
    %c0_i32 = arith.constant 0 : i32
    %c0_i32_0 = arith.constant 0 : i32
    return %arg0, %c0_i32 : i32, i32
  }
}

</mosaic_0001>

<sc_bundles>
// kernel: kernel.11.cloned.1.call-start
scs
__scs_entry_jumppad:
0x0: {  	(pc) =	sbr.rel $0x88, $3  }
0x1: {  	(tag) =	ssettag $0x0;
	lr =	simm.s32 $0x1  }
0x2: {  	[smem:$0x3F99] =	sst lr;
	_ =	strace $0xD0000000  }
0x3: {  	_ = 	snop  }
0x4: {  	_ = 	snop  }
0x5: {  	_ = 	snop  }
0x6: {  	_ = 	snop  }
0x7: {  	_ = 	snop  }
__scs_overlays_trampoline_lowered:
0x8: {  	[smem:$0x3FA8] =	sst s0  }
0x9: {  	[smem:$0x3FA9] =	sst s1  }
0xa: {  	[smem:$0x3FAA] =	sst s2  }
0xb: {  	[smem:$0x3FAB] =	sst s3  }
0xc: {  	[smem:$0x3FAC] =	sst s4  }
0xd: {  	[smem:$0x3FAD] =	sst s5  }
0xe: {  	[smem:$0x3FAE] =	sst s6  }
0xf: {  	[smem:$0x3FAF] =	sst s7  }
0x10: {  	[smem:$0x3FB0] =	sst s8  }
0x11: {  	[smem:$0x3FB1] =	sst s9;
	s0 =	simm.s32 @!p0 $0x0  }
0x12: {  	s1 =	sld [smem:$0x3F97];
	s0 =	simm.s32 @p0 $0x1  }
0x13: {  	[smem:$0x3FB2] =	sst s0;
	s0 =	simm.s32 @!p1 $0x0  }
0x14: {  	s2 =	sld [smem:$0x3F96];
	s0 =	simm.s32 @p1 $0x1  }
0x15: {  	[smem:$0x3FB3] =	sst s0;
	s0 =	simm.s32 @!p2 $0x0  }
0x16: {  	s3 =	sld [smem:$0x3FDB];
	s0 =	simm.s32 @p2 $0x1  }
0x17: {  	s4 =	simm.s32 $0x1BF5;
	[smem:$0x3FB5] =	sst s0  }
0x18: {  	s0 =	sld [smem:$0x3F98];
	_ =	swait.ge [sflag:s4], $0x0  }
0x19: {  	s7 =	sld [smem:$0x3F99]  }
0x1a: {  	s8 =	sadd.s32 $0xFFFFE003, lr  }
0x1b: {  	s9 =	sadd.s32 $0xFFFFFEF7, lr;
	s5 =	simm.s32 $0xFFFFFFFF;
	p2 =	slt.u32 s8, $0xFFFFF086  }
0x1c: {  	p1 =	slt.u32 s9, $0xF7A;
	s5 =	simm.s32 @!p2 $0x0  }
0x1d: {  	s5 =	simm.s32 @p1 $0x1;
	p0 =	seq.s32 s7, s2  }
0x1e: {  	s7 =	smul.u32 @!p0 $0xF7A, s2;
	p2 =	seq.s32 @!p0 s5, $0x0  }
0x1f: {  	s9 =	smul.u32 $0xF7A, s1;
	s8 =	simm.s32 @!p0 $0x1BF5;
	p2 =	por !p2, p0  }
0x20: {  	[sflag:s8] =	ssyncset.s32 @!p0 $0xFFFFF086;
	s6 =	sadd.s32 @!p0 s3, s7;
	s7 =	simm.s32 @!p0 $0x108  }
0x21: {  	s3 =	sadd.s32 s3, s9;
	s6 =	sadd.s32 @!p0 $0x88, s6;
	s7 =	simm.s32 @p2 $0x1082  }
0x22: {  	[simem:s7], [sflag:s8] =	dma.local @!p0 [hbm:s6], $0xF7A  }
0x23: {  	s9 =	sor.u32 $0xD0000000, s2;
	s6 =	simm.s32 $0x108;
	_ =	swait.ge @!p0 [sflag:s8], $0x0  }
0x24: {  	s3 =	sadd.s32 $0x88, s3;
	s6 =	simm.s32 @!p1 $0x1082;
	[sflag:s4] =	ssyncset.s32 $0xFFFFF086  }
0x25: {  	[simem:s6], [sflag:s4] =	dma.local [hbm:s3], $0xF7A  }
0x26: {  	[smem:$0x3F99] =	sst s1;
	(tag) =	ssettag s2;
	_ =	strace s9  }
0x27: {  	s1 =	sld [smem:$0x3FA9]  }
0x28: {  	s2 =	sld [smem:$0x3FAA]  }
0x29: {  	s4 =	sld [smem:$0x3FAC]  }
0x2a: {  	p0 =	seq.s32 s5, $0x0;
	s5 =	sld [smem:$0x3FAD]  }
0x2b: {  	s6 =	sld [smem:$0x3FAE]  }
0x2c: {  	s7 =	sld [smem:$0x3FAF]  }
0x2d: {  	s3 =	simm.s32 $0x108;
	s8 =	sld [smem:$0x3FB0]  }
0x2e: {  	s3 =	simm.s32 @!p0 $0x1082;
	s9 =	sld [smem:$0x3FB1]  }
0x2f: {  	lr =	sadd.s32 s0, s3;
	s0 =	sld [smem:$0x3FA8]  }
0x30: {  	s3 =	sld [smem:$0x3FAB]  }
0x31: {  	[smem:$0x3FB4] =	sst s10  }
0x32: {  	s10 =	sld [smem:$0x3FB2];
	_ =	sdelay $0x3  }
0x33: {  	p0 =	seq.s32 s10, $0x1;
	s10 =	sld [smem:$0x3FB4];
	_ =	sdelay $0x3  }
0x34: {  	[smem:$0x3FB4] =	sst s10  }
0x35: {  	s10 =	sld [smem:$0x3FB3];
	_ =	sdelay $0x3  }
0x36: {  	p1 =	seq.s32 s10, $0x1;
	s10 =	sld [smem:$0x3FB4];
	_ =	sdelay $0x3  }
0x37: {  	[smem:$0x3FB4] =	sst s10  }
0x38: {  	s10 =	sld [smem:$0x3FB5]  }
0x39: {  	_ = 	snop;
	(pc) =	sbr.ind lr, $3  }
0x3a: {  	_ = 	snop  }
0x3b: {  	_ = 	snop  }
0x3c: {  	p2 =	seq.s32 s10, $0x1;
	s10 =	sld [smem:$0x3FB4]  }
0x3d: {  	_ =	shalt  }
0x3e: {  	_ =	shalt  }
0x3f: {  	_ =	shalt  }
0x40: {  	_ =	shalt  }
0x41: {  	_ =	shalt  }
0x42: {  	_ =	shalt  }
0x43: {  	_ =	shalt  }
0x44: {  	_ =	shalt  }
0x45: {  	_ =	shalt  }
0x46: {  	_ =	shalt  }
0x47: {  	_ =	shalt  }
0x48: {  	_ =	shalt  }
0x49: {  	_ =	shalt  }
0x4a: {  	_ =	shalt  }
0x4b: {  	_ =	shalt  }
0x4c: {  	_ =	shalt  }
0x4d: {  	_ =	shalt  }
0x4e: {  	_ =	shalt  }
0x4f: {  	_ =	shalt  }
0x50: {  	_ =	shalt  }
0x51: {  	_ =	shalt  }
0x52: {  	_ =	shalt  }
0x53: {  	_ =	shalt  }
0x54: {  	_ =	shalt  }
0x55: {  	_ =	shalt  }
0x56: {  	_ =	shalt  }
0x57: {  	_ =	shalt  }
0x58: {  	_ =	shalt  }
0x59: {  	_ =	shalt  }
0x5a: {  	_ =	shalt  }
0x5b: {  	_ =	shalt  }
0x5c: {  	_ =	shalt  }
0x5d: {  	_ =	shalt  }
0x5e: {  	_ =	shalt  }
0x5f: {  	_ =	shalt  }
0x60: {  	_ =	shalt  }
0x61: {  	_ =	shalt  }
0x62: {  	_ =	shalt  }
0x63: {  	_ =	shalt  }
0x64: {  	_ =	shalt  }
0x65: {  	_ =	shalt  }
0x66: {  	_ =	shalt  }
0x67: {  	_ =	shalt  }
0x68: {  	_ =	shalt  }
0x69: {  	_ =	shalt  }
0x6a: {  	_ =	shalt  }
0x6b: {  	_ =	shalt  }
0x6c: {  	_ =	shalt  }
0x6d: {  	_ =	shalt  }
0x6e: {  	_ =	shalt  }
0x6f: {  	_ =	shalt  }
0x70: {  	_ =	shalt  }
0x71: {  	_ =	shalt  }
0x72: {  	_ =	shalt  }
0x73: {  	_ =	shalt  }
0x74: {  	_ =	shalt  }
0x75: {  	_ =	shalt  }
0x76: {  	_ =	shalt  }
0x77: {  	_ =	shalt  }
0x78: {  	_ =	shalt  }
0x79: {  	_ =	shalt  }
0x7a: {  	_ =	shalt  }
0x7b: {  	_ =	shalt  }
0x7c: {  	_ =	shalt  }
0x7d: {  	_ =	shalt  }
0x7e: {  	_ =	shalt  }
0x7f: {  	_ =	shalt  }
0x80: {  	_ =	shalt  }
0x81: {  	_ =	shalt  }
0x82: {  	_ =	shalt  }
0x83: {  	_ =	shalt  }
0x84: {  	_ =	shalt  }
0x85: {  	_ =	shalt  }
0x86: {  	_ =	shalt  }
0x87: {  	_ =	shalt  }
.Lfunc_end0:
.L_simem_size_0:
called_computation.1_lowered:
.L_overlay_start_0:
0x88: {  	s2 =	sld [smem:$0x3FD9]  }
0x89: {  	s3 =	sld [smem:$0x3FFE];
	_ =	sdelay $0x1  }
0x8a: {  	s1 =	srdreg.scid  }
0x8b: {  	s0 =	sand.u32 $0x1, s1  }
0x8c: {  	s17 =	sshll.u32 s0, $0xA;
	s2 =	sadd.s32 s3, s2  }
0x8d: {  	s2 =	sadd.s32 s2, s17  }
0x8e: {  	[smem:$0x3FC0] =	sst s2  }
0x8f: {  	_ = 	snop  }
0x90: {  	s2 =	sld [smem:$0x3FD0];
	(tm) =	ssettm $0x1  }
0x91: {  	s18 =	sld [smem:$0x3FFB];
	_ =	sdelay $0x3  }
0x92: {  	_ =	strace s18  }
0x93: {  	s3 =	sld [smem:$0x3FFC];
	_ =	sdelay $0x3  }
0x94: {  	_ =	strace s3  }
0x95: {  	s3 =	sld [smem:$0x3FFD];
	_ =	sdelay $0x3  }
0x96: {  	_ =	strace s3  }
0x97: {  	_ =	strace $0x8FFFFFFF  }
0x98: {  	s19 =	sld [smem:$0x3FDB];
	_ =	sdelay $0x1  }
0x99: {  	s4 =	simm.s32 $_scs_section_size  }
0x9a: {  	s5 =	simm.s32 $_size__tile_overlayer_lowered;
	s6 =	simm.s32 $_tile_overlayer_lowered  }
0x9b: {  	s22 =	simm.s32 $0x1BFF;
	s21 =	sshll.u32 s6, $0x1;
	s3 =	sadd.s32 s4, s19  }
0x9c: {  	s7 =	simm.s32 $0x0;
	s20 =	sshll.u32 s5, $0x1;
	s5 =	sadd.s32 s21, s3  }
0x9d: {  	[timem:s7], [sflag:s22] =	dma.local [hbm:s5], s20  }
0x9e: {  	_ =	swait.ge [sflag:s22], s20  }
0x9f: {  	s4 =	ssub.s32 $0x0, s20;
	[sflag:s22] =	ssyncset.done $0x0  }
0xa0: {  	[sflag:s22] =	ssyncadd.s32 s4;
	_ =	sdelay $0x1  }
0xa1: {  	s23 =	simm.s32 $0x1B8B  }
0xa2: {  	_ =	swait.ge [sflag:s23], $0x1  }
0xa3: {  	[sflag:s23] =	ssyncset.done $0x0  }
0xa4: {  	s25 =	simm.s32 $0x1B8E;
	s24 =	sld [smem:$0x3FFE];
	[sflag:s23] =	ssyncadd.s32 $0xFFFFFFFF  }
0xa5: {  	s26 =	simm.s32 $execute0_lowered;
	[smem:$0x3FD2] =	sst s25  }
0xa6: {  	s5 =	sshll.u32 s26, $0x1;
	_ =	strace $0x80000049;
	[dreg:$0x1] =	wrdreg $0xFFFFFFFF  }
0xa7: {  	s28 =	simm.s32 $_size_execute0_lowered;
	s3 =	sadd.s32 s3, s5;
	[dreg:$0x0] =	wrdreg $0x0  }
0xa8: {  	s5 =	sshll.u32 s28, $0x1;
	[dreg:$0x2] =	wrdreg s3  }
0xa9: {  	[dreg:$0x3] =	wrdreg s5  }
0xaa: {  	[dreg:$0x4] =	wrdreg $0xC0  }
0xab: {  	_ =	task [dreg:s7], $0x5FFFF  }
0xac: {  	[dreg:$0x1] =	wrdreg $0xFFFFFFFF  }
0xad: {  	[dreg:$0x0] =	wrdreg $0x60  }
0xae: {  	[dreg:$0x2] =	wrdreg s2  }
0xaf: {  	[dreg:$0x3] =	wrdreg s24  }
0xb0: {  	[dreg:$0x4] =	wrdreg $0x0  }
0xb1: {  	[dreg:$0x5] =	wrdreg $0x9  }
0xb2: {  	_ =	task.clear_ibuf [dreg:s7], $0x6FFFF;
	_ =	strace $0x90000049  }
0xb3: {  	s29 =	simm.s32 $0x9;
	_ =	strace $0x8000004B  }
0xb4: {  	_ =	swait.ge [sflag:s29], $0x1  }
0xb5: {  	[sflag:s29] =	ssyncadd.s32 $0xFFFFFFFF  }
0xb6: {  	_ =	strace $0x9000004B  }
0xb7: {  	_ =	sfence  }
0xb8: {  	s30 =	sld [smem:$0x0];
	_ =	sdelay $0x2  }
0xb9: {  	s31 =	sshll.u32 s1, $0xD;
	s1 =	sshrl.u32 s1, $0x2  }
0xba: {  	s3 =	sand.u32 $0x4000, s31;
	s1 =	sadd.s32 s1, s30  }
0xbb: {  	s0 =	sor.u32 s3, s0;
	s1 =	sshll.u32 s1, $0x11  }
0xbc: {  	s0 =	sor.u32 s1, s0  }
0xbd: {  	s0 =	sadd.s32 $0x8F2B, s0  }
0xbe: {  	[sflag:s0] =	ssyncadd.remote.s32 $0x1  }
0xbf: {  	_ =	sfence.sel $0xFFFF  }
0xc0: {  	[dreg:$0x0] =	wrdreg $0xFFFFFFFF;
	(pc) =	sbr.abs _section_cstart, $3  }
0xc1: {  	[dreg:$0x1] =	wrdreg $0xFFFFFFFF  }
0xc2: {  	_ =	task.clear_ibuf [dreg:s7], $0x2FFFF;
	_ =	strace $0x9FFFFFFF  }
0xc3: {  	(tm) =	ssettm $0x7FFFFFFF  }
tec
execute0_lowered:
.L_overlay_start_1:
0x0: {  	(tag) =	ssettag $0x1  }
0x1: {  	s1 =	rddreg [dreg:$0x0]  }
0x2: {  	s0 =	srdreg.scid;
	s2 =	rddreg [dreg:$0x1]  }
0x3: {  	s8 =	stileid.u32;
	s3 =	rddreg [dreg:$0x2]  }
0x4: {  	s4 =	simm.s32 $0x0;
	s13 =	simm.s32 $0x14400;
	s14 =	simm.s32 $0x1  }
0x5: {  	s15 =	simm.s32 $0x13C00;
	s16 =	simm.s32 $0x80;
	s6 =	smul.u32 $0x5000, s8  }
0x6: {  	s17 =	simm.s32 $0x14000;
	s18 =	simm.s32 $0x13C80;
	s19 =	smul.u32 $0x13C00, s8  }
0x7: {  	s28 =	simm.s32 $0x14280;
	s0 =	sand.u32 $0x1, s0;
	s8 =	smul.u32 $0x4F000, s8  }
0x8: {  	s29 =	simm.s32 $0x13F00;
	s30 =	simm.s32 $0x14300;
	s5 =	smul.u32 $0x50000, s0  }
0x9: {  	[smem:$0x7FF] =	sst s4;
	s7 =	smul.u32 $0x13C000, s0;
	s0 =	ssub.s32 $0x2, s0  }
0xa: {  	s31 =	simm.s32 $0x13F80;
	_ =	strace $0x8000004A;
	s21 =	sshrl.u32 s0, $0x1  }
0xb: {  	s22 =	sshrl.u32 s8, $0x2;
	s5 =	sadd.s32 s6, s5;
	s20 =	sadd.s32 s19, s7  }
0xc: {  	s0 =	ssub.s32 s0, s21;
	s19 =	simm.s32 $0x14080;
	s5 =	sshrl.u32 s5, $0x3  }
0xd: {  	s21 =	simm.s32 $0x14100;
	s12 =	sadd.s32 s5, s2;
	s5 =	sshrl.u32 s20, $0x3  }
0xe: {  	s11 =	smax.u32 s0, $0x1;
	s2 =	sadd.s32 s5, s2;
	s5 =	sadd.s32 s22, s3  }
0xf: {  	s0 =	simm.s32 $0x0;
	s20 =	simm.s32 $0x13D00;
	s23 =	sadd.s32 $0x4000, s5  }
0x10: {  	s12 =	sadd.s32 $0x2400, s12;
	s24 =	sadd.s32 $0x8000, s5;
	[dreg:$0x4] =	wrdreg s23  }
0x11: {  	s22 =	simm.s32 $0x13D80;
	s25 =	sadd.s32 $0xC000, s5;
	[dreg:$0x5] =	wrdreg s24  }
0x12: {  	s26 =	sadd.s32 $0x10000, s5;
	s10 =	sadd.s32 $0x16400, s2;
	[dreg:$0x6] =	wrdreg s25  }
0x13: {  	s2 =	simm.s32 $0x14380;
	[dreg:$0x7] =	wrdreg s26;
	s23 =	simm.s32 $0x14180  }
0x14: {  	v0 =	vimm.f32 $0.0e+00;
	s24 =	simm.s32 $0x13E00;
	s25 =	simm.s32 $0x14200;
	s26 =	simm.s32 $0x13E80  }
.LBB2_1:
0x15: {  	s6 =	simm.s32 $0x0;
	s7 =	simm.s32 $0x200  }
.LBB2_2:
0x16: {  	p0 =	sne.s32 s7, $0xFE00;
	[tilespmem:s6+$0x14470] =	vst v0  }
0x17: {  	[tilespmem:s6+$0x14400] =	vst v0  }
0x18: {  	[tilespmem:s6+$0x14410] =	vst v0  }
.Ltmp0:
0x19: {  	[tilespmem:s6+$0x14420] =	vst v0;
	(pc) =	sbr.rel @p0 .LBB2_2-.Ltmp0, $4  }
0x1a: {  	[tilespmem:s6+$0x14430] =	vst v0  }
0x1b: {  	[tilespmem:s6+$0x14440] =	vst v0  }
0x1c: {  	[tilespmem:s6+$0x14450] =	vst v0  }
0x1d: {  	[tilespmem:s6+$0x14460] =	vst v0;
	s6 =	sshra.s32 s7, $0x2;
	s7 =	sadd.s32 $0x200, s7  }
0x1e: {  	[tilespmem:s6+$0x14470] =	vst v0  }
0x1f: {  	[tilespmem:s6+$0x14400] =	vst v0  }
0x20: {  	[tilespmem:s6+$0x14410] =	vst v0  }
0x21: {  	[tilespmem:s6+$0x14420] =	vst v0  }
0x22: {  	[tilespmem:s6+$0x14430] =	vst v0  }
0x23: {  	[tilespmem:s6+$0x14440] =	vst v0  }
0x24: {  	[tilespmem:s6+$0x14450] =	vst v0  }
0x25: {  	[tilespmem:s6+$0x14460] =	vst v0  }
0x26: {  	[spmem:s5] =	stream.linear.scatter [tilespmem:s13], [sflag:$0x1], $0x4000, $0x38;
	[tilespmem:$0x18400] =	vst v63  }
0x27: {  	_ =	swait.ge [sflag:s14], $0x4000  }
0x28: {  	[sflag:s14] =	ssyncset.done $0x0  }
0x29: {  	s8 =	rddreg [dreg:$0x4];
	[sflag:s14] =	ssyncadd.s32 $0xFFFFC000  }
0x2a: {  	[spmem:s8] =	stream.linear.scatter [tilespmem:s13], [sflag:$0x1], $0x4000, $0x38;
	[tilespmem:$0x18400] =	vst v63  }
0x2b: {  	_ =	swait.ge [sflag:s14], $0x4000  }
0x2c: {  	[sflag:s14] =	ssyncset.done $0x0  }
0x2d: {  	s9 =	rddreg [dreg:$0x5];
	[sflag:s14] =	ssyncadd.s32 $0xFFFFC000  }
0x2e: {  	[spmem:s9] =	stream.linear.scatter [tilespmem:s13], [sflag:$0x1], $0x4000, $0x38;
	[tilespmem:$0x18400] =	vst v63  }
0x2f: {  	_ =	swait.ge [sflag:s14], $0x4000  }
0x30: {  	[sflag:s14] =	ssyncset.done $0x0  }
0x31: {  	s7 =	rddreg [dreg:$0x6];
	[sflag:s14] =	ssyncadd.s32 $0xFFFFC000  }
0x32: {  	[spmem:s7] =	stream.linear.scatter [tilespmem:s13], [sflag:$0x1], $0x4000, $0x38;
	[tilespmem:$0x18400] =	vst v63  }
0x33: {  	_ =	swait.ge [sflag:s14], $0x4000  }
0x34: {  	[sflag:s14] =	ssyncset.done $0x0  }
0x35: {  	s8 =	rddreg [dreg:$0x7];
	[sflag:s14] =	ssyncadd.s32 $0xFFFFC000  }
0x36: {  	[spmem:s8] =	stream.linear.scatter [tilespmem:s13], [sflag:$0x1], $0x3C00, $0x38;
	[tilespmem:$0x18400] =	vst v63  }
0x37: {  	_ =	swait.ge [sflag:s14], $0x3C00  }
0x38: {  	[sflag:s14] =	ssyncset.done $0x0  }
0x39: {  	[sflag:s14] =	ssyncadd.s32 $0xFFFFC400  }
0x3a: {  	s9 =	sadd.s32 $0x0, s12;
	[bflag:$0x0] =	sbarrier.arrive $0xFFFF  }
0x3b: {  	[tilespmem:s15], [sflag:$0x1] =	stream.linear.gather [hbm4b:s9+s4], $0x800, $0x38;
	[tilespmem:$0x18400] =	vst v63  }
0x3c: {  	_ =	swait.ge [sflag:s14], $0x800  }
0x3d: {  	[sflag:s14] =	ssyncset.done $0x0  }
0x3e: {  	[sflag:s14] =	ssyncadd.s32 $0xFFFFF800  }
0x3f: {  	[tilespmem:s13], [sflag:$0x1] =	stream.indirect.gather [hbm4b:s1+s16], $0x80, s15, s16, $0xb8;
	[tilespmem:$0x18400] =	vst v63  }
0x40: {  	_ =	swait.ge [sflag:s14], $0x4000  }
0x41: {  	[sflag:s14] =	ssyncset.done $0x0  }
0x42: {  	[sflag:s14] =	ssyncadd.s32 $0xFFFFC000  }
0x43: {  	[spmem:s3] =	stream.indirect.scatter.add.f32 [tilespmem:s13], [sflag:$0x1], $0x80, s17, s16, $0xb8;
	[tilespmem:$0x18400] =	vst v63  }
0x44: {  	_ =	swait.ge [sflag:s14], $0x4000  }
0x45: {  	[sflag:s14] =	ssyncset.done $0x0  }
0x46: {  	[sflag:s14] =	ssyncadd.s32 $0xFFFFC000  }
0x47: {  	[tilespmem:s13], [sflag:$0x1] =	stream.indirect.gather [hbm4b:s1+s16], $0x80, s18, s16, $0xb8;
	[tilespmem:$0x18400] =	vst v63  }
0x48: {  	_ =	swait.ge [sflag:s14], $0x4000  }
0x49: {  	[sflag:s14] =	ssyncset.done $0x0  }
0x4a: {  	[sflag:s14] =	ssyncadd.s32 $0xFFFFC000  }
0x4b: {  	[spmem:s3] =	stream.indirect.scatter.add.f32 [tilespmem:s13], [sflag:$0x1], $0x80, s19, s16, $0xb8;
	[tilespmem:$0x18400] =	vst v63  }
0x4c: {  	_ =	swait.ge [sflag:s14], $0x4000  }
0x4d: {  	[sflag:s14] =	ssyncset.done $0x0  }
0x4e: {  	[sflag:s14] =	ssyncadd.s32 $0xFFFFC000  }
0x4f: {  	[tilespmem:s13], [sflag:$0x1] =	stream.indirect.gather [hbm4b:s1+s16], $0x80, s20, s16, $0xb8;
	[tilespmem:$0x18400] =	vst v63  }
0x50: {  	_ =	swait.ge [sflag:s14], $0x4000  }
0x51: {  	[sflag:s14] =	ssyncset.done $0x0  }
0x52: {  	[sflag:s14] =	ssyncadd.s32 $0xFFFFC000  }
0x53: {  	[spmem:s3] =	stream.indirect.scatter.add.f32 [tilespmem:s13], [sflag:$0x1], $0x80, s21, s16, $0xb8;
	[tilespmem:$0x18400] =	vst v63  }
0x54: {  	_ =	swait.ge [sflag:s14], $0x4000  }
0x55: {  	[sflag:s14] =	ssyncset.done $0x0  }
0x56: {  	[sflag:s14] =	ssyncadd.s32 $0xFFFFC000  }
0x57: {  	[tilespmem:s13], [sflag:$0x1] =	stream.indirect.gather [hbm4b:s1+s16], $0x80, s22, s16, $0xb8;
	[tilespmem:$0x18400] =	vst v63  }
0x58: {  	_ =	swait.ge [sflag:s14], $0x4000  }
0x59: {  	[sflag:s14] =	ssyncset.done $0x0  }
0x5a: {  	[sflag:s14] =	ssyncadd.s32 $0xFFFFC000  }
0x5b: {  	[spmem:s3] =	stream.indirect.scatter.add.f32 [tilespmem:s13], [sflag:$0x1], $0x80, s23, s16, $0xb8;
	[tilespmem:$0x18400] =	vst v63  }
0x5c: {  	_ =	swait.ge [sflag:s14], $0x4000  }
0x5d: {  	[sflag:s14] =	ssyncset.done $0x0  }
0x5e: {  	[sflag:s14] =	ssyncadd.s32 $0xFFFFC000  }
0x5f: {  	[tilespmem:s13], [sflag:$0x1] =	stream.indirect.gather [hbm4b:s1+s16], $0x80, s24, s16, $0xb8;
	[tilespmem:$0x18400] =	vst v63  }
0x60: {  	_ =	swait.ge [sflag:s14], $0x4000  }
0x61: {  	[sflag:s14] =	ssyncset.done $0x0  }
0x62: {  	[sflag:s14] =	ssyncadd.s32 $0xFFFFC000  }
0x63: {  	[spmem:s3] =	stream.indirect.scatter.add.f32 [tilespmem:s13], [sflag:$0x1], $0x80, s25, s16, $0xb8;
	[tilespmem:$0x18400] =	vst v63  }
0x64: {  	_ =	swait.ge [sflag:s14], $0x4000  }
0x65: {  	[sflag:s14] =	ssyncset.done $0x0  }
0x66: {  	[sflag:s14] =	ssyncadd.s32 $0xFFFFC000  }
0x67: {  	[tilespmem:s13], [sflag:$0x1] =	stream.indirect.gather [hbm4b:s1+s16], $0x80, s26, s16, $0xb8;
	[tilespmem:$0x18400] =	vst v63  }
0x68: {  	_ =	swait.ge [sflag:s14], $0x4000  }
0x69: {  	[sflag:s14] =	ssyncset.done $0x0  }
0x6a: {  	[sflag:s14] =	ssyncadd.s32 $0xFFFFC000  }
0x6b: {  	[spmem:s3] =	stream.indirect.scatter.add.f32 [tilespmem:s13], [sflag:$0x1], $0x80, s28, s16, $0xb8;
	[tilespmem:$0x18400] =	vst v63  }
0x6c: {  	_ =	swait.ge [sflag:s14], $0x4000  }
0x6d: {  	[sflag:s14] =	ssyncset.done $0x0  }
0x6e: {  	[sflag:s14] =	ssyncadd.s32 $0xFFFFC000  }
0x6f: {  	[tilespmem:s13], [sflag:$0x1] =	stream.indirect.gather [hbm4b:s1+s16], $0x80, s29, s16, $0xb8;
	[tilespmem:$0x18400] =	vst v63  }
0x70: {  	_ =	swait.ge [sflag:s14], $0x4000  }
0x71: {  	[sflag:s14] =	ssyncset.done $0x0  }
0x72: {  	[sflag:s14] =	ssyncadd.s32 $0xFFFFC000  }
0x73: {  	[spmem:s3] =	stream.indirect.scatter.add.f32 [tilespmem:s13], [sflag:$0x1], $0x80, s30, s16, $0xb8;
	[tilespmem:$0x18400] =	vst v63  }
0x74: {  	_ =	swait.ge [sflag:s14], $0x4000  }
0x75: {  	[sflag:s14] =	ssyncset.done $0x0  }
0x76: {  	[sflag:s14] =	ssyncadd.s32 $0xFFFFC000  }
0x77: {  	[tilespmem:s13], [sflag:$0x1] =	stream.indirect.gather [hbm4b:s1+s16], $0x80, s31, s16, $0xb8;
	[tilespmem:$0x18400] =	vst v63  }
0x78: {  	_ =	swait.ge [sflag:s14], $0x4000  }
0x79: {  	[sflag:s14] =	ssyncset.done $0x0  }
0x7a: {  	[sflag:s14] =	ssyncadd.s32 $0xFFFFC000  }
0x7b: {  	[spmem:s3] =	stream.indirect.scatter.add.f32 [tilespmem:s13], [sflag:$0x1], $0x80, s2, s16, $0xb8;
	[tilespmem:$0x18400] =	vst v63  }
0x7c: {  	_ =	swait.ge [sflag:s14], $0x4000  }
0x7d: {  	s6 =	simm.s32 $0x100;
	s7 =	simm.s32 $0x200;
	[sflag:s14] =	ssyncset.done $0x0  }
.LBB2_4:
0x7e: {  	s9 =	sadd.s32 s6, s12  }
0x7f: {  	[sflag:s14] =	ssyncadd.s32 $0xFFFFC000;
	s6 =	smov.u32 s7;
	s8 =	sadd.s32 $0x100, s7  }
0x80: {  	[tilespmem:s15], [sflag:$0x1] =	stream.linear.gather [hbm4b:s9+s4], $0x800, $0x38;
	[tilespmem:$0x18400] =	vst v63  }
0x81: {  	p0 =	sne.s32 s7, $0x900;
	_ =	swait.ge [sflag:s14], $0x800  }
0x82: {  	[sflag:s14] =	ssyncset.done $0x0  }
0x83: {  	[sflag:s14] =	ssyncadd.s32 $0xFFFFF800  }
0x84: {  	[tilespmem:s13], [sflag:$0x1] =	stream.indirect.gather [hbm4b:s1+s16], $0x80, s15, s16, $0xb8;
	[tilespmem:$0x18400] =	vst v63  }
0x85: {  	_ =	swait.ge [sflag:s14], $0x4000  }
0x86: {  	[sflag:s14] =	ssyncset.done $0x0  }
0x87: {  	[sflag:s14] =	ssyncadd.s32 $0xFFFFC000  }
0x88: {  	[spmem:s3] =	stream.indirect.scatter.add.f32 [tilespmem:s13], [sflag:$0x1], $0x80, s17, s16, $0xb8;
	[tilespmem:$0x18400] =	vst v63  }
0x89: {  	_ =	swait.ge [sflag:s14], $0x4000  }
0x8a: {  	[sflag:s14] =	ssyncset.done $0x0  }
0x8b: {  	[sflag:s14] =	ssyncadd.s32 $0xFFFFC000  }
0x8c: {  	[tilespmem:s13], [sflag:$0x1] =	stream.indirect.gather [hbm4b:s1+s16], $0x80, s18, s16, $0xb8;
	[tilespmem:$0x18400] =	vst v63  }
0x8d: {  	_ =	swait.ge [sflag:s14], $0x4000  }
0x8e: {  	[sflag:s14] =	ssyncset.done $0x0  }
0x8f: {  	[sflag:s14] =	ssyncadd.s32 $0xFFFFC000  }
0x90: {  	[spmem:s3] =	stream.indirect.scatter.add.f32 [tilespmem:s13], [sflag:$0x1], $0x80, s19, s16, $0xb8;
	[tilespmem:$0x18400] =	vst v63  }
0x91: {  	_ =	swait.ge [sflag:s14], $0x4000  }
0x92: {  	[sflag:s14] =	ssyncset.done $0x0  }
0x93: {  	[sflag:s14] =	ssyncadd.s32 $0xFFFFC000  }
0x94: {  	[tilespmem:s13], [sflag:$0x1] =	stream.indirect.gather [hbm4b:s1+s16], $0x80, s20, s16, $0xb8;
	[tilespmem:$0x18400] =	vst v63  }
0x95: {  	_ =	swait.ge [sflag:s14], $0x4000  }
0x96: {  	[sflag:s14] =	ssyncset.done $0x0  }
0x97: {  	[sflag:s14] =	ssyncadd.s32 $0xFFFFC000  }
0x98: {  	[spmem:s3] =	stream.indirect.scatter.add.f32 [tilespmem:s13], [sflag:$0x1], $0x80, s21, s16, $0xb8;
	[tilespmem:$0x18400] =	vst v63  }
0x99: {  	_ =	swait.ge [sflag:s14], $0x4000  }
0x9a: {  	[sflag:s14] =	ssyncset.done $0x0  }
0x9b: {  	[sflag:s14] =	ssyncadd.s32 $0xFFFFC000  }
0x9c: {  	[tilespmem:s13], [sflag:$0x1] =	stream.indirect.gather [hbm4b:s1+s16], $0x80, s22, s16, $0xb8;
	[tilespmem:$0x18400] =	vst v63  }
0x9d: {  	_ =	swait.ge [sflag:s14], $0x4000  }
0x9e: {  	[sflag:s14] =	ssyncset.done $0x0  }
0x9f: {  	[sflag:s14] =	ssyncadd.s32 $0xFFFFC000  }
0xa0: {  	[spmem:s3] =	stream.indirect.scatter.add.f32 [tilespmem:s13], [sflag:$0x1], $0x80, s23, s16, $0xb8;
	[tilespmem:$0x18400] =	vst v63  }
0xa1: {  	_ =	swait.ge [sflag:s14], $0x4000  }
0xa2: {  	[sflag:s14] =	ssyncset.done $0x0  }
0xa3: {  	[sflag:s14] =	ssyncadd.s32 $0xFFFFC000  }
0xa4: {  	[tilespmem:s13], [sflag:$0x1] =	stream.indirect.gather [hbm4b:s1+s16], $0x80, s24, s16, $0xb8;
	[tilespmem:$0x18400] =	vst v63  }
0xa5: {  	_ =	swait.ge [sflag:s14], $0x4000  }
0xa6: {  	[sflag:s14] =	ssyncset.done $0x0  }
0xa7: {  	[sflag:s14] =	ssyncadd.s32 $0xFFFFC000  }
0xa8: {  	[spmem:s3] =	stream.indirect.scatter.add.f32 [tilespmem:s13], [sflag:$0x1], $0x80, s25, s16, $0xb8;
	[tilespmem:$0x18400] =	vst v63  }
0xa9: {  	_ =	swait.ge [sflag:s14], $0x4000  }
0xaa: {  	[sflag:s14] =	ssyncset.done $0x0  }
0xab: {  	[sflag:s14] =	ssyncadd.s32 $0xFFFFC000  }
0xac: {  	[tilespmem:s13], [sflag:$0x1] =	stream.indirect.gather [hbm4b:s1+s16], $0x80, s26, s16, $0xb8;
	[tilespmem:$0x18400] =	vst v63  }
0xad: {  	_ =	swait.ge [sflag:s14], $0x4000  }
0xae: {  	[sflag:s14] =	ssyncset.done $0x0  }
0xaf: {  	[sflag:s14] =	ssyncadd.s32 $0xFFFFC000  }
0xb0: {  	[spmem:s3] =	stream.indirect.scatter.add.f32 [tilespmem:s13], [sflag:$0x1], $0x80, s28, s16, $0xb8;
	[tilespmem:$0x18400] =	vst v63  }
0xb1: {  	_ =	swait.ge [sflag:s14], $0x4000  }
0xb2: {  	[sflag:s14] =	ssyncset.done $0x0  }
0xb3: {  	[sflag:s14] =	ssyncadd.s32 $0xFFFFC000  }
0xb4: {  	[tilespmem:s13], [sflag:$0x1] =	stream.indirect.gather [hbm4b:s1+s16], $0x80, s29, s16, $0xb8;
	[tilespmem:$0x18400] =	vst v63  }
0xb5: {  	_ =	swait.ge [sflag:s14], $0x4000  }
0xb6: {  	[sflag:s14] =	ssyncset.done $0x0  }
0xb7: {  	[sflag:s14] =	ssyncadd.s32 $0xFFFFC000  }
0xb8: {  	[spmem:s3] =	stream.indirect.scatter.add.f32 [tilespmem:s13], [sflag:$0x1], $0x80, s30, s16, $0xb8;
	[tilespmem:$0x18400] =	vst v63  }
0xb9: {  	_ =	swait.ge [sflag:s14], $0x4000  }
0xba: {  	[sflag:s14] =	ssyncset.done $0x0  }
0xbb: {  	[sflag:s14] =	ssyncadd.s32 $0xFFFFC000  }
0xbc: {  	[tilespmem:s13], [sflag:$0x1] =	stream.indirect.gather [hbm4b:s1+s16], $0x80, s31, s16, $0xb8;
	[tilespmem:$0x18400] =	vst v63  }
0xbd: {  	_ =	swait.ge [sflag:s14], $0x4000  }
.Ltmp1:
0xbe: {  	[sflag:s14] =	ssyncset.done $0x0;
	(pc) =	sbr.rel @p0 .LBB2_4-.Ltmp1, $4  }
0xbf: {  	[sflag:s14] =	ssyncadd.s32 $0xFFFFC000  }
0xc0: {  	[spmem:s3] =	stream.indirect.scatter.add.f32 [tilespmem:s13], [sflag:$0x1], $0x80, s2, s16, $0xb8;
	[tilespmem:$0x18400] =	vst v63  }
0xc1: {  	_ =	swait.ge [sflag:s14], $0x4000  }
0xc2: {  	s7 =	smov.u32 s8;
	[sflag:s14] =	ssyncset.done $0x0  }
0xc3: {  	s6 =	sadd.s32 s6, s12;
	[sflag:s14] =	ssyncadd.s32 $0xFFFFC000  }
0xc4: {  	[tilespmem:s15], [sflag:$0x1] =	stream.linear.gather [hbm4b:s6+s4], $0x800, $0x38;
	[tilespmem:$0x18400] =	vst v63  }
0xc5: {  	_ =	swait.ge [sflag:s14], $0x800  }
0xc6: {  	[sflag:s14] =	ssyncset.done $0x0  }
0xc7: {  	[sflag:s14] =	ssyncadd.s32 $0xFFFFF800  }
0xc8: {  	[tilespmem:s13], [sflag:$0x1] =	stream.indirect.gather [hbm4b:s1+s16], $0x80, s15, s16, $0xb8;
	[tilespmem:$0x18400] =	vst v63  }
0xc9: {  	_ =	swait.ge [sflag:s14], $0x4000  }
0xca: {  	[sflag:s14] =	ssyncset.done $0x0  }
0xcb: {  	[sflag:s14] =	ssyncadd.s32 $0xFFFFC000  }
0xcc: {  	[spmem:s3] =	stream.indirect.scatter.add.f32 [tilespmem:s13], [sflag:$0x1], $0x80, s17, s16, $0xb8;
	[tilespmem:$0x18400] =	vst v63  }
0xcd: {  	_ =	swait.ge [sflag:s14], $0x4000  }
0xce: {  	[sflag:s14] =	ssyncset.done $0x0  }
0xcf: {  	[sflag:s14] =	ssyncadd.s32 $0xFFFFC000  }
0xd0: {  	[tilespmem:s13], [sflag:$0x1] =	stream.indirect.gather [hbm4b:s1+s16], $0x80, s18, s16, $0xb8;
	[tilespmem:$0x18400] =	vst v63  }
0xd1: {  	_ =	swait.ge [sflag:s14], $0x4000  }
0xd2: {  	[sflag:s14] =	ssyncset.done $0x0  }
0xd3: {  	[sflag:s14] =	ssyncadd.s32 $0xFFFFC000  }
0xd4: {  	[spmem:s3] =	stream.indirect.scatter.add.f32 [tilespmem:s13], [sflag:$0x1], $0x80, s19, s16, $0xb8;
	[tilespmem:$0x18400] =	vst v63  }
0xd5: {  	_ =	swait.ge [sflag:s14], $0x4000  }
0xd6: {  	[sflag:s14] =	ssyncset.done $0x0  }
0xd7: {  	[sflag:s14] =	ssyncadd.s32 $0xFFFFC000  }
0xd8: {  	[tilespmem:s13], [sflag:$0x1] =	stream.indirect.gather [hbm4b:s1+s16], $0x80, s20, s16, $0xb8;
	[tilespmem:$0x18400] =	vst v63  }
0xd9: {  	_ =	swait.ge [sflag:s14], $0x4000  }
0xda: {  	[sflag:s14] =	ssyncset.done $0x0  }
0xdb: {  	[sflag:s14] =	ssyncadd.s32 $0xFFFFC000  }
0xdc: {  	[spmem:s3] =	stream.indirect.scatter.add.f32 [tilespmem:s13], [sflag:$0x1], $0x80, s21, s16, $0xb8;
	[tilespmem:$0x18400] =	vst v63  }
0xdd: {  	_ =	swait.ge [sflag:s14], $0x4000  }
0xde: {  	[sflag:s14] =	ssyncset.done $0x0  }
0xdf: {  	[sflag:s14] =	ssyncadd.s32 $0xFFFFC000  }
0xe0: {  	[tilespmem:s13], [sflag:$0x1] =	stream.indirect.gather [hbm4b:s1+s16], $0x80, s22, s16, $0xb8;
	[tilespmem:$0x18400] =	vst v63  }
0xe1: {  	_ =	swait.ge [sflag:s14], $0x4000  }
0xe2: {  	[sflag:s14] =	ssyncset.done $0x0  }
0xe3: {  	[sflag:s14] =	ssyncadd.s32 $0xFFFFC000  }
0xe4: {  	[spmem:s3] =	stream.indirect.scatter.add.f32 [tilespmem:s13], [sflag:$0x1], $0x80, s23, s16, $0xb8;
	[tilespmem:$0x18400] =	vst v63  }
0xe5: {  	_ =	swait.ge [sflag:s14], $0x4000  }
0xe6: {  	[sflag:s14] =	ssyncset.done $0x0  }
0xe7: {  	[sflag:s14] =	ssyncadd.s32 $0xFFFFC000  }
0xe8: {  	[tilespmem:s13], [sflag:$0x1] =	stream.indirect.gather [hbm4b:s1+s16], $0x80, s24, s16, $0xb8;
	[tilespmem:$0x18400] =	vst v63  }
0xe9: {  	_ =	swait.ge [sflag:s14], $0x4000  }
0xea: {  	[sflag:s14] =	ssyncset.done $0x0  }
0xeb: {  	[sflag:s14] =	ssyncadd.s32 $0xFFFFC000  }
0xec: {  	[spmem:s3] =	stream.indirect.scatter.add.f32 [tilespmem:s13], [sflag:$0x1], $0x80, s25, s16, $0xb8;
	[tilespmem:$0x18400] =	vst v63  }
0xed: {  	_ =	swait.ge [sflag:s14], $0x4000  }
0xee: {  	[sflag:s14] =	ssyncset.done $0x0  }
0xef: {  	[sflag:s14] =	ssyncadd.s32 $0xFFFFC000  }
0xf0: {  	[tilespmem:s13], [sflag:$0x1] =	stream.indirect.gather [hbm4b:s1+s16], $0x80, s26, s16, $0xb8;
	[tilespmem:$0x18400] =	vst v63  }
0xf1: {  	_ =	swait.ge [sflag:s14], $0x4000  }
0xf2: {  	[sflag:s14] =	ssyncset.done $0x0  }
0xf3: {  	[sflag:s14] =	ssyncadd.s32 $0xFFFFC000  }
0xf4: {  	[spmem:s3] =	stream.indirect.scatter.add.f32 [tilespmem:s13], [sflag:$0x1], $0x80, s28, s16, $0xb8;
	[tilespmem:$0x18400] =	vst v63  }
0xf5: {  	_ =	swait.ge [sflag:s14], $0x4000  }
0xf6: {  	[sflag:s14] =	ssyncset.done $0x0  }
0xf7: {  	[sflag:s14] =	ssyncadd.s32 $0xFFFFC000  }
0xf8: {  	[tilespmem:s13], [sflag:$0x1] =	stream.indirect.gather [hbm4b:s1+s16], $0x80, s29, s16, $0xb8;
	[tilespmem:$0x18400] =	vst v63  }
0xf9: {  	_ =	swait.ge [sflag:s14], $0x4000  }
0xfa: {  	[sflag:s14] =	ssyncset.done $0x0  }
0xfb: {  	[sflag:s14] =	ssyncadd.s32 $0xFFFFC000  }
0xfc: {  	[spmem:s3] =	stream.indirect.scatter.add.f32 [tilespmem:s13], [sflag:$0x1], $0x80, s30, s16, $0xb8;
	[tilespmem:$0x18400] =	vst v63  }
0xfd: {  	_ =	swait.ge [sflag:s14], $0x4000  }
0xfe: {  	[sflag:s14] =	ssyncset.done $0x0  }
0xff: {  	[sflag:s14] =	ssyncadd.s32 $0xFFFFC000  }
0x100: {  	[tilespmem:s13], [sflag:$0x1] =	stream.indirect.gather [hbm4b:s1+s16], $0x80, s31, s16, $0xb8;
	[tilespmem:$0x18400] =	vst v63  }
0x101: {  	_ =	swait.ge [sflag:s14], $0x4000  }
0x102: {  	[sflag:s14] =	ssyncset.done $0x0  }
0x103: {  	[sflag:s14] =	ssyncadd.s32 $0xFFFFC000  }
0x104: {  	[spmem:s3] =	stream.indirect.scatter.add.f32 [tilespmem:s13], [sflag:$0x1], $0x80, s2, s16, $0xb8;
	[tilespmem:$0x18400] =	vst v63  }
0x105: {  	s9 =	stileid.u32;
	_ =	swait.ge [sflag:s14], $0x4000  }
0x106: {  	s7 =	sshrl.u32 s5, $0x3;
	s0 =	sadd.s32 $0x1, s0;
	[sflag:s14] =	ssyncset.done $0x0  }
0x107: {  	s6 =	sshll.u32 s9, $0x6;
	p0 =	sne.s32 s0, s11;
	[sflag:s14] =	ssyncadd.s32 $0xFFFFC000  }
.Ltmp2:
0x108: {  	s6 =	sor.u32 $0x1C01, s6;
	[bflag:$0x0] =	sbarrier.arrive $0xFFFF;
	(pc) =	sbr.rel @p0 .LBB2_1-.Ltmp2, $4  }
0x109: {  	[hbm:s10], [sflag:s6] =	dma.local [spmem:s7], $0x2780  }
0x10a: {  	_ =	swait.ge [sflag:s14], $0x2780  }
0x10b: {  	[sflag:s14] =	ssyncset.done $0x0  }
0x10c: {  	[sflag:s14] =	ssyncadd.s32 $0xFFFFD880  }
0x10d: {  	_ =	sfence.sel $0x180000  }
0x10e: {  	[bflag:$0x0] =	sbarrier.arrive $0xFFFF  }
0x10f: {  	_ =	strace $0x9000004A  }
0x110: {  	s0 =	stileid.u32;
	[bflag:$0x2] =	sbarrier.arrive $0xFFFF  }
0x111: {  	p0 =	sne.s32 s0, $0x0;
	s0 =	rddreg [dreg:$0x3]  }
0x112: {  	s0 =	sadd.s32 @!p0 $0x100000, s0  }
0x113: {  	[sflag:s0] =	ssyncadd.tile.s32 @!p0 $0x1;
	_ =	shalt  }
.Lfunc_end2:
_tile_overlayer_lowered:
.L_overlay_start_2:
0x114: {  	(tag) =	ssettag $0x2  }
0x115: {  	s0 =	rddreg [dreg:$0x0];
	s2 =	stileid.u32  }
0x116: {  	s1 =	rddreg [dreg:$0x1];
	p0 =	sne.s32 s2, $0x0  }
0x117: {  	s3 =	rddreg [dreg:$0x2];
	[bflag:$0x3] =	sbarrier.arrive $0xFFFF;
	s2 =	simm.s32 @!p0 $0x1C01  }
0x118: {  	[timem:s3], [sflag:s2] =	dma.local @!p0 [hbm:s0], s1  }
0x119: {  	s0 =	simm.s32 @!p0 $0x1  }
0x11a: {  	_ =	swait.ge @!p0 [sflag:s0], s1  }
0x11b: {  	s1 =	ssub.s32 @!p0 $0x0, s1;
	[sflag:s0] =	ssyncset.done @!p0 $0x0  }
0x11c: {  	[sflag:s0] =	ssyncadd.s32 @!p0 s1  }
0x11d: {  	[bflag:$0x3] =	sbarrier.arrive $0xFFFF  }
0x11e: {  	_ =	shalt  }

// kernel: kernel.14.cloned.1.call-start
scs
__scs_entry_jumppad:
0x0: {  	(pc) =	sbr.rel $0x88, $3  }
0x1: {  	(tag) =	ssettag $0x0;
	lr =	simm.s32 $0x1  }
0x2: {  	[smem:$0x3F99] =	sst lr;
	_ =	strace $0xD0000000  }
0x3: {  	_ = 	snop  }
0x4: {  	_ = 	snop  }
0x5: {  	_ = 	snop  }
0x6: {  	_ = 	snop  }
0x7: {  	_ = 	snop  }
__scs_overlays_trampoline_lowered:
0x8: {  	[smem:$0x3FA8] =	sst s0  }
0x9: {  	[smem:$0x3FA9] =	sst s1  }
0xa: {  	[smem:$0x3FAA] =	sst s2  }
0xb: {  	[smem:$0x3FAB] =	sst s3  }
0xc: {  	[smem:$0x3FAC] =	sst s4  }
0xd: {  	[smem:$0x3FAD] =	sst s5  }
0xe: {  	[smem:$0x3FAE] =	sst s6  }
0xf: {  	[smem:$0x3FAF] =	sst s7  }
0x10: {  	[smem:$0x3FB0] =	sst s8  }
0x11: {  	[smem:$0x3FB1] =	sst s9;
	s0 =	simm.s32 @!p0 $0x0  }
0x12: {  	s1 =	sld [smem:$0x3F97];
	s0 =	simm.s32 @p0 $0x1  }
0x13: {  	[smem:$0x3FB2] =	sst s0;
	s0 =	simm.s32 @!p1 $0x0  }
0x14: {  	s2 =	sld [smem:$0x3F96];
	s0 =	simm.s32 @p1 $0x1  }
0x15: {  	[smem:$0x3FB3] =	sst s0;
	s0 =	simm.s32 @!p2 $0x0  }
0x16: {  	s3 =	sld [smem:$0x3FDB];
	s0 =	simm.s32 @p2 $0x1  }
0x17: {  	s4 =	simm.s32 $0x1BF5;
	[smem:$0x3FB5] =	sst s0  }
0x18: {  	s0 =	sld [smem:$0x3F98];
	_ =	swait.ge [sflag:s4], $0x0  }
0x19: {  	s7 =	sld [smem:$0x3F99]  }
0x1a: {  	s8 =	sadd.s32 $0xFFFFE003, lr  }
0x1b: {  	s9 =	sadd.s32 $0xFFFFFEF7, lr;
	s5 =	simm.s32 $0xFFFFFFFF;
	p2 =	slt.u32 s8, $0xFFFFF086  }
0x1c: {  	p1 =	slt.u32 s9, $0xF7A;
	s5 =	simm.s32 @!p2 $0x0  }
0x1d: {  	s5 =	simm.s32 @p1 $0x1;
	p0 =	seq.s32 s7, s2  }
0x1e: {  	s7 =	smul.u32 @!p0 $0xF7A, s2;
	p2 =	seq.s32 @!p0 s5, $0x0  }
0x1f: {  	s9 =	smul.u32 $0xF7A, s1;
	s8 =	simm.s32 @!p0 $0x1BF5;
	p2 =	por !p2, p0  }
0x20: {  	[sflag:s8] =	ssyncset.s32 @!p0 $0xFFFFF086;
	s6 =	sadd.s32 @!p0 s3, s7;
	s7 =	simm.s32 @!p0 $0x108  }
0x21: {  	s3 =	sadd.s32 s3, s9;
	s6 =	sadd.s32 @!p0 $0x88, s6;
	s7 =	simm.s32 @p2 $0x1082  }
0x22: {  	[simem:s7], [sflag:s8] =	dma.local @!p0 [hbm:s6], $0xF7A  }
0x23: {  	s9 =	sor.u32 $0xD0000000, s2;
	s6 =	simm.s32 $0x108;
	_ =	swait.ge @!p0 [sflag:s8], $0x0  }
0x24: {  	s3 =	sadd.s32 $0x88, s3;
	s6 =	simm.s32 @!p1 $0x1082;
	[sflag:s4] =	ssyncset.s32 $0xFFFFF086  }
0x25: {  	[simem:s6], [sflag:s4] =	dma.local [hbm:s3], $0xF7A  }
0x26: {  	[smem:$0x3F99] =	sst s1;
	(tag) =	ssettag s2;
	_ =	strace s9  }
0x27: {  	s1 =	sld [smem:$0x3FA9]  }
0x28: {  	s2 =	sld [smem:$0x3FAA]  }
0x29: {  	s4 =	sld [smem:$0x3FAC]  }
0x2a: {  	p0 =	seq.s32 s5, $0x0;
	s5 =	sld [smem:$0x3FAD]  }
0x2b: {  	s6 =	sld [smem:$0x3FAE]  }
0x2c: {  	s7 =	sld [smem:$0x3FAF]  }
0x2d: {  	s3 =	simm.s32 $0x108;
	s8 =	sld [smem:$0x3FB0]  }
0x2e: {  	s3 =	simm.s32 @!p0 $0x1082;
	s9 =	sld [smem:$0x3FB1]  }
0x2f: {  	lr =	sadd.s32 s0, s3;
	s0 =	sld [smem:$0x3FA8]  }
0x30: {  	s3 =	sld [smem:$0x3FAB]  }
0x31: {  	[smem:$0x3FB4] =	sst s10  }
0x32: {  	s10 =	sld [smem:$0x3FB2];
	_ =	sdelay $0x3  }
0x33: {  	p0 =	seq.s32 s10, $0x1;
	s10 =	sld [smem:$0x3FB4];
	_ =	sdelay $0x3  }
0x34: {  	[smem:$0x3FB4] =	sst s10  }
0x35: {  	s10 =	sld [smem:$0x3FB3];
	_ =	sdelay $0x3  }
0x36: {  	p1 =	seq.s32 s10, $0x1;
	s10 =	sld [smem:$0x3FB4];
	_ =	sdelay $0x3  }
0x37: {  	[smem:$0x3FB4] =	sst s10  }
0x38: {  	s10 =	sld [smem:$0x3FB5]  }
0x39: {  	_ = 	snop;
	(pc) =	sbr.ind lr, $3  }
0x3a: {  	_ = 	snop  }
0x3b: {  	_ = 	snop  }
0x3c: {  	p2 =	seq.s32 s10, $0x1;
	s10 =	sld [smem:$0x3FB4]  }
0x3d: {  	_ =	shalt  }
0x3e: {  	_ =	shalt  }
0x3f: {  	_ =	shalt  }
0x40: {  	_ =	shalt  }
0x41: {  	_ =	shalt  }
0x42: {  	_ =	shalt  }
0x43: {  	_ =	shalt  }
0x44: {  	_ =	shalt  }
0x45: {  	_ =	shalt  }
0x46: {  	_ =	shalt  }
0x47: {  	_ =	shalt  }
0x48: {  	_ =	shalt  }
0x49: {  	_ =	shalt  }
0x4a: {  	_ =	shalt  }
0x4b: {  	_ =	shalt  }
0x4c: {  	_ =	shalt  }
0x4d: {  	_ =	shalt  }
0x4e: {  	_ =	shalt  }
0x4f: {  	_ =	shalt  }
0x50: {  	_ =	shalt  }
0x51: {  	_ =	shalt  }
0x52: {  	_ =	shalt  }
0x53: {  	_ =	shalt  }
0x54: {  	_ =	shalt  }
0x55: {  	_ =	shalt  }
0x56: {  	_ =	shalt  }
0x57: {  	_ =	shalt  }
0x58: {  	_ =	shalt  }
0x59: {  	_ =	shalt  }
0x5a: {  	_ =	shalt  }
0x5b: {  	_ =	shalt  }
0x5c: {  	_ =	shalt  }
0x5d: {  	_ =	shalt  }
0x5e: {  	_ =	shalt  }
0x5f: {  	_ =	shalt  }
0x60: {  	_ =	shalt  }
0x61: {  	_ =	shalt  }
0x62: {  	_ =	shalt  }
0x63: {  	_ =	shalt  }
0x64: {  	_ =	shalt  }
0x65: {  	_ =	shalt  }
0x66: {  	_ =	shalt  }
0x67: {  	_ =	shalt  }
0x68: {  	_ =	shalt  }
0x69: {  	_ =	shalt  }
0x6a: {  	_ =	shalt  }
0x6b: {  	_ =	shalt  }
0x6c: {  	_ =	shalt  }
0x6d: {  	_ =	shalt  }
0x6e: {  	_ =	shalt  }
0x6f: {  	_ =	shalt  }
0x70: {  	_ =	shalt  }
0x71: {  	_ =	shalt  }
0x72: {  	_ =	shalt  }
0x73: {  	_ =	shalt  }
0x74: {  	_ =	shalt  }
0x75: {  	_ =	shalt  }
0x76: {  	_ =	shalt  }
0x77: {  	_ =	shalt  }
0x78: {  	_ =	shalt  }
0x79: {  	_ =	shalt  }
0x7a: {  	_ =	shalt  }
0x7b: {  	_ =	shalt  }
0x7c: {  	_ =	shalt  }
0x7d: {  	_ =	shalt  }
0x7e: {  	_ =	shalt  }
0x7f: {  	_ =	shalt  }
0x80: {  	_ =	shalt  }
0x81: {  	_ =	shalt  }
0x82: {  	_ =	shalt  }
0x83: {  	_ =	shalt  }
0x84: {  	_ =	shalt  }
0x85: {  	_ =	shalt  }
0x86: {  	_ =	shalt  }
0x87: {  	_ =	shalt  }
.Lfunc_end0:
.L_simem_size_0:
called_computation.2_lowered:
.L_overlay_start_0:
0x88: {  	s2 =	sld [smem:$0x3FD9]  }
0x89: {  	s3 =	sld [smem:$0x3FFE];
	_ =	sdelay $0x1  }
0x8a: {  	s1 =	srdreg.scid  }
0x8b: {  	s0 =	sand.u32 $0x1, s1  }
0x8c: {  	s17 =	sshll.u32 s0, $0xA;
	s2 =	sadd.s32 s3, s2  }
0x8d: {  	s2 =	sadd.s32 s2, s17  }
0x8e: {  	[smem:$0x3FC0] =	sst s2  }
0x8f: {  	_ = 	snop  }
0x90: {  	s2 =	sld [smem:$0x3FD0];
	(tm) =	ssettm $0x1  }
0x91: {  	s18 =	sld [smem:$0x3FFB];
	_ =	sdelay $0x3  }
0x92: {  	_ =	strace s18  }
0x93: {  	s3 =	sld [smem:$0x3FFC];
	_ =	sdelay $0x3  }
0x94: {  	_ =	strace s3  }
0x95: {  	s3 =	sld [smem:$0x3FFD];
	_ =	sdelay $0x3  }
0x96: {  	_ =	strace s3  }
0x97: {  	_ =	strace $0x8FFFFFFF  }
0x98: {  	s19 =	sld [smem:$0x3FDB];
	_ =	sdelay $0x1  }
0x99: {  	s4 =	simm.s32 $_scs_section_size  }
0x9a: {  	s5 =	simm.s32 $_size__tile_overlayer_lowered;
	s6 =	simm.s32 $_tile_overlayer_lowered  }
0x9b: {  	s22 =	simm.s32 $0x1BFF;
	s21 =	sshll.u32 s6, $0x1;
	s3 =	sadd.s32 s4, s19  }
0x9c: {  	s7 =	simm.s32 $0x0;
	s20 =	sshll.u32 s5, $0x1;
	s5 =	sadd.s32 s21, s3  }
0x9d: {  	[timem:s7], [sflag:s22] =	dma.local [hbm:s5], s20  }
0x9e: {  	_ =	swait.ge [sflag:s22], s20  }
0x9f: {  	s4 =	ssub.s32 $0x0, s20;
	[sflag:s22] =	ssyncset.done $0x0  }
0xa0: {  	[sflag:s22] =	ssyncadd.s32 s4;
	_ =	sdelay $0x1  }
0xa1: {  	s23 =	simm.s32 $0x1B8B  }
0xa2: {  	_ =	swait.ge [sflag:s23], $0x1  }
0xa3: {  	[sflag:s23] =	ssyncset.done $0x0  }
0xa4: {  	s25 =	simm.s32 $0x1B8E;
	s24 =	sld [smem:$0x3FFE];
	[sflag:s23] =	ssyncadd.s32 $0xFFFFFFFF  }
0xa5: {  	s26 =	simm.s32 $execute0_lowered;
	[smem:$0x3FD2] =	sst s25  }
0xa6: {  	s5 =	sshll.u32 s26, $0x1;
	_ =	strace $0x8000004C;
	[dreg:$0x1] =	wrdreg $0xFFFFFFFF  }
0xa7: {  	s28 =	simm.s32 $_size_execute0_lowered;
	s3 =	sadd.s32 s3, s5;
	[dreg:$0x0] =	wrdreg $0x0  }
0xa8: {  	s5 =	sshll.u32 s28, $0x1;
	[dreg:$0x2] =	wrdreg s3  }
0xa9: {  	[dreg:$0x3] =	wrdreg s5  }
0xaa: {  	[dreg:$0x4] =	wrdreg $0xC0  }
0xab: {  	_ =	task [dreg:s7], $0x5FFFF  }
0xac: {  	[dreg:$0x1] =	wrdreg $0xFFFFFFFF  }
0xad: {  	[dreg:$0x0] =	wrdreg $0x60  }
0xae: {  	[dreg:$0x2] =	wrdreg s2  }
0xaf: {  	[dreg:$0x3] =	wrdreg s24  }
0xb0: {  	[dreg:$0x4] =	wrdreg $0x0  }
0xb1: {  	[dreg:$0x5] =	wrdreg $0x9  }
0xb2: {  	_ =	task.clear_ibuf [dreg:s7], $0x6FFFF;
	_ =	strace $0x9000004C  }
0xb3: {  	s29 =	simm.s32 $0x9;
	_ =	strace $0x8000004E  }
0xb4: {  	_ =	swait.ge [sflag:s29], $0x1  }
0xb5: {  	[sflag:s29] =	ssyncadd.s32 $0xFFFFFFFF  }
0xb6: {  	_ =	strace $0x9000004E  }
0xb7: {  	_ =	sfence  }
0xb8: {  	s30 =	sld [smem:$0x0];
	_ =	sdelay $0x2  }
0xb9: {  	s31 =	sshll.u32 s1, $0xD;
	s1 =	sshrl.u32 s1, $0x2  }
0xba: {  	s3 =	sand.u32 $0x4000, s31;
	s1 =	sadd.s32 s1, s30  }
0xbb: {  	s0 =	sor.u32 s3, s0;
	s1 =	sshll.u32 s1, $0x11  }
0xbc: {  	s0 =	sor.u32 s1, s0  }
0xbd: {  	s0 =	sadd.s32 $0x8F2B, s0  }
0xbe: {  	[sflag:s0] =	ssyncadd.remote.s32 $0x1  }
0xbf: {  	_ =	sfence.sel $0xFFFF  }
0xc0: {  	[dreg:$0x0] =	wrdreg $0xFFFFFFFF;
	(pc) =	sbr.abs _section_cstart, $3  }
0xc1: {  	[dreg:$0x1] =	wrdreg $0xFFFFFFFF  }
0xc2: {  	_ =	task.clear_ibuf [dreg:s7], $0x2FFFF;
	_ =	strace $0x9FFFFFFF  }
0xc3: {  	(tm) =	ssettm $0x7FFFFFFF  }
tec
execute0_lowered:
.L_overlay_start_1:
0x0: {  	(tag) =	ssettag $0x1  }
0x1: {  	s1 =	rddreg [dreg:$0x0]  }
0x2: {  	s0 =	srdreg.scid;
	s2 =	rddreg [dreg:$0x1]  }
0x3: {  	s8 =	stileid.u32;
	s3 =	rddreg [dreg:$0x2]  }
0x4: {  	s4 =	simm.s32 $0x0;
	s13 =	simm.s32 $0x14400;
	s14 =	simm.s32 $0x1  }
0x5: {  	s15 =	simm.s32 $0x13C00;
	s16 =	simm.s32 $0x80;
	s6 =	smul.u32 $0x5000, s8  }
0x6: {  	s17 =	simm.s32 $0x14000;
	s18 =	simm.s32 $0x13C80;
	s19 =	smul.u32 $0x13C00, s8  }
0x7: {  	s28 =	simm.s32 $0x14280;
	s0 =	sand.u32 $0x1, s0;
	s8 =	smul.u32 $0x4F000, s8  }
0x8: {  	s29 =	simm.s32 $0x13F00;
	s30 =	simm.s32 $0x14300;
	s5 =	smul.u32 $0x50000, s0  }
0x9: {  	[smem:$0x7FF] =	sst s4;
	s7 =	smul.u32 $0x13C000, s0;
	s0 =	ssub.s32 $0x2, s0  }
0xa: {  	s31 =	simm.s32 $0x13F80;
	_ =	strace $0x8000004D;
	s21 =	sshrl.u32 s0, $0x1  }
0xb: {  	s22 =	sshrl.u32 s8, $0x2;
	s5 =	sadd.s32 s6, s5;
	s20 =	sadd.s32 s19, s7  }
0xc: {  	s0 =	ssub.s32 s0, s21;
	s19 =	simm.s32 $0x14080;
	s5 =	sshrl.u32 s5, $0x3  }
0xd: {  	s21 =	simm.s32 $0x14100;
	s12 =	sadd.s32 s5, s2;
	s5 =	sshrl.u32 s20, $0x3  }
0xe: {  	s11 =	smax.u32 s0, $0x1;
	s2 =	sadd.s32 s5, s2;
	s5 =	sadd.s32 s22, s3  }
0xf: {  	s0 =	simm.s32 $0x0;
	s20 =	simm.s32 $0x13D00;
	s23 =	sadd.s32 $0x4000, s5  }
0x10: {  	s12 =	sadd.s32 $0x2400, s12;
	s24 =	sadd.s32 $0x8000, s5;
	[dreg:$0x4] =	wrdreg s23  }
0x11: {  	s22 =	simm.s32 $0x13D80;
	s25 =	sadd.s32 $0xC000, s5;
	[dreg:$0x5] =	wrdreg s24  }
0x12: {  	s26 =	sadd.s32 $0x10000, s5;
	s10 =	sadd.s32 $0x16400, s2;
	[dreg:$0x6] =	wrdreg s25  }
0x13: {  	s2 =	simm.s32 $0x14380;
	[dreg:$0x7] =	wrdreg s26;
	s23 =	simm.s32 $0x14180  }
0x14: {  	v0 =	vimm.f32 $0.0e+00;
	s24 =	simm.s32 $0x13E00;
	s25 =	simm.s32 $0x14200;
	s26 =	simm.s32 $0x13E80  }
.LBB2_1:
0x15: {  	s6 =	simm.s32 $0x0;
	s7 =	simm.s32 $0x200  }
.LBB2_2:
0x16: {  	p0 =	sne.s32 s7, $0xFE00;
	[tilespmem:s6+$0x14470] =	vst v0  }
0x17: {  	[tilespmem:s6+$0x14400] =	vst v0  }
0x18: {  	[tilespmem:s6+$0x14410] =	vst v0  }
.Ltmp0:
0x19: {  	[tilespmem:s6+$0x14420] =	vst v0;
	(pc) =	sbr.rel @p0 .LBB2_2-.Ltmp0, $4  }
0x1a: {  	[tilespmem:s6+$0x14430] =	vst v0  }
0x1b: {  	[tilespmem:s6+$0x14440] =	vst v0  }
0x1c: {  	[tilespmem:s6+$0x14450] =	vst v0  }
0x1d: {  	[tilespmem:s6+$0x14460] =	vst v0;
	s6 =	sshra.s32 s7, $0x2;
	s7 =	sadd.s32 $0x200, s7  }
0x1e: {  	[tilespmem:s6+$0x14470] =	vst v0  }
0x1f: {  	[tilespmem:s6+$0x14400] =	vst v0  }
0x20: {  	[tilespmem:s6+$0x14410] =	vst v0  }
0x21: {  	[tilespmem:s6+$0x14420] =	vst v0  }
0x22: {  	[tilespmem:s6+$0x14430] =	vst v0  }
0x23: {  	[tilespmem:s6+$0x14440] =	vst v0  }
0x24: {  	[tilespmem:s6+$0x14450] =	vst v0  }
0x25: {  	[tilespmem:s6+$0x14460] =	vst v0  }
0x26: {  	[spmem:s5] =	stream.linear.scatter [tilespmem:s13], [sflag:$0x1], $0x4000, $0x38;
	[tilespmem:$0x18400] =	vst v63  }
0x27: {  	_ =	swait.ge [sflag:s14], $0x4000  }
0x28: {  	[sflag:s14] =	ssyncset.done $0x0  }
0x29: {  	s8 =	rddreg [dreg:$0x4];
	[sflag:s14] =	ssyncadd.s32 $0xFFFFC000  }
0x2a: {  	[spmem:s8] =	stream.linear.scatter [tilespmem:s13], [sflag:$0x1], $0x4000, $0x38;
	[tilespmem:$0x18400] =	vst v63  }
0x2b: {  	_ =	swait.ge [sflag:s14], $0x4000  }
0x2c: {  	[sflag:s14] =	ssyncset.done $0x0  }
0x2d: {  	s9 =	rddreg [dreg:$0x5];
	[sflag:s14] =	ssyncadd.s32 $0xFFFFC000  }
0x2e: {  	[spmem:s9] =	stream.linear.scatter [tilespmem:s13], [sflag:$0x1], $0x4000, $0x38;
	[tilespmem:$0x18400] =	vst v63  }
0x2f: {  	_ =	swait.ge [sflag:s14], $0x4000  }
0x30: {  	[sflag:s14] =	ssyncset.done $0x0  }
0x31: {  	s7 =	rddreg [dreg:$0x6];
	[sflag:s14] =	ssyncadd.s32 $0xFFFFC000  }
0x32: {  	[spmem:s7] =	stream.linear.scatter [tilespmem:s13], [sflag:$0x1], $0x4000, $0x38;
	[tilespmem:$0x18400] =	vst v63  }
0x33: {  	_ =	swait.ge [sflag:s14], $0x4000  }
0x34: {  	[sflag:s14] =	ssyncset.done $0x0  }
0x35: {  	s8 =	rddreg [dreg:$0x7];
	[sflag:s14] =	ssyncadd.s32 $0xFFFFC000  }
0x36: {  	[spmem:s8] =	stream.linear.scatter [tilespmem:s13], [sflag:$0x1], $0x3C00, $0x38;
	[tilespmem:$0x18400] =	vst v63  }
0x37: {  	_ =	swait.ge [sflag:s14], $0x3C00  }
0x38: {  	[sflag:s14] =	ssyncset.done $0x0  }
0x39: {  	[sflag:s14] =	ssyncadd.s32 $0xFFFFC400  }
0x3a: {  	s9 =	sadd.s32 $0x0, s12;
	[bflag:$0x0] =	sbarrier.arrive $0xFFFF  }
0x3b: {  	[tilespmem:s15], [sflag:$0x1] =	stream.linear.gather [hbm4b:s9+s4], $0x800, $0x38;
	[tilespmem:$0x18400] =	vst v63  }
0x3c: {  	_ =	swait.ge [sflag:s14], $0x800  }
0x3d: {  	[sflag:s14] =	ssyncset.done $0x0  }
0x3e: {  	[sflag:s14] =	ssyncadd.s32 $0xFFFFF800  }
0x3f: {  	[tilespmem:s13], [sflag:$0x1] =	stream.indirect.gather [hbm4b:s1+s16], $0x80, s15, s16, $0xb8;
	[tilespmem:$0x18400] =	vst v63  }
0x40: {  	_ =	swait.ge [sflag:s14], $0x4000  }
0x41: {  	[sflag:s14] =	ssyncset.done $0x0  }
0x42: {  	[sflag:s14] =	ssyncadd.s32 $0xFFFFC000  }
0x43: {  	[spmem:s3] =	stream.indirect.scatter.add.f32 [tilespmem:s13], [sflag:$0x1], $0x80, s17, s16, $0xb8;
	[tilespmem:$0x18400] =	vst v63  }
0x44: {  	_ =	swait.ge [sflag:s14], $0x4000  }
0x45: {  	[sflag:s14] =	ssyncset.done $0x0  }
0x46: {  	[sflag:s14] =	ssyncadd.s32 $0xFFFFC000  }
0x47: {  	[tilespmem:s13], [sflag:$0x1] =	stream.indirect.gather [hbm4b:s1+s16], $0x80, s18, s16, $0xb8;
	[tilespmem:$0x18400] =	vst v63  }
0x48: {  	_ =	swait.ge [sflag:s14], $0x4000  }
0x49: {  	[sflag:s14] =	ssyncset.done $0x0  }
0x4a: {  	[sflag:s14] =	ssyncadd.s32 $0xFFFFC000  }
0x4b: {  	[spmem:s3] =	stream.indirect.scatter.add.f32 [tilespmem:s13], [sflag:$0x1], $0x80, s19, s16, $0xb8;
	[tilespmem:$0x18400] =	vst v63  }
0x4c: {  	_ =	swait.ge [sflag:s14], $0x4000  }
0x4d: {  	[sflag:s14] =	ssyncset.done $0x0  }
0x4e: {  	[sflag:s14] =	ssyncadd.s32 $0xFFFFC000  }
0x4f: {  	[tilespmem:s13], [sflag:$0x1] =	stream.indirect.gather [hbm4b:s1+s16], $0x80, s20, s16, $0xb8;
	[tilespmem:$0x18400] =	vst v63  }
0x50: {  	_ =	swait.ge [sflag:s14], $0x4000  }
0x51: {  	[sflag:s14] =	ssyncset.done $0x0  }
0x52: {  	[sflag:s14] =	ssyncadd.s32 $0xFFFFC000  }
0x53: {  	[spmem:s3] =	stream.indirect.scatter.add.f32 [tilespmem:s13], [sflag:$0x1], $0x80, s21, s16, $0xb8;
	[tilespmem:$0x18400] =	vst v63  }
0x54: {  	_ =	swait.ge [sflag:s14], $0x4000  }
0x55: {  	[sflag:s14] =	ssyncset.done $0x0  }
0x56: {  	[sflag:s14] =	ssyncadd.s32 $0xFFFFC000  }
0x57: {  	[tilespmem:s13], [sflag:$0x1] =	stream.indirect.gather [hbm4b:s1+s16], $0x80, s22, s16, $0xb8;
	[tilespmem:$0x18400] =	vst v63  }
0x58: {  	_ =	swait.ge [sflag:s14], $0x4000  }
0x59: {  	[sflag:s14] =	ssyncset.done $0x0  }
0x5a: {  	[sflag:s14] =	ssyncadd.s32 $0xFFFFC000  }
0x5b: {  	[spmem:s3] =	stream.indirect.scatter.add.f32 [tilespmem:s13], [sflag:$0x1], $0x80, s23, s16, $0xb8;
	[tilespmem:$0x18400] =	vst v63  }
0x5c: {  	_ =	swait.ge [sflag:s14], $0x4000  }
0x5d: {  	[sflag:s14] =	ssyncset.done $0x0  }
0x5e: {  	[sflag:s14] =	ssyncadd.s32 $0xFFFFC000  }
0x5f: {  	[tilespmem:s13], [sflag:$0x1] =	stream.indirect.gather [hbm4b:s1+s16], $0x80, s24, s16, $0xb8;
	[tilespmem:$0x18400] =	vst v63  }
0x60: {  	_ =	swait.ge [sflag:s14], $0x4000  }
0x61: {  	[sflag:s14] =	ssyncset.done $0x0  }
0x62: {  	[sflag:s14] =	ssyncadd.s32 $0xFFFFC000  }
0x63: {  	[spmem:s3] =	stream.indirect.scatter.add.f32 [tilespmem:s13], [sflag:$0x1], $0x80, s25, s16, $0xb8;
	[tilespmem:$0x18400] =	vst v63  }
0x64: {  	_ =	swait.ge [sflag:s14], $0x4000  }
0x65: {  	[sflag:s14] =	ssyncset.done $0x0  }
0x66: {  	[sflag:s14] =	ssyncadd.s32 $0xFFFFC000  }
0x67: {  	[tilespmem:s13], [sflag:$0x1] =	stream.indirect.gather [hbm4b:s1+s16], $0x80, s26, s16, $0xb8;
	[tilespmem:$0x18400] =	vst v63  }
0x68: {  	_ =	swait.ge [sflag:s14], $0x4000  }
0x69: {  	[sflag:s14] =	ssyncset.done $0x0  }
0x6a: {  	[sflag:s14] =	ssyncadd.s32 $0xFFFFC000  }
0x6b: {  	[spmem:s3] =	stream.indirect.scatter.add.f32 [tilespmem:s13], [sflag:$0x1], $0x80, s28, s16, $0xb8;
	[tilespmem:$0x18400] =	vst v63  }
0x6c: {  	_ =	swait.ge [sflag:s14], $0x4000  }
0x6d: {  	[sflag:s14] =	ssyncset.done $0x0  }
0x6e: {  	[sflag:s14] =	ssyncadd.s32 $0xFFFFC000  }
0x6f: {  	[tilespmem:s13], [sflag:$0x1] =	stream.indirect.gather [hbm4b:s1+s16], $0x80, s29, s16, $0xb8;
	[tilespmem:$0x18400] =	vst v63  }
0x70: {  	_ =	swait.ge [sflag:s14], $0x4000  }
0x71: {  	[sflag:s14] =	ssyncset.done $0x0  }
0x72: {  	[sflag:s14] =	ssyncadd.s32 $0xFFFFC000  }
0x73: {  	[spmem:s3] =	stream.indirect.scatter.add.f32 [tilespmem:s13], [sflag:$0x1], $0x80, s30, s16, $0xb8;
	[tilespmem:$0x18400] =	vst v63  }
0x74: {  	_ =	swait.ge [sflag:s14], $0x4000  }
0x75: {  	[sflag:s14] =	ssyncset.done $0x0  }
0x76: {  	[sflag:s14] =	ssyncadd.s32 $0xFFFFC000  }
0x77: {  	[tilespmem:s13], [sflag:$0x1] =	stream.indirect.gather [hbm4b:s1+s16], $0x80, s31, s16, $0xb8;
	[tilespmem:$0x18400] =	vst v63  }
0x78: {  	_ =	swait.ge [sflag:s14], $0x4000  }
0x79: {  	[sflag:s14] =	ssyncset.done $0x0  }
0x7a: {  	[sflag:s14] =	ssyncadd.s32 $0xFFFFC000  }
0x7b: {  	[spmem:s3] =	stream.indirect.scatter.add.f32 [tilespmem:s13], [sflag:$0x1], $0x80, s2, s16, $0xb8;
	[tilespmem:$0x18400] =	vst v63  }
0x7c: {  	_ =	swait.ge [sflag:s14], $0x4000  }
0x7d: {  	s6 =	simm.s32 $0x100;
	s7 =	simm.s32 $0x200;
	[sflag:s14] =	ssyncset.done $0x0  }
.LBB2_4:
0x7e: {  	s9 =	sadd.s32 s6, s12  }
0x7f: {  	[sflag:s14] =	ssyncadd.s32 $0xFFFFC000;
	s6 =	smov.u32 s7;
	s8 =	sadd.s32 $0x100, s7  }
0x80: {  	[tilespmem:s15], [sflag:$0x1] =	stream.linear.gather [hbm4b:s9+s4], $0x800, $0x38;
	[tilespmem:$0x18400] =	vst v63  }
0x81: {  	p0 =	sne.s32 s7, $0x900;
	_ =	swait.ge [sflag:s14], $0x800  }
0x82: {  	[sflag:s14] =	ssyncset.done $0x0  }
0x83: {  	[sflag:s14] =	ssyncadd.s32 $0xFFFFF800  }
0x84: {  	[tilespmem:s13], [sflag:$0x1] =	stream.indirect.gather [hbm4b:s1+s16], $0x80, s15, s16, $0xb8;
	[tilespmem:$0x18400] =	vst v63  }
0x85: {  	_ =	swait.ge [sflag:s14], $0x4000  }
0x86: {  	[sflag:s14] =	ssyncset.done $0x0  }
0x87: {  	[sflag:s14] =	ssyncadd.s32 $0xFFFFC000  }
0x88: {  	[spmem:s3] =	stream.indirect.scatter.add.f32 [tilespmem:s13], [sflag:$0x1], $0x80, s17, s16, $0xb8;
	[tilespmem:$0x18400] =	vst v63  }
0x89: {  	_ =	swait.ge [sflag:s14], $0x4000  }
0x8a: {  	[sflag:s14] =	ssyncset.done $0x0  }
0x8b: {  	[sflag:s14] =	ssyncadd.s32 $0xFFFFC000  }
0x8c: {  	[tilespmem:s13], [sflag:$0x1] =	stream.indirect.gather [hbm4b:s1+s16], $0x80, s18, s16, $0xb8;
	[tilespmem:$0x18400] =	vst v63  }
0x8d: {  	_ =	swait.ge [sflag:s14], $0x4000  }
0x8e: {  	[sflag:s14] =	ssyncset.done $0x0  }
0x8f: {  	[sflag:s14] =	ssyncadd.s32 $0xFFFFC000  }
0x90: {  	[spmem:s3] =	stream.indirect.scatter.add.f32 [tilespmem:s13], [sflag:$0x1], $0x80, s19, s16, $0xb8;
	[tilespmem:$0x18400] =	vst v63  }
0x91: {  	_ =	swait.ge [sflag:s14], $0x4000  }
0x92: {  	[sflag:s14] =	ssyncset.done $0x0  }
0x93: {  	[sflag:s14] =	ssyncadd.s32 $0xFFFFC000  }
0x94: {  	[tilespmem:s13], [sflag:$0x1] =	stream.indirect.gather [hbm4b:s1+s16], $0x80, s20, s16, $0xb8;
	[tilespmem:$0x18400] =	vst v63  }
0x95: {  	_ =	swait.ge [sflag:s14], $0x4000  }
0x96: {  	[sflag:s14] =	ssyncset.done $0x0  }
0x97: {  	[sflag:s14] =	ssyncadd.s32 $0xFFFFC000  }
0x98: {  	[spmem:s3] =	stream.indirect.scatter.add.f32 [tilespmem:s13], [sflag:$0x1], $0x80, s21, s16, $0xb8;
	[tilespmem:$0x18400] =	vst v63  }
0x99: {  	_ =	swait.ge [sflag:s14], $0x4000  }
0x9a: {  	[sflag:s14] =	ssyncset.done $0x0  }
0x9b: {  	[sflag:s14] =	ssyncadd.s32 $0xFFFFC000  }
0x9c: {  	[tilespmem:s13], [sflag:$0x1] =	stream.indirect.gather [hbm4b:s1+s16], $0x80, s22, s16, $0xb8;
	[tilespmem:$0x18400] =	vst v63  }
0x9d: {  	_ =	swait.ge [sflag:s14], $0x4000  }
0x9e: {  	[sflag:s14] =	ssyncset.done $0x0  }
0x9f: {  	[sflag:s14] =	ssyncadd.s32 $0xFFFFC000  }
0xa0: {  	[spmem:s3] =	stream.indirect.scatter.add.f32 [tilespmem:s13], [sflag:$0x1], $0x80, s23, s16, $0xb8;
	[tilespmem:$0x18400] =	vst v63  }
0xa1: {  	_ =	swait.ge [sflag:s14], $0x4000  }
0xa2: {  	[sflag:s14] =	ssyncset.done $0x0  }
0xa3: {  	[sflag:s14] =	ssyncadd.s32 $0xFFFFC000  }
0xa4: {  	[tilespmem:s13], [sflag:$0x1] =	stream.indirect.gather [hbm4b:s1+s16], $0x80, s24, s16, $0xb8;
	[tilespmem:$0x18400] =	vst v63  }
0xa5: {  	_ =	swait.ge [sflag:s14], $0x4000  }
0xa6: {  	[sflag:s14] =	ssyncset.done $0x0  }
0xa7: {  	[sflag:s14] =	ssyncadd.s32 $0xFFFFC000  }
0xa8: {  	[spmem:s3] =	stream.indirect.scatter.add.f32 [tilespmem:s13], [sflag:$0x1], $0x80, s25, s16, $0xb8;
	[tilespmem:$0x18400] =	vst v63  }
0xa9: {  	_ =	swait.ge [sflag:s14], $0x4000  }
0xaa: {  	[sflag:s14] =	ssyncset.done $0x0  }
0xab: {  	[sflag:s14] =	ssyncadd.s32 $0xFFFFC000  }
0xac: {  	[tilespmem:s13], [sflag:$0x1] =	stream.indirect.gather [hbm4b:s1+s16], $0x80, s26, s16, $0xb8;
	[tilespmem:$0x18400] =	vst v63  }
0xad: {  	_ =	swait.ge [sflag:s14], $0x4000  }
0xae: {  	[sflag:s14] =	ssyncset.done $0x0  }
0xaf: {  	[sflag:s14] =	ssyncadd.s32 $0xFFFFC000  }
0xb0: {  	[spmem:s3] =	stream.indirect.scatter.add.f32 [tilespmem:s13], [sflag:$0x1], $0x80, s28, s16, $0xb8;
	[tilespmem:$0x18400] =	vst v63  }
0xb1: {  	_ =	swait.ge [sflag:s14], $0x4000  }
0xb2: {  	[sflag:s14] =	ssyncset.done $0x0  }
0xb3: {  	[sflag:s14] =	ssyncadd.s32 $0xFFFFC000  }
0xb4: {  	[tilespmem:s13], [sflag:$0x1] =	stream.indirect.gather [hbm4b:s1+s16], $0x80, s29, s16, $0xb8;
	[tilespmem:$0x18400] =	vst v63  }
0xb5: {  	_ =	swait.ge [sflag:s14], $0x4000  }
0xb6: {  	[sflag:s14] =	ssyncset.done $0x0  }
0xb7: {  	[sflag:s14] =	ssyncadd.s32 $0xFFFFC000  }
0xb8: {  	[spmem:s3] =	stream.indirect.scatter.add.f32 [tilespmem:s13], [sflag:$0x1], $0x80, s30, s16, $0xb8;
	[tilespmem:$0x18400] =	vst v63  }
0xb9: {  	_ =	swait.ge [sflag:s14], $0x4000  }
0xba: {  	[sflag:s14] =	ssyncset.done $0x0  }
0xbb: {  	[sflag:s14] =	ssyncadd.s32 $0xFFFFC000  }
0xbc: {  	[tilespmem:s13], [sflag:$0x1] =	stream.indirect.gather [hbm4b:s1+s16], $0x80, s31, s16, $0xb8;
	[tilespmem:$0x18400] =	vst v63  }
0xbd: {  	_ =	swait.ge [sflag:s14], $0x4000  }
.Ltmp1:
0xbe: {  	[sflag:s14] =	ssyncset.done $0x0;
	(pc) =	sbr.rel @p0 .LBB2_4-.Ltmp1, $4  }
0xbf: {  	[sflag:s14] =	ssyncadd.s32 $0xFFFFC000  }
0xc0: {  	[spmem:s3] =	stream.indirect.scatter.add.f32 [tilespmem:s13], [sflag:$0x1], $0x80, s2, s16, $0xb8;
	[tilespmem:$0x18400] =	vst v63  }
0xc1: {  	_ =	swait.ge [sflag:s14], $0x4000  }
0xc2: {  	s7 =	smov.u32 s8;
	[sflag:s14] =	ssyncset.done $0x0  }
0xc3: {  	s6 =	sadd.s32 s6, s12;
	[sflag:s14] =	ssyncadd.s32 $0xFFFFC000  }
0xc4: {  	[tilespmem:s15], [sflag:$0x1] =	stream.linear.gather [hbm4b:s6+s4], $0x800, $0x38;
	[tilespmem:$0x18400] =	vst v63  }
0xc5: {  	_ =	swait.ge [sflag:s14], $0x800  }
0xc6: {  	[sflag:s14] =	ssyncset.done $0x0  }
0xc7: {  	[sflag:s14] =	ssyncadd.s32 $0xFFFFF800  }
0xc8: {  	[tilespmem:s13], [sflag:$0x1] =	stream.indirect.gather [hbm4b:s1+s16], $0x80, s15, s16, $0xb8;
	[tilespmem:$0x18400] =	vst v63  }
0xc9: {  	_ =	swait.ge [sflag:s14], $0x4000  }
0xca: {  	[sflag:s14] =	ssyncset.done $0x0  }
0xcb: {  	[sflag:s14] =	ssyncadd.s32 $0xFFFFC000  }
0xcc: {  	[spmem:s3] =	stream.indirect.scatter.add.f32 [tilespmem:s13], [sflag:$0x1], $0x80, s17, s16, $0xb8;
	[tilespmem:$0x18400] =	vst v63  }
0xcd: {  	_ =	swait.ge [sflag:s14], $0x4000  }
0xce: {  	[sflag:s14] =	ssyncset.done $0x0  }
0xcf: {  	[sflag:s14] =	ssyncadd.s32 $0xFFFFC000  }
0xd0: {  	[tilespmem:s13], [sflag:$0x1] =	stream.indirect.gather [hbm4b:s1+s16], $0x80, s18, s16, $0xb8;
	[tilespmem:$0x18400] =	vst v63  }
0xd1: {  	_ =	swait.ge [sflag:s14], $0x4000  }
0xd2: {  	[sflag:s14] =	ssyncset.done $0x0  }
0xd3: {  	[sflag:s14] =	ssyncadd.s32 $0xFFFFC000  }
0xd4: {  	[spmem:s3] =	stream.indirect.scatter.add.f32 [tilespmem:s13], [sflag:$0x1], $0x80, s19, s16, $0xb8;
	[tilespmem:$0x18400] =	vst v63  }
0xd5: {  	_ =	swait.ge [sflag:s14], $0x4000  }
0xd6: {  	[sflag:s14] =	ssyncset.done $0x0  }
0xd7: {  	[sflag:s14] =	ssyncadd.s32 $0xFFFFC000  }
0xd8: {  	[tilespmem:s13], [sflag:$0x1] =	stream.indirect.gather [hbm4b:s1+s16], $0x80, s20, s16, $0xb8;
	[tilespmem:$0x18400] =	vst v63  }
0xd9: {  	_ =	swait.ge [sflag:s14], $0x4000  }
0xda: {  	[sflag:s14] =	ssyncset.done $0x0  }
0xdb: {  	[sflag:s14] =	ssyncadd.s32 $0xFFFFC000  }
0xdc: {  	[spmem:s3] =	stream.indirect.scatter.add.f32 [tilespmem:s13], [sflag:$0x1], $0x80, s21, s16, $0xb8;
	[tilespmem:$0x18400] =	vst v63  }
0xdd: {  	_ =	swait.ge [sflag:s14], $0x4000  }
0xde: {  	[sflag:s14] =	ssyncset.done $0x0  }
0xdf: {  	[sflag:s14] =	ssyncadd.s32 $0xFFFFC000  }
0xe0: {  	[tilespmem:s13], [sflag:$0x1] =	stream.indirect.gather [hbm4b:s1+s16], $0x80, s22, s16, $0xb8;
	[tilespmem:$0x18400] =	vst v63  }
0xe1: {  	_ =	swait.ge [sflag:s14], $0x4000  }
0xe2: {  	[sflag:s14] =	ssyncset.done $0x0  }
0xe3: {  	[sflag:s14] =	ssyncadd.s32 $0xFFFFC000  }
0xe4: {  	[spmem:s3] =	stream.indirect.scatter.add.f32 [tilespmem:s13], [sflag:$0x1], $0x80, s23, s16, $0xb8;
	[tilespmem:$0x18400] =	vst v63  }
0xe5: {  	_ =	swait.ge [sflag:s14], $0x4000  }
0xe6: {  	[sflag:s14] =	ssyncset.done $0x0  }
0xe7: {  	[sflag:s14] =	ssyncadd.s32 $0xFFFFC000  }
0xe8: {  	[tilespmem:s13], [sflag:$0x1] =	stream.indirect.gather [hbm4b:s1+s16], $0x80, s24, s16, $0xb8;
	[tilespmem:$0x18400] =	vst v63  }
0xe9: {  	_ =	swait.ge [sflag:s14], $0x4000  }
0xea: {  	[sflag:s14] =	ssyncset.done $0x0  }
0xeb: {  	[sflag:s14] =	ssyncadd.s32 $0xFFFFC000  }
0xec: {  	[spmem:s3] =	stream.indirect.scatter.add.f32 [tilespmem:s13], [sflag:$0x1], $0x80, s25, s16, $0xb8;
	[tilespmem:$0x18400] =	vst v63  }
0xed: {  	_ =	swait.ge [sflag:s14], $0x4000  }
0xee: {  	[sflag:s14] =	ssyncset.done $0x0  }
0xef: {  	[sflag:s14] =	ssyncadd.s32 $0xFFFFC000  }
0xf0: {  	[tilespmem:s13], [sflag:$0x1] =	stream.indirect.gather [hbm4b:s1+s16], $0x80, s26, s16, $0xb8;
	[tilespmem:$0x18400] =	vst v63  }
0xf1: {  	_ =	swait.ge [sflag:s14], $0x4000  }
0xf2: {  	[sflag:s14] =	ssyncset.done $0x0  }
0xf3: {  	[sflag:s14] =	ssyncadd.s32 $0xFFFFC000  }
0xf4: {  	[spmem:s3] =	stream.indirect.scatter.add.f32 [tilespmem:s13], [sflag:$0x1], $0x80, s28, s16, $0xb8;
	[tilespmem:$0x18400] =	vst v63  }
0xf5: {  	_ =	swait.ge [sflag:s14], $0x4000  }
0xf6: {  	[sflag:s14] =	ssyncset.done $0x0  }
0xf7: {  	[sflag:s14] =	ssyncadd.s32 $0xFFFFC000  }
0xf8: {  	[tilespmem:s13], [sflag:$0x1] =	stream.indirect.gather [hbm4b:s1+s16], $0x80, s29, s16, $0xb8;
	[tilespmem:$0x18400] =	vst v63  }
0xf9: {  	_ =	swait.ge [sflag:s14], $0x4000  }
0xfa: {  	[sflag:s14] =	ssyncset.done $0x0  }
0xfb: {  	[sflag:s14] =	ssyncadd.s32 $0xFFFFC000  }
0xfc: {  	[spmem:s3] =	stream.indirect.scatter.add.f32 [tilespmem:s13], [sflag:$0x1], $0x80, s30, s16, $0xb8;
	[tilespmem:$0x18400] =	vst v63  }
0xfd: {  	_ =	swait.ge [sflag:s14], $0x4000  }
0xfe: {  	[sflag:s14] =	ssyncset.done $0x0  }
0xff: {  	[sflag:s14] =	ssyncadd.s32 $0xFFFFC000  }
0x100: {  	[tilespmem:s13], [sflag:$0x1] =	stream.indirect.gather [hbm4b:s1+s16], $0x80, s31, s16, $0xb8;
	[tilespmem:$0x18400] =	vst v63  }
0x101: {  	_ =	swait.ge [sflag:s14], $0x4000  }
0x102: {  	[sflag:s14] =	ssyncset.done $0x0  }
0x103: {  	[sflag:s14] =	ssyncadd.s32 $0xFFFFC000  }
0x104: {  	[spmem:s3] =	stream.indirect.scatter.add.f32 [tilespmem:s13], [sflag:$0x1], $0x80, s2, s16, $0xb8;
	[tilespmem:$0x18400] =	vst v63  }
0x105: {  	s9 =	stileid.u32;
	_ =	swait.ge [sflag:s14], $0x4000  }
0x106: {  	s7 =	sshrl.u32 s5, $0x3;
	s0 =	sadd.s32 $0x1, s0;
	[sflag:s14] =	ssyncset.done $0x0  }
0x107: {  	s6 =	sshll.u32 s9, $0x6;
	p0 =	sne.s32 s0, s11;
	[sflag:s14] =	ssyncadd.s32 $0xFFFFC000  }
.Ltmp2:
0x108: {  	s6 =	sor.u32 $0x1C01, s6;
	[bflag:$0x0] =	sbarrier.arrive $0xFFFF;
	(pc) =	sbr.rel @p0 .LBB2_1-.Ltmp2, $4  }
0x109: {  	[hbm:s10], [sflag:s6] =	dma.local [spmem:s7], $0x2780  }
0x10a: {  	_ =	swait.ge [sflag:s14], $0x2780  }
0x10b: {  	[sflag:s14] =	ssyncset.done $0x0  }
0x10c: {  	[sflag:s14] =	ssyncadd.s32 $0xFFFFD880  }
0x10d: {  	_ =	sfence.sel $0x180000  }
0x10e: {  	[bflag:$0x0] =	sbarrier.arrive $0xFFFF  }
0x10f: {  	_ =	strace $0x9000004D  }
0x110: {  	s0 =	stileid.u32;
	[bflag:$0x2] =	sbarrier.arrive $0xFFFF  }
0x111: {  	p0 =	sne.s32 s0, $0x0;
	s0 =	rddreg [dreg:$0x3]  }
0x112: {  	s0 =	sadd.s32 @!p0 $0x100000, s0  }
0x113: {  	[sflag:s0] =	ssyncadd.tile.s32 @!p0 $0x1;
	_ =	shalt  }
.Lfunc_end2:
_tile_overlayer_lowered:
.L_overlay_start_2:
0x114: {  	(tag) =	ssettag $0x2  }
0x115: {  	s0 =	rddreg [dreg:$0x0];
	s2 =	stileid.u32  }
0x116: {  	s1 =	rddreg [dreg:$0x1];
	p0 =	sne.s32 s2, $0x0  }
0x117: {  	s3 =	rddreg [dreg:$0x2];
	[bflag:$0x3] =	sbarrier.arrive $0xFFFF;
	s2 =	simm.s32 @!p0 $0x1C01  }
0x118: {  	[timem:s3], [sflag:s2] =	dma.local @!p0 [hbm:s0], s1  }
0x119: {  	s0 =	simm.s32 @!p0 $0x1  }
0x11a: {  	_ =	swait.ge @!p0 [sflag:s0], s1  }
0x11b: {  	s1 =	ssub.s32 @!p0 $0x0, s1;
	[sflag:s0] =	ssyncset.done @!p0 $0x0  }
0x11c: {  	[sflag:s0] =	ssyncadd.s32 @!p0 s1  }
0x11d: {  	[bflag:$0x3] =	sbarrier.arrive $0xFFFF  }
0x11e: {  	_ =	shalt  }

// kernel: kernel.8.cloned.1.call-start
scs
__scs_entry_jumppad:
0x0: {  	(pc) =	sbr.rel $0x88, $3  }
0x1: {  	(tag) =	ssettag $0x0;
	lr =	simm.s32 $0x1  }
0x2: {  	[smem:$0x3F99] =	sst lr;
	_ =	strace $0xD0000000  }
0x3: {  	_ = 	snop  }
0x4: {  	_ = 	snop  }
0x5: {  	_ = 	snop  }
0x6: {  	_ = 	snop  }
0x7: {  	_ = 	snop  }
__scs_overlays_trampoline_lowered:
0x8: {  	[smem:$0x3FA8] =	sst s0  }
0x9: {  	[smem:$0x3FA9] =	sst s1  }
0xa: {  	[smem:$0x3FAA] =	sst s2  }
0xb: {  	[smem:$0x3FAB] =	sst s3  }
0xc: {  	[smem:$0x3FAC] =	sst s4  }
0xd: {  	[smem:$0x3FAD] =	sst s5  }
0xe: {  	[smem:$0x3FAE] =	sst s6  }
0xf: {  	[smem:$0x3FAF] =	sst s7  }
0x10: {  	[smem:$0x3FB0] =	sst s8  }
0x11: {  	[smem:$0x3FB1] =	sst s9;
	s0 =	simm.s32 @!p0 $0x0  }
0x12: {  	s1 =	sld [smem:$0x3F97];
	s0 =	simm.s32 @p0 $0x1  }
0x13: {  	[smem:$0x3FB2] =	sst s0;
	s0 =	simm.s32 @!p1 $0x0  }
0x14: {  	s2 =	sld [smem:$0x3F96];
	s0 =	simm.s32 @p1 $0x1  }
0x15: {  	[smem:$0x3FB3] =	sst s0;
	s0 =	simm.s32 @!p2 $0x0  }
0x16: {  	s3 =	sld [smem:$0x3FDB];
	s0 =	simm.s32 @p2 $0x1  }
0x17: {  	s4 =	simm.s32 $0x1BF5;
	[smem:$0x3FB5] =	sst s0  }
0x18: {  	s0 =	sld [smem:$0x3F98];
	_ =	swait.ge [sflag:s4], $0x0  }
0x19: {  	s7 =	sld [smem:$0x3F99]  }
0x1a: {  	s8 =	sadd.s32 $0xFFFFE003, lr  }
0x1b: {  	s9 =	sadd.s32 $0xFFFFFEF7, lr;
	s5 =	simm.s32 $0xFFFFFFFF;
	p2 =	slt.u32 s8, $0xFFFFF086  }
0x1c: {  	p1 =	slt.u32 s9, $0xF7A;
	s5 =	simm.s32 @!p2 $0x0  }
0x1d: {  	s5 =	simm.s32 @p1 $0x1;
	p0 =	seq.s32 s7, s2  }
0x1e: {  	s7 =	smul.u32 @!p0 $0xF7A, s2;
	p2 =	seq.s32 @!p0 s5, $0x0  }
0x1f: {  	s9 =	smul.u32 $0xF7A, s1;
	s8 =	simm.s32 @!p0 $0x1BF5;
	p2 =	por !p2, p0  }
0x20: {  	[sflag:s8] =	ssyncset.s32 @!p0 $0xFFFFF086;
	s6 =	sadd.s32 @!p0 s3, s7;
	s7 =	simm.s32 @!p0 $0x108  }
0x21: {  	s3 =	sadd.s32 s3, s9;
	s6 =	sadd.s32 @!p0 $0x88, s6;
	s7 =	simm.s32 @p2 $0x1082  }
0x22: {  	[simem:s7], [sflag:s8] =	dma.local @!p0 [hbm:s6], $0xF7A  }
0x23: {  	s9 =	sor.u32 $0xD0000000, s2;
	s6 =	simm.s32 $0x108;
	_ =	swait.ge @!p0 [sflag:s8], $0x0  }
0x24: {  	s3 =	sadd.s32 $0x88, s3;
	s6 =	simm.s32 @!p1 $0x1082;
	[sflag:s4] =	ssyncset.s32 $0xFFFFF086  }
0x25: {  	[simem:s6], [sflag:s4] =	dma.local [hbm:s3], $0xF7A  }
0x26: {  	[smem:$0x3F99] =	sst s1;
	(tag) =	ssettag s2;
	_ =	strace s9  }
0x27: {  	s1 =	sld [smem:$0x3FA9]  }
0x28: {  	s2 =	sld [smem:$0x3FAA]  }
0x29: {  	s4 =	sld [smem:$0x3FAC]  }
0x2a: {  	p0 =	seq.s32 s5, $0x0;
	s5 =	sld [smem:$0x3FAD]  }
0x2b: {  	s6 =	sld [smem:$0x3FAE]  }
0x2c: {  	s7 =	sld [smem:$0x3FAF]  }
0x2d: {  	s3 =	simm.s32 $0x108;
	s8 =	sld [smem:$0x3FB0]  }
0x2e: {  	s3 =	simm.s32 @!p0 $0x1082;
	s9 =	sld [smem:$0x3FB1]  }
0x2f: {  	lr =	sadd.s32 s0, s3;
	s0 =	sld [smem:$0x3FA8]  }
0x30: {  	s3 =	sld [smem:$0x3FAB]  }
0x31: {  	[smem:$0x3FB4] =	sst s10  }
0x32: {  	s10 =	sld [smem:$0x3FB2];
	_ =	sdelay $0x3  }
0x33: {  	p0 =	seq.s32 s10, $0x1;
	s10 =	sld [smem:$0x3FB4];
	_ =	sdelay $0x3  }
0x34: {  	[smem:$0x3FB4] =	sst s10  }
0x35: {  	s10 =	sld [smem:$0x3FB3];
	_ =	sdelay $0x3  }
0x36: {  	p1 =	seq.s32 s10, $0x1;
	s10 =	sld [smem:$0x3FB4];
	_ =	sdelay $0x3  }
0x37: {  	[smem:$0x3FB4] =	sst s10  }
0x38: {  	s10 =	sld [smem:$0x3FB5]  }
0x39: {  	_ = 	snop;
	(pc) =	sbr.ind lr, $3  }
0x3a: {  	_ = 	snop  }
0x3b: {  	_ = 	snop  }
0x3c: {  	p2 =	seq.s32 s10, $0x1;
	s10 =	sld [smem:$0x3FB4]  }
0x3d: {  	_ =	shalt  }
0x3e: {  	_ =	shalt  }
0x3f: {  	_ =	shalt  }
0x40: {  	_ =	shalt  }
0x41: {  	_ =	shalt  }
0x42: {  	_ =	shalt  }
0x43: {  	_ =	shalt  }
0x44: {  	_ =	shalt  }
0x45: {  	_ =	shalt  }
0x46: {  	_ =	shalt  }
0x47: {  	_ =	shalt  }
0x48: {  	_ =	shalt  }
0x49: {  	_ =	shalt  }
0x4a: {  	_ =	shalt  }
0x4b: {  	_ =	shalt  }
0x4c: {  	_ =	shalt  }
0x4d: {  	_ =	shalt  }
0x4e: {  	_ =	shalt  }
0x4f: {  	_ =	shalt  }
0x50: {  	_ =	shalt  }
0x51: {  	_ =	shalt  }
0x52: {  	_ =	shalt  }
0x53: {  	_ =	shalt  }
0x54: {  	_ =	shalt  }
0x55: {  	_ =	shalt  }
0x56: {  	_ =	shalt  }
0x57: {  	_ =	shalt  }
0x58: {  	_ =	shalt  }
0x59: {  	_ =	shalt  }
0x5a: {  	_ =	shalt  }
0x5b: {  	_ =	shalt  }
0x5c: {  	_ =	shalt  }
0x5d: {  	_ =	shalt  }
0x5e: {  	_ =	shalt  }
0x5f: {  	_ =	shalt  }
0x60: {  	_ =	shalt  }
0x61: {  	_ =	shalt  }
0x62: {  	_ =	shalt  }
0x63: {  	_ =	shalt  }
0x64: {  	_ =	shalt  }
0x65: {  	_ =	shalt  }
0x66: {  	_ =	shalt  }
0x67: {  	_ =	shalt  }
0x68: {  	_ =	shalt  }
0x69: {  	_ =	shalt  }
0x6a: {  	_ =	shalt  }
0x6b: {  	_ =	shalt  }
0x6c: {  	_ =	shalt  }
0x6d: {  	_ =	shalt  }
0x6e: {  	_ =	shalt  }
0x6f: {  	_ =	shalt  }
0x70: {  	_ =	shalt  }
0x71: {  	_ =	shalt  }
0x72: {  	_ =	shalt  }
0x73: {  	_ =	shalt  }
0x74: {  	_ =	shalt  }
0x75: {  	_ =	shalt  }
0x76: {  	_ =	shalt  }
0x77: {  	_ =	shalt  }
0x78: {  	_ =	shalt  }
0x79: {  	_ =	shalt  }
0x7a: {  	_ =	shalt  }
0x7b: {  	_ =	shalt  }
0x7c: {  	_ =	shalt  }
0x7d: {  	_ =	shalt  }
0x7e: {  	_ =	shalt  }
0x7f: {  	_ =	shalt  }
0x80: {  	_ =	shalt  }
0x81: {  	_ =	shalt  }
0x82: {  	_ =	shalt  }
0x83: {  	_ =	shalt  }
0x84: {  	_ =	shalt  }
0x85: {  	_ =	shalt  }
0x86: {  	_ =	shalt  }
0x87: {  	_ =	shalt  }
.Lfunc_end0:
.L_simem_size_0:
called_computation_lowered:
.L_overlay_start_0:
0x88: {  	s2 =	sld [smem:$0x3FD9]  }
0x89: {  	s3 =	sld [smem:$0x3FFE];
	_ =	sdelay $0x1  }
0x8a: {  	s1 =	srdreg.scid  }
0x8b: {  	s0 =	sand.u32 $0x1, s1  }
0x8c: {  	s16 =	sshll.u32 s0, $0xA;
	s2 =	sadd.s32 s3, s2  }
0x8d: {  	s2 =	sadd.s32 s2, s16  }
0x8e: {  	[smem:$0x3FC0] =	sst s2  }
0x8f: {  	_ = 	snop  }
0x90: {  	(tm) =	ssettm $0x1  }
0x91: {  	s17 =	sld [smem:$0x3FFB];
	_ =	sdelay $0x3  }
0x92: {  	_ =	strace s17  }
0x93: {  	s2 =	sld [smem:$0x3FFC];
	_ =	sdelay $0x3  }
0x94: {  	_ =	strace s2  }
0x95: {  	s2 =	sld [smem:$0x3FFD];
	_ =	sdelay $0x3  }
0x96: {  	_ =	strace s2  }
0x97: {  	_ =	strace $0x8FFFFFFF  }
0x98: {  	s18 =	sld [smem:$0x3FDB];
	_ =	sdelay $0x1  }
0x99: {  	s19 =	simm.s32 $_scs_section_size  }
0x9a: {  	s4 =	simm.s32 $_size__tile_overlayer_lowered;
	s5 =	simm.s32 $_tile_overlayer_lowered  }
0x9b: {  	s22 =	simm.s32 $0x1BFF;
	s21 =	sshll.u32 s5, $0x1;
	s2 =	sadd.s32 s19, s18  }
0x9c: {  	s6 =	simm.s32 $0x0;
	s20 =	sshll.u32 s4, $0x1;
	s4 =	sadd.s32 s21, s2  }
0x9d: {  	[timem:s6], [sflag:s22] =	dma.local [hbm:s4], s20  }
0x9e: {  	_ =	swait.ge [sflag:s22], s20  }
0x9f: {  	s3 =	ssub.s32 $0x0, s20;
	[sflag:s22] =	ssyncset.done $0x0  }
0xa0: {  	[sflag:s22] =	ssyncadd.s32 s3;
	_ =	sdelay $0x1  }
0xa1: {  	s23 =	simm.s32 $0x1B8B  }
0xa2: {  	_ =	swait.ge [sflag:s23], $0x1  }
0xa3: {  	[sflag:s23] =	ssyncset.done $0x0  }
0xa4: {  	s25 =	simm.s32 $0x1B8E;
	s24 =	sld [smem:$0x3FFE];
	[sflag:s23] =	ssyncadd.s32 $0xFFFFFFFF  }
0xa5: {  	s26 =	simm.s32 $execute0_lowered;
	[smem:$0x3FD2] =	sst s25  }
0xa6: {  	s4 =	sshll.u32 s26, $0x1;
	_ =	strace $0x80000046;
	[dreg:$0x1] =	wrdreg $0xFFFFFFFF  }
0xa7: {  	s28 =	simm.s32 $_size_execute0_lowered;
	s2 =	sadd.s32 s2, s4;
	[dreg:$0x0] =	wrdreg $0x0  }
0xa8: {  	s4 =	sshll.u32 s28, $0x1;
	[dreg:$0x2] =	wrdreg s2  }
0xa9: {  	[dreg:$0x3] =	wrdreg s4  }
0xaa: {  	[dreg:$0x4] =	wrdreg $0xC0  }
0xab: {  	_ =	task [dreg:s6], $0x5FFFF  }
0xac: {  	[dreg:$0x1] =	wrdreg $0xFFFFFFFF  }
0xad: {  	[dreg:$0x0] =	wrdreg $0x60  }
0xae: {  	[dreg:$0x2] =	wrdreg s24  }
0xaf: {  	[dreg:$0x3] =	wrdreg $0x0  }
0xb0: {  	[dreg:$0x4] =	wrdreg $0x9  }
0xb1: {  	_ =	task.clear_ibuf [dreg:s6], $0x5FFFF;
	_ =	strace $0x90000046  }
0xb2: {  	s29 =	simm.s32 $0x9;
	_ =	strace $0x80000048  }
0xb3: {  	_ =	swait.ge [sflag:s29], $0x1  }
0xb4: {  	[sflag:s29] =	ssyncadd.s32 $0xFFFFFFFF  }
0xb5: {  	_ =	strace $0x90000048  }
0xb6: {  	_ =	sfence  }
0xb7: {  	s30 =	sld [smem:$0x0];
	_ =	sdelay $0x2  }
0xb8: {  	s31 =	sshll.u32 s1, $0xD;
	s1 =	sshrl.u32 s1, $0x2  }
0xb9: {  	s3 =	sand.u32 $0x4000, s31;
	s1 =	sadd.s32 s1, s30  }
0xba: {  	s0 =	sor.u32 s3, s0;
	s1 =	sshll.u32 s1, $0x11  }
0xbb: {  	s0 =	sor.u32 s1, s0  }
0xbc: {  	s0 =	sadd.s32 $0x8F2B, s0  }
0xbd: {  	[sflag:s0] =	ssyncadd.remote.s32 $0x1  }
0xbe: {  	_ =	sfence.sel $0xFFFF  }
0xbf: {  	[dreg:$0x0] =	wrdreg $0xFFFFFFFF;
	(pc) =	sbr.abs _section_cstart, $3  }
0xc0: {  	[dreg:$0x1] =	wrdreg $0xFFFFFFFF  }
0xc1: {  	_ =	task.clear_ibuf [dreg:s6], $0x2FFFF;
	_ =	strace $0x9FFFFFFF  }
0xc2: {  	(tm) =	ssettm $0x7FFFFFFF  }
0xc3: {  	_ =	shalt  }
tec
execute0_lowered:
.L_overlay_start_1:
0x0: {  	(tag) =	ssettag $0x1  }
0x1: {  	s4 =	rddreg [dreg:$0x0]  }
0x2: {  	s2 =	rddreg [dreg:$0x1]  }
0x3: {  	s0 =	srdreg.scid;
	s1 =	rddreg [dreg:$0x2]  }
0x4: {  	s3 =	simm.s32 $0x0;
	s12 =	simm.s32 $0x6F80;
	s13 =	simm.s32 $0x1  }
0x5: {  	s14 =	simm.s32 $0x2780;
	s15 =	simm.s32 $0x80;
	s16 =	simm.s32 $0x2B80  }
0x6: {  	s17 =	simm.s32 $0x2F80;
	s18 =	simm.s32 $0x2C00;
	s5 =	sand.u32 $0x1, s0  }
0x7: {  	s19 =	simm.s32 $0x2C80;
	s0 =	stileid.u32;
	s6 =	smul.u32 $0x50000, s5  }
0x8: {  	s20 =	simm.s32 $0x2D00;
	s21 =	simm.s32 $0x2D80;
	s7 =	smul.u32 $0x5000, s0  }
0x9: {  	s22 =	simm.s32 $0x2E00;
	s23 =	simm.s32 $0x2E80;
	s8 =	smul.u32 $0x13C000, s5  }
0xa: {  	s24 =	simm.s32 $0x2F00;
	s25 =	simm.s32 $0x0;
	s26 =	smul.u32 $0x13C00, s0  }
0xb: {  	[smem:$0x7FF] =	sst s3;
	s9 =	smul.u32 $0x4F000, s0;
	s5 =	ssub.s32 $0x2, s5  }
0xc: {  	_ =	strace $0x80000047;
	s29 =	sshrl.u32 s5, $0x1;
	s6 =	sadd.s32 s7, s6  }
0xd: {  	s28 =	sadd.s32 s26, s8;
	s30 =	sshrl.u32 s9, $0x2;
	s6 =	sshrl.u32 s6, $0x3  }
0xe: {  	s10 =	ssub.s32 s5, s29;
	s11 =	sadd.s32 s6, s4;
	s6 =	sshrl.u32 s28, $0x3  }
0xf: {  	s10 =	smax.u32 s10, $0x1;
	s31 =	sadd.s32 s6, s4;
	s4 =	sadd.s32 s30, s2  }
0x10: {  	s11 =	sadd.s32 $0x2400, s11;
	s5 =	sadd.s32 $0x4000, s4;
	s6 =	sadd.s32 $0x8000, s4  }
0x11: {  	v0 =	vimm.f32 $1.000000000e+00;
	v1 =	vimm.f32 $0.0e+00;
	s7 =	sadd.s32 $0xC000, s4;
	s8 =	sadd.s32 $0x10000, s4;
	s9 =	sadd.s32 $0x16400, s31  }
.LBB2_1:
0x12: {  	s26 =	simm.s32 $0x0  }
.LBB2_2:
0x13: {  	p0 =	sne.s32 s26, $0xFE00  }
.Ltmp0:
0x14: {  	_ = 	snop;
	(pc) =	sbr.rel @p0 .LBB2_2-.Ltmp0, $3  }
0x15: {  	_ =	sdelay $0x1  }
0x16: {  	s28 =	sshra.s32 s26, $0x2  }
0x17: {  	s26 =	sadd.s32 $0x200, s26;
	[tilespmem:s28+$0x2F80] =	vst v0  }
0x18: {  	s26 =	simm.s32 $0x200;
	s28 =	simm.s32 $0x0  }
.LBB2_4:
0x19: {  	p0 =	sne.s32 s26, $0xFE00;
	[tilespmem:s28+$0x6F80] =	vst v1;
	s28 =	smov.u32 s26;
	s26 =	sadd.s32 $0x200, s26  }
.Ltmp1:
0x1a: {  	(pc) =	sbr.rel @p0 .LBB2_4-.Ltmp1, $2  }
0x1b: {  	_ =	sdelay $0x2  }
0x1c: {  	s28 =	sshra.s32 s28, $0x2  }
0x1d: {  	[tilespmem:s28+$0x6F80] =	vst v1  }
0x1e: {  	[spmem:s4] =	stream.linear.scatter [tilespmem:s12], [sflag:$0x1], $0x4000, $0x38;
	[tilespmem:$0xAF80] =	vst v63  }
0x1f: {  	_ =	swait.ge [sflag:s13], $0x4000  }
0x20: {  	[sflag:s13] =	ssyncset.done $0x0  }
0x21: {  	[sflag:s13] =	ssyncadd.s32 $0xFFFFC000  }
0x22: {  	[spmem:s5] =	stream.linear.scatter [tilespmem:s12], [sflag:$0x1], $0x4000, $0x38;
	[tilespmem:$0xAF80] =	vst v63  }
0x23: {  	_ =	swait.ge [sflag:s13], $0x4000  }
0x24: {  	[sflag:s13] =	ssyncset.done $0x0  }
0x25: {  	[sflag:s13] =	ssyncadd.s32 $0xFFFFC000  }
0x26: {  	[spmem:s6] =	stream.linear.scatter [tilespmem:s12], [sflag:$0x1], $0x4000, $0x38;
	[tilespmem:$0xAF80] =	vst v63  }
0x27: {  	_ =	swait.ge [sflag:s13], $0x4000  }
0x28: {  	[sflag:s13] =	ssyncset.done $0x0  }
0x29: {  	[sflag:s13] =	ssyncadd.s32 $0xFFFFC000  }
0x2a: {  	[spmem:s7] =	stream.linear.scatter [tilespmem:s12], [sflag:$0x1], $0x4000, $0x38;
	[tilespmem:$0xAF80] =	vst v63  }
0x2b: {  	_ =	swait.ge [sflag:s13], $0x4000  }
0x2c: {  	[sflag:s13] =	ssyncset.done $0x0  }
0x2d: {  	[sflag:s13] =	ssyncadd.s32 $0xFFFFC000  }
0x2e: {  	[spmem:s8] =	stream.linear.scatter [tilespmem:s12], [sflag:$0x1], $0x3C00, $0x38;
	[tilespmem:$0xAF80] =	vst v63  }
0x2f: {  	_ =	swait.ge [sflag:s13], $0x3C00  }
0x30: {  	[sflag:s13] =	ssyncset.done $0x0  }
0x31: {  	[sflag:s13] =	ssyncadd.s32 $0xFFFFC400  }
0x32: {  	s26 =	sadd.s32 $0x0, s11;
	[bflag:$0x0] =	sbarrier.arrive $0xFFFF  }
0x33: {  	[tilespmem:s14], [sflag:$0x1] =	stream.linear.gather [hbm4b:s26+s3], $0x800, $0x38;
	[tilespmem:$0xAF80] =	vst v63  }
0x34: {  	_ =	swait.ge [sflag:s13], $0x800  }
0x35: {  	[sflag:s13] =	ssyncset.done $0x0  }
0x36: {  	[sflag:s13] =	ssyncadd.s32 $0xFFFFF800  }
0x37: {  	[spmem:s2] =	stream.indirect.scatter.add.f32 [tilespmem:s17], [sflag:$0x1], $0x10, s16, s15, $0xb8;
	[tilespmem:$0xAF80] =	vst v63  }
0x38: {  	_ =	swait.ge [sflag:s13], $0x800  }
0x39: {  	[sflag:s13] =	ssyncset.done $0x0  }
0x3a: {  	[sflag:s13] =	ssyncadd.s32 $0xFFFFF800  }
0x3b: {  	[spmem:s2] =	stream.indirect.scatter.add.f32 [tilespmem:s17], [sflag:$0x1], $0x10, s18, s15, $0xb8;
	[tilespmem:$0xAF80] =	vst v63  }
0x3c: {  	_ =	swait.ge [sflag:s13], $0x800  }
0x3d: {  	[sflag:s13] =	ssyncset.done $0x0  }
0x3e: {  	[sflag:s13] =	ssyncadd.s32 $0xFFFFF800  }
0x3f: {  	[spmem:s2] =	stream.indirect.scatter.add.f32 [tilespmem:s17], [sflag:$0x1], $0x10, s19, s15, $0xb8;
	[tilespmem:$0xAF80] =	vst v63  }
0x40: {  	_ =	swait.ge [sflag:s13], $0x800  }
0x41: {  	[sflag:s13] =	ssyncset.done $0x0  }
0x42: {  	[sflag:s13] =	ssyncadd.s32 $0xFFFFF800  }
0x43: {  	[spmem:s2] =	stream.indirect.scatter.add.f32 [tilespmem:s17], [sflag:$0x1], $0x10, s20, s15, $0xb8;
	[tilespmem:$0xAF80] =	vst v63  }
0x44: {  	_ =	swait.ge [sflag:s13], $0x800  }
0x45: {  	[sflag:s13] =	ssyncset.done $0x0  }
0x46: {  	[sflag:s13] =	ssyncadd.s32 $0xFFFFF800  }
0x47: {  	[spmem:s2] =	stream.indirect.scatter.add.f32 [tilespmem:s17], [sflag:$0x1], $0x10, s21, s15, $0xb8;
	[tilespmem:$0xAF80] =	vst v63  }
0x48: {  	_ =	swait.ge [sflag:s13], $0x800  }
0x49: {  	[sflag:s13] =	ssyncset.done $0x0  }
0x4a: {  	[sflag:s13] =	ssyncadd.s32 $0xFFFFF800  }
0x4b: {  	[spmem:s2] =	stream.indirect.scatter.add.f32 [tilespmem:s17], [sflag:$0x1], $0x10, s22, s15, $0xb8;
	[tilespmem:$0xAF80] =	vst v63  }
0x4c: {  	_ =	swait.ge [sflag:s13], $0x800  }
0x4d: {  	[sflag:s13] =	ssyncset.done $0x0  }
0x4e: {  	[sflag:s13] =	ssyncadd.s32 $0xFFFFF800  }
0x4f: {  	[spmem:s2] =	stream.indirect.scatter.add.f32 [tilespmem:s17], [sflag:$0x1], $0x10, s23, s15, $0xb8;
	[tilespmem:$0xAF80] =	vst v63  }
0x50: {  	_ =	swait.ge [sflag:s13], $0x800  }
0x51: {  	[sflag:s13] =	ssyncset.done $0x0  }
0x52: {  	[sflag:s13] =	ssyncadd.s32 $0xFFFFF800  }
0x53: {  	[spmem:s2] =	stream.indirect.scatter.add.f32 [tilespmem:s17], [sflag:$0x1], $0x10, s24, s15, $0xb8;
	[tilespmem:$0xAF80] =	vst v63  }
0x54: {  	_ =	swait.ge [sflag:s13], $0x800  }
0x55: {  	s29 =	simm.s32 $0x200;
	s26 =	simm.s32 $0x100;
	[sflag:s13] =	ssyncset.done $0x0  }
.LBB2_6:
0x56: {  	s30 =	sadd.s32 s26, s11  }
0x57: {  	[sflag:s13] =	ssyncadd.s32 $0xFFFFF800;
	s26 =	smov.u32 s29;
	s28 =	sadd.s32 $0x100, s29  }
0x58: {  	[tilespmem:s14], [sflag:$0x1] =	stream.linear.gather [hbm4b:s30+s3], $0x800, $0x38;
	[tilespmem:$0xAF80] =	vst v63  }
0x59: {  	p0 =	sne.s32 s29, $0x900;
	_ =	swait.ge [sflag:s13], $0x800  }
0x5a: {  	[sflag:s13] =	ssyncset.done $0x0  }
0x5b: {  	[sflag:s13] =	ssyncadd.s32 $0xFFFFF800  }
0x5c: {  	[spmem:s2] =	stream.indirect.scatter.add.f32 [tilespmem:s17], [sflag:$0x1], $0x10, s16, s15, $0xb8;
	[tilespmem:$0xAF80] =	vst v63  }
0x5d: {  	_ =	swait.ge [sflag:s13], $0x800  }
0x5e: {  	[sflag:s13] =	ssyncset.done $0x0  }
0x5f: {  	[sflag:s13] =	ssyncadd.s32 $0xFFFFF800  }
0x60: {  	[spmem:s2] =	stream.indirect.scatter.add.f32 [tilespmem:s17], [sflag:$0x1], $0x10, s18, s15, $0xb8;
	[tilespmem:$0xAF80] =	vst v63  }
0x61: {  	_ =	swait.ge [sflag:s13], $0x800  }
0x62: {  	[sflag:s13] =	ssyncset.done $0x0  }
0x63: {  	[sflag:s13] =	ssyncadd.s32 $0xFFFFF800  }
0x64: {  	[spmem:s2] =	stream.indirect.scatter.add.f32 [tilespmem:s17], [sflag:$0x1], $0x10, s19, s15, $0xb8;
	[tilespmem:$0xAF80] =	vst v63  }
0x65: {  	_ =	swait.ge [sflag:s13], $0x800  }
0x66: {  	[sflag:s13] =	ssyncset.done $0x0  }
0x67: {  	[sflag:s13] =	ssyncadd.s32 $0xFFFFF800  }
0x68: {  	[spmem:s2] =	stream.indirect.scatter.add.f32 [tilespmem:s17], [sflag:$0x1], $0x10, s20, s15, $0xb8;
	[tilespmem:$0xAF80] =	vst v63  }
0x69: {  	_ =	swait.ge [sflag:s13], $0x800  }
0x6a: {  	[sflag:s13] =	ssyncset.done $0x0  }
0x6b: {  	[sflag:s13] =	ssyncadd.s32 $0xFFFFF800  }
0x6c: {  	[spmem:s2] =	stream.indirect.scatter.add.f32 [tilespmem:s17], [sflag:$0x1], $0x10, s21, s15, $0xb8;
	[tilespmem:$0xAF80] =	vst v63  }
0x6d: {  	_ =	swait.ge [sflag:s13], $0x800  }
0x6e: {  	[sflag:s13] =	ssyncset.done $0x0  }
0x6f: {  	[sflag:s13] =	ssyncadd.s32 $0xFFFFF800  }
0x70: {  	[spmem:s2] =	stream.indirect.scatter.add.f32 [tilespmem:s17], [sflag:$0x1], $0x10, s22, s15, $0xb8;
	[tilespmem:$0xAF80] =	vst v63  }
0x71: {  	_ =	swait.ge [sflag:s13], $0x800  }
0x72: {  	[sflag:s13] =	ssyncset.done $0x0  }
0x73: {  	[sflag:s13] =	ssyncadd.s32 $0xFFFFF800  }
0x74: {  	[spmem:s2] =	stream.indirect.scatter.add.f32 [tilespmem:s17], [sflag:$0x1], $0x10, s23, s15, $0xb8;
	[tilespmem:$0xAF80] =	vst v63  }
0x75: {  	_ =	swait.ge [sflag:s13], $0x800  }
.Ltmp2:
0x76: {  	[sflag:s13] =	ssyncset.done $0x0;
	(pc) =	sbr.rel @p0 .LBB2_6-.Ltmp2, $4  }
0x77: {  	[sflag:s13] =	ssyncadd.s32 $0xFFFFF800  }
0x78: {  	[spmem:s2] =	stream.indirect.scatter.add.f32 [tilespmem:s17], [sflag:$0x1], $0x10, s24, s15, $0xb8;
	[tilespmem:$0xAF80] =	vst v63  }
0x79: {  	_ =	swait.ge [sflag:s13], $0x800  }
0x7a: {  	s29 =	smov.u32 s28;
	[sflag:s13] =	ssyncset.done $0x0  }
0x7b: {  	s26 =	sadd.s32 s26, s11;
	[sflag:s13] =	ssyncadd.s32 $0xFFFFF800  }
0x7c: {  	[tilespmem:s14], [sflag:$0x1] =	stream.linear.gather [hbm4b:s26+s3], $0x800, $0x38;
	[tilespmem:$0xAF80] =	vst v63  }
0x7d: {  	_ =	swait.ge [sflag:s13], $0x800  }
0x7e: {  	[sflag:s13] =	ssyncset.done $0x0  }
0x7f: {  	[sflag:s13] =	ssyncadd.s32 $0xFFFFF800  }
0x80: {  	[spmem:s2] =	stream.indirect.scatter.add.f32 [tilespmem:s17], [sflag:$0x1], $0x10, s16, s15, $0xb8;
	[tilespmem:$0xAF80] =	vst v63  }
0x81: {  	_ =	swait.ge [sflag:s13], $0x800  }
0x82: {  	[sflag:s13] =	ssyncset.done $0x0  }
0x83: {  	[sflag:s13] =	ssyncadd.s32 $0xFFFFF800  }
0x84: {  	[spmem:s2] =	stream.indirect.scatter.add.f32 [tilespmem:s17], [sflag:$0x1], $0x10, s18, s15, $0xb8;
	[tilespmem:$0xAF80] =	vst v63  }
0x85: {  	_ =	swait.ge [sflag:s13], $0x800  }
0x86: {  	[sflag:s13] =	ssyncset.done $0x0  }
0x87: {  	[sflag:s13] =	ssyncadd.s32 $0xFFFFF800  }
0x88: {  	[spmem:s2] =	stream.indirect.scatter.add.f32 [tilespmem:s17], [sflag:$0x1], $0x10, s19, s15, $0xb8;
	[tilespmem:$0xAF80] =	vst v63  }
0x89: {  	_ =	swait.ge [sflag:s13], $0x800  }
0x8a: {  	[sflag:s13] =	ssyncset.done $0x0  }
0x8b: {  	[sflag:s13] =	ssyncadd.s32 $0xFFFFF800  }
0x8c: {  	[spmem:s2] =	stream.indirect.scatter.add.f32 [tilespmem:s17], [sflag:$0x1], $0x10, s20, s15, $0xb8;
	[tilespmem:$0xAF80] =	vst v63  }
0x8d: {  	_ =	swait.ge [sflag:s13], $0x800  }
0x8e: {  	[sflag:s13] =	ssyncset.done $0x0  }
0x8f: {  	[sflag:s13] =	ssyncadd.s32 $0xFFFFF800  }
0x90: {  	[spmem:s2] =	stream.indirect.scatter.add.f32 [tilespmem:s17], [sflag:$0x1], $0x10, s21, s15, $0xb8;
	[tilespmem:$0xAF80] =	vst v63  }
0x91: {  	_ =	swait.ge [sflag:s13], $0x800  }
0x92: {  	[sflag:s13] =	ssyncset.done $0x0  }
0x93: {  	[sflag:s13] =	ssyncadd.s32 $0xFFFFF800  }
0x94: {  	[spmem:s2] =	stream.indirect.scatter.add.f32 [tilespmem:s17], [sflag:$0x1], $0x10, s22, s15, $0xb8;
	[tilespmem:$0xAF80] =	vst v63  }
0x95: {  	_ =	swait.ge [sflag:s13], $0x800  }
0x96: {  	[sflag:s13] =	ssyncset.done $0x0  }
0x97: {  	[sflag:s13] =	ssyncadd.s32 $0xFFFFF800  }
0x98: {  	[spmem:s2] =	stream.indirect.scatter.add.f32 [tilespmem:s17], [sflag:$0x1], $0x10, s23, s15, $0xb8;
	[tilespmem:$0xAF80] =	vst v63  }
0x99: {  	_ =	swait.ge [sflag:s13], $0x800  }
0x9a: {  	[sflag:s13] =	ssyncset.done $0x0  }
0x9b: {  	[sflag:s13] =	ssyncadd.s32 $0xFFFFF800  }
0x9c: {  	[spmem:s2] =	stream.indirect.scatter.add.f32 [tilespmem:s17], [sflag:$0x1], $0x10, s24, s15, $0xb8;
	[tilespmem:$0xAF80] =	vst v63  }
0x9d: {  	_ =	swait.ge [sflag:s13], $0x800  }
0x9e: {  	s31 =	sshll.u32 s0, $0x6;
	s25 =	sadd.s32 $0x1, s25;
	[sflag:s13] =	ssyncset.done $0x0  }
0x9f: {  	s28 =	sshrl.u32 s4, $0x3;
	p0 =	sne.s32 s25, s10;
	[sflag:s13] =	ssyncadd.s32 $0xFFFFF800  }
.Ltmp3:
0xa0: {  	s26 =	sor.u32 $0x1C01, s31;
	[bflag:$0x0] =	sbarrier.arrive $0xFFFF;
	(pc) =	sbr.rel @p0 .LBB2_1-.Ltmp3, $4  }
0xa1: {  	[hbm:s9], [sflag:s26] =	dma.local [spmem:s28], $0x2780  }
0xa2: {  	_ =	swait.ge [sflag:s13], $0x2780  }
0xa3: {  	[sflag:s13] =	ssyncset.done $0x0  }
0xa4: {  	[sflag:s13] =	ssyncadd.s32 $0xFFFFD880  }
0xa5: {  	_ =	sfence.sel $0x180000  }
0xa6: {  	[bflag:$0x0] =	sbarrier.arrive $0xFFFF  }
0xa7: {  	p0 =	sne.s32 s0, $0x0;
	_ =	strace $0x90000047  }
0xa8: {  	s0 =	sadd.s32 @!p0 $0x100000, s1;
	[bflag:$0x2] =	sbarrier.arrive $0xFFFF  }
0xa9: {  	[sflag:s0] =	ssyncadd.tile.s32 @!p0 $0x1;
	_ =	shalt  }
.Lfunc_end2:
_tile_overlayer_lowered:
.L_overlay_start_2:
0xaa: {  	(tag) =	ssettag $0x2  }
0xab: {  	s0 =	rddreg [dreg:$0x0];
	s2 =	stileid.u32  }
0xac: {  	s1 =	rddreg [dreg:$0x1];
	p0 =	sne.s32 s2, $0x0  }
0xad: {  	s3 =	rddreg [dreg:$0x2];
	[bflag:$0x3] =	sbarrier.arrive $0xFFFF;
	s2 =	simm.s32 @!p0 $0x1C01  }
0xae: {  	[timem:s3], [sflag:s2] =	dma.local @!p0 [hbm:s0], s1  }
0xaf: {  	s0 =	simm.s32 @!p0 $0x1  }
0xb0: {  	_ =	swait.ge @!p0 [sflag:s0], s1  }
0xb1: {  	s1 =	ssub.s32 @!p0 $0x0, s1;
	[sflag:s0] =	ssyncset.done @!p0 $0x0  }
0xb2: {  	[sflag:s0] =	ssyncadd.s32 @!p0 s1  }
0xb3: {  	[bflag:$0x3] =	sbarrier.arrive $0xFFFF  }
0xb4: {  	_ =	shalt  }

</sc_bundles>
